<compile_context>
chip_gen: v7x
topology: tpu7x:2x2x1
jax: 0.10.2.dev20260603
libtpu: 0.0.44.dev20260713+nightly
codegen_flags: <defaults>
</compile_context>

<pallas_src>
import functools

import jax
import jax.numpy as jnp
import numpy as np
from jax import lax
from jax.experimental import pallas as pl
from jax.experimental.pallas import tpu as pltpu
from jax.experimental.pallas import tpu_sc as plsc

N = 10000
NP = 10240
NF = NP // 128
D = 128
E = 320000
NT = 32
EPT = 10240
CH = 128
NCH = EPT // CH
RPT = NP // 16
K0 = 6000
K1 = 3600
INT_MIN = np.int32(-2147483648)
HI_P = lax.Precision.HIGHEST


@functools.cache
def _build_segsum_rows():
    mesh = plsc.VectorSubcoreMesh(core_axis_name="c", subcore_axis_name="s")

    @functools.partial(
        pl.kernel,
        mesh=mesh,
        out_type=jax.ShapeDtypeStruct((2 * NP, D), jnp.float32),
        scratch_types=[
            pltpu.VMEM((CH,), jnp.int32),
            pltpu.VMEM((CH,), jnp.int32),
            pltpu.VMEM((CH, D), jnp.float32),
            pltpu.VMEM_SHARED((NP, D), jnp.float32),
            pltpu.SemaphoreType.DMA,
        ],
    )
    def segsum_rows(h_hbm, src_hbm, dst_hbm, zeros_hbm, out_hbm, sidx, didx,
                    rows, acc, sem):
        c = lax.axis_index("c")
        s = lax.axis_index("s")
        wid = s * 2 + c
        base = wid * EPT
        pltpu.sync_copy(zeros_hbm, acc.at[pl.ds(s * RPT, RPT), :])
        plsc.subcore_barrier()

        def body(i, carry):
            off = base + i * CH
            pltpu.sync_copy(src_hbm.at[pl.ds(off, CH)], sidx)
            pltpu.sync_copy(dst_hbm.at[pl.ds(off, CH)], didx)
            pltpu.async_copy(h_hbm.at[sidx], rows, sem).wait()
            pltpu.sync_copy(rows, acc.at[didx], add=True)
            return carry

        lax.fori_loop(0, NCH, body, 0)
        plsc.subcore_barrier()
        pltpu.sync_copy(acc.at[pl.ds(s * RPT, RPT), :],
                        out_hbm.at[pl.ds(c * NP + s * RPT, RPT), :])

    return segsum_rows


@functools.cache
def _build_segsum_scal():
    mesh = plsc.VectorSubcoreMesh(core_axis_name="c", subcore_axis_name="s")

    @functools.partial(
        pl.kernel,
        mesh=mesh,
        out_type=jax.ShapeDtypeStruct((2, NP), jnp.float32),
        scratch_types=[
            pltpu.VMEM((2 * NCH, CH), jnp.int32),
            pltpu.VMEM((2, CH), jnp.float32),
            pltpu.VMEM_SHARED((NP,), jnp.float32),
            pltpu.SemaphoreType.DMA,
            pltpu.SemaphoreType.DMA,
        ],
    )
    def segsum_scal(v_hbm, idx_hbm, zeros_hbm, out_hbm, idx, vals, acc, sem0, sem1):
        c = lax.axis_index("c")
        s = lax.axis_index("s")
        wid = s * 2 + c
        pltpu.sync_copy(idx_hbm.at[wid], idx)
        pltpu.sync_copy(zeros_hbm, acc.at[pl.ds(s * RPT, RPT)])
        pltpu.async_copy(v_hbm.at[idx.at[0]], vals.at[0], sem0)
        pltpu.async_copy(v_hbm.at[idx.at[1]], vals.at[1], sem1)
        plsc.subcore_barrier()

        def body(j, carry):
            i0 = 2 * j
            for b, sem, di in ((0, sem0, i0), (1, sem1, i0 + 1)):
                buf = vals.at[b]
                nxt = jnp.minimum(di + 2, NCH - 1)
                pltpu.make_async_copy(v_hbm.at[idx.at[0]], buf, sem).wait()
                pltpu.sync_copy(buf, acc.at[idx.at[NCH + di]], add=True)
                pltpu.async_copy(v_hbm.at[idx.at[nxt]], buf, sem)
            return carry

        lax.fori_loop(0, NCH // 2, body, 0)
        pltpu.make_async_copy(v_hbm.at[idx.at[0]], vals.at[0], sem0).wait()
        pltpu.make_async_copy(v_hbm.at[idx.at[0]], vals.at[1], sem1).wait()
        plsc.subcore_barrier()
        pltpu.sync_copy(acc.at[pl.ds(s * RPT, RPT)],
                        out_hbm.at[c, pl.ds(s * RPT, RPT)])

    return segsum_scal



def _dot(a, b):
    return jnp.dot(a, b, preferred_element_type=jnp.float32)


def _first_h(x_ref, w_ref, b_ref, out_ref):
    h = jnp.maximum(_dot(x_ref[...], w_ref[...]) + b_ref[...], 0.0)
    out_ref[0:N, :] = h
    out_ref[N:NP, :] = jnp.zeros((NP - N, D), jnp.float32)


RB = 1280
GB = NP // RB


def _gin_mlp(h_ref, a0_ref, a1_ref, alive_ref, wa_ref, ba_ref, wb_ref,
             bb_ref, wroot_ref, wrel_ref, z_ref, zroot_ref, zrm_ref):
    t = h_ref[...] + a0_ref[...] + a1_ref[...]
    u = jnp.maximum(_dot(t, wa_ref[...]) + ba_ref[...], 0.0)
    z = _dot(u, wb_ref[...]) + bb_ref[...]
    z_ref[...] = z
    zroot_ref[...] = _dot(z, wroot_ref[...])
    zrm_ref[...] = _dot(z, wrel_ref[...]) * alive_ref[...]


def _gin_mlp_call(h, a0, a1, alive_c, Wa, ba, Wb, bb, Wroot, Wrel):
    rows = lambda: pl.BlockSpec((RB, D), lambda i: (i, 0))
    col = lambda: pl.BlockSpec((RB, 1), lambda i: (i, 0))
    full = lambda a, b: pl.BlockSpec((a, b), lambda i: (0, 0))
    return pl.pallas_call(
        _gin_mlp,
        grid=(GB,),
        in_specs=[rows(), rows(), rows(), col(),
                  full(D, D), full(1, D), full(D, D), full(1, D),
                  full(D, 1), full(D, 1)],
        out_specs=[rows(), col(), col()],
        out_shape=[jax.ShapeDtypeStruct((NP, D), jnp.float32),
                   jax.ShapeDtypeStruct((NP, 1), jnp.float32),
                   jax.ShapeDtypeStruct((NP, 1), jnp.float32)],
    )(h, a0, a1, alive_c, Wa, ba, Wb, bb, Wroot, Wrel)


def _sortable_key(s):
    b = lax.bitcast_convert_type(s, jnp.int32)
    return jnp.where(b < 0, b ^ np.int32(0x7FFFFFFF), b)


def _select_topk(km_f, k):
    def body(i, lohi):
        lo, hi = lohi
        x = lo ^ hi
        mid = (lo & hi) + (x >> 1) + (x & 1)
        cnt = jnp.sum((km_f >= mid).astype(jnp.int32))
        ok = cnt >= k
        return (jnp.where(ok, mid, lo), jnp.where(ok, hi, mid - 1))

    lo, hi = lax.fori_loop(0, 32, body, (INT_MIN, np.int32(2**31 - 1)))
    t = lo
    need = k - jnp.sum((km_f > t).astype(jnp.int32))
    eq = km_f == t
    fidx = (lax.broadcasted_iota(jnp.int32, (NF, 128), 0) * 128
            + lax.broadcasted_iota(jnp.int32, (NF, 128), 1))

    def body2(i, lohi):
        lo2, hi2 = lohi
        mid = (lo2 + hi2) // 2
        cnt = jnp.sum((eq & (fidx < mid)).astype(jnp.int32))
        ok = cnt >= need
        return (jnp.where(ok, lo2, mid + 1), jnp.where(ok, mid, hi2))

    lo2, _ = lax.fori_loop(0, 15, body2, (np.int32(0), np.int32(NP)))
    return t, lo2


def _make_pool_thresh(k):
    def pool_thresh(ss0_f, ss1_f, zroot_f, alive_f, brel,
                    t_ref, mstar_ref, nm_f_ref):
        s_f = ss0_f[...] + ss1_f[...] + zroot_f[...] + brel[0, 0]
        fidx = (lax.broadcasted_iota(jnp.int32, (NF, 128), 0) * 128
                + lax.broadcasted_iota(jnp.int32, (NF, 128), 1))
        valid_f = (alive_f[...] > 0.0) & (fidx < N)
        km_f = jnp.where(valid_f, _sortable_key(s_f), INT_MIN)
        t, mstar = _select_topk(km_f, k)
        t_ref[...] = jnp.broadcast_to(t, (1, 1))
        mstar_ref[...] = jnp.broadcast_to(mstar, (1, 1))
        nm_f = (km_f > t) | ((km_f == t) & (fidx < mstar))
        nm_f_ref[...] = nm_f.astype(jnp.float32)

    return pl.pallas_call(
        pool_thresh,
        out_shape=[jax.ShapeDtypeStruct((1, 1), jnp.int32),
                   jax.ShapeDtypeStruct((1, 1), jnp.int32),
                   jax.ShapeDtypeStruct((NF, 128), jnp.float32)])


def _pool_apply(z_ref, zroot_c, ss0_c, ss1_c, alive_c, brel, t_ref,
                mstar_ref, h_ref, nm_c_ref, pooled_ref, *, inv_k):
    i = pl.program_id(0)
    s_c = ss0_c[...] + ss1_c[...] + zroot_c[...] + brel[0, 0]
    cidx = i * RB + lax.broadcasted_iota(jnp.int32, (RB, 1), 0)
    valid_c = (alive_c[...] > 0.0) & (cidx < N)
    km_c = jnp.where(valid_c, _sortable_key(s_c), INT_MIN)
    t = t_ref[0, 0]
    mstar = mstar_ref[0, 0]
    nm_c = (km_c > t) | ((km_c == t) & (cidx < mstar))
    factor = jnp.tanh(s_c) * nm_c.astype(jnp.float32)
    h_new = z_ref[...] * factor
    h_ref[...] = h_new
    nm_c_ref[...] = nm_c.astype(jnp.float32)

    @pl.when(i == 0)
    def _():
        pooled_ref[...] = jnp.zeros((1, D), jnp.float32)

    pooled_ref[...] += jnp.sum(h_new, axis=0, keepdims=True) * inv_k


def _pool_apply_call(z, zroot_c, ss0_c, ss1_c, alive_c, brel, t, mstar, k):
    rows = lambda: pl.BlockSpec((RB, D), lambda i: (i, 0))
    col = lambda: pl.BlockSpec((RB, 1), lambda i: (i, 0))
    one = lambda: pl.BlockSpec((1, 1), lambda i: (0, 0))
    return pl.pallas_call(
        functools.partial(_pool_apply, inv_k=np.float32(1.0 / k)),
        grid=(GB,),
        in_specs=[rows(), col(), col(), col(), col(), one(), one(), one()],
        out_specs=[rows(), col(), pl.BlockSpec((1, D), lambda i: (0, 0))],
        out_shape=[jax.ShapeDtypeStruct((NP, D), jnp.float32),
                   jax.ShapeDtypeStruct((NP, 1), jnp.float32),
                   jax.ShapeDtypeStruct((1, D), jnp.float32)],
    )(z, zroot_c, ss0_c, ss1_c, alive_c, brel, t, mstar)


def _head(pooled0_ref, pooled1_ref, wlin_ref, blin_ref, wr1_ref, br1_ref,
          g1_ref, bt1_ref, wr2_ref, br2_ref, g2_ref, bt2_ref, wr3_ref,
          out_ref):
    g = jnp.concatenate([pooled0_ref[...], pooled1_ref[...]], axis=1)
    out = _dot(g, wlin_ref[...]) + blin_ref[...]
    scale = np.float32(1.0 / np.sqrt(1.0 + 1e-5))
    h1 = jnp.maximum((_dot(out, wr1_ref[...]) + br1_ref[...]) * scale
                     * g1_ref[...] + bt1_ref[...], 0.0)
    h2 = jnp.maximum((_dot(h1, wr2_ref[...]) + br2_ref[...]) * scale
                     * g2_ref[...] + bt2_ref[...], 0.0)
    out_ref[...] = _dot(h2, wr3_ref[...])


def _tc_call(body, out_shapes):
    return pl.pallas_call(
        body,
        out_shape=[jax.ShapeDtypeStruct(s, jnp.float32) for s in out_shapes])



def kernel(x, edge_index, batch, W0, b0, Wa0, ba0, Wb0, bb0, Wroot0, Wrel0,
           brel0, Wa1, ba1, Wb1, bb1, Wroot1, Wrel1, brel1, Wlin, blin,
           Wr1, br1, g1, bt1, Wr2, br2, g2, bt2, Wr3):
    f32 = jnp.float32
    src2 = edge_index[0].reshape(NT, E // NT)
    dst2 = edge_index[1].reshape(NT, E // NT)
    pad = jnp.full((NT, EPT - E // NT), N, jnp.int32)
    src_p = jnp.concatenate([src2, pad], axis=1).reshape(NT, NCH, CH)
    dst_p = jnp.concatenate([dst2, pad], axis=1).reshape(NT, NCH, CH)
    idx_p = jnp.concatenate([src_p, dst_p], axis=1)
    src_f = src_p.reshape(-1)
    dst_f = dst_p.reshape(-1)
    zeros_rows = jnp.zeros((RPT, D), f32)
    zeros_vec = jnp.zeros((RPT,), f32)
    alive_c = jnp.where(jnp.arange(NP)[:, None] < N, 1.0, 0.0).astype(f32)
    alive_f = alive_c.reshape(NF, 128)

    row = lambda v: v.reshape(1, -1)

    (h,) = _tc_call(_first_h, [(NP, D)])(x, W0, row(b0))

    params = ((Wa0, ba0, Wb0, bb0, Wroot0, Wrel0, brel0, K0),
              (Wa1, ba1, Wb1, bb1, Wroot1, Wrel1, brel1, K1))
    pooled = []
    for l in range(2):
        Wa, ba, Wb, bb, Wroot, Wrel, brel, k = params[l]
        agg2 = _build_segsum_rows()(h, src_f, dst_f, zeros_rows)
        z, zroot_c, zrm_c = _gin_mlp_call(
            h, agg2[0:NP], agg2[NP:2 * NP], alive_c,
            Wa, row(ba), Wb, row(bb), Wroot, Wrel)
        ss2 = _build_segsum_scal()(zrm_c.reshape(NP), idx_p, zeros_vec)
        ss0_c, ss1_c = ss2[0].reshape(NP, 1), ss2[1].reshape(NP, 1)
        ss0_f, ss1_f = ss2[0].reshape(NF, 128), ss2[1].reshape(NF, 128)
        zroot_f = zroot_c.reshape(NF, 128)
        brel_a = brel.reshape(1, 1)
        t, mstar, nm_f = _make_pool_thresh(k)(
            ss0_f, ss1_f, zroot_f, alive_f, brel_a)
        h, alive_c, pl_l = _pool_apply_call(
            z, zroot_c, ss0_c, ss1_c, alive_c, brel_a, t, mstar, k)
        alive_f = nm_f
        pooled.append(pl_l)
    (out,) = _tc_call(_head, [(1, 4)])(
        pooled[0], pooled[1],
        Wlin, row(blin), Wr1, row(br1), row(g1), row(bt1),
        Wr2, row(br2), row(g2), row(bt2), Wr3)
    return out

# --- scband reference (transcript-rebuilt; emitter-appended) ---
"""Pipeline reference for scband-m-ihc-gin-surv-83494164234289 (READ-ONLY COPY).

The authoritative reference and input builder live on the scoring server;
editing this copy changes nothing except your own understanding.
"""

import jax, jax.numpy as jnp
import numpy as np

N = 10000
E = 320000
D_IN = 128
D_H = 128
RATIO = 0.6
BN_EPS = 1e-5


def _p(key, shape):
    return jax.random.normal(key, shape, dtype=jnp.float32) * 0.05


def setup_inputs(seed: int = 0) -> dict:
    key = jax.random.key(seed)
    ks = jax.random.split(key, 40)
    inp = {}
    inp["x"] = jax.random.normal(ks[0], (N, D_IN), dtype=jnp.float32)
    inp["edge_index"] = jax.random.randint(ks[1], (2, E), 0, N, dtype=jnp.int32)
    inp["batch"] = jnp.zeros((N,), dtype=jnp.int32)
    inp["W0"] = _p(ks[2], (D_IN, D_H)); inp["b0"] = jnp.zeros((D_H,), jnp.float32)
    i = 3
    for l in range(2):
        inp[f"Wa{l}"] = _p(ks[i], (D_H, D_H)); i += 1
        inp[f"ba{l}"] = jnp.zeros((D_H,), jnp.float32)
        inp[f"Wb{l}"] = _p(ks[i], (D_H, D_H)); i += 1
        inp[f"bb{l}"] = jnp.zeros((D_H,), jnp.float32)
        inp[f"Wroot{l}"] = _p(ks[i], (D_H, 1)); i += 1
        inp[f"Wrel{l}"] = _p(ks[i], (D_H, 1)); i += 1
        inp[f"brel{l}"] = jnp.zeros((1,), jnp.float32)
    inp["Wlin"] = _p(ks[i], (2 * D_H, D_H)); i += 1
    inp["blin"] = jnp.zeros((D_H,), jnp.float32)
    inp["Wr1"] = _p(ks[i], (D_H, 64)); i += 1
    inp["br1"] = jnp.zeros((64,), jnp.float32)
    inp["g1"] = jnp.ones((64,), jnp.float32); inp["bt1"] = jnp.zeros((64,), jnp.float32)
    inp["Wr2"] = _p(ks[i], (64, 32)); i += 1
    inp["br2"] = jnp.zeros((32,), jnp.float32)
    inp["g2"] = jnp.ones((32,), jnp.float32); inp["bt2"] = jnp.zeros((32,), jnp.float32)
    inp["Wr3"] = _p(ks[i], (32, 4)); i += 1
    return inp


def _forward(x, edge_index, batch, params):
    src, dst = edge_index[0], edge_index[1]
    # first_h: Linear + ReLU
    h = jax.nn.relu(x @ params["W0"] + params["b0"])
    mask = jnp.ones((N,), jnp.float32)
    emask = jnp.ones((E,), jnp.float32)
    cnt = N
    globs = []
    for l in range(2):
        Wa, ba = params[f"Wa{l}"], params[f"ba{l}"]
        Wb, bb = params[f"Wb{l}"], params[f"bb{l}"]
        Wroot, Wrel, brel = params[f"Wroot{l}"], params[f"Wrel{l}"], params[f"brel{l}"]
        # GINConv (eps=0): nn((1+eps)*x_i + sum_{j->i} x_j) on current (masked) graph
        agg = jax.ops.segment_sum(h[src] * emask[:, None], dst, num_segments=N)
        z = h + agg
        z = jax.nn.relu(z @ Wa + ba) @ Wb + bb
        # SAGPooling score via GraphConv: lin_rel(sum_j x_j) + lin_root(x_i)
        aggs = jax.ops.segment_sum(z[src] * emask[:, None], dst, num_segments=N)
        score = (aggs @ Wrel + brel + z @ Wroot)[:, 0]
        k = int(np.ceil(RATIO * cnt))
        _, idx = jax.lax.top_k(jnp.where(mask > 0, score, -jnp.inf), k)
        nmask = jnp.zeros((N,), jnp.float32).at[idx].set(1.0)
        # x[perm] * tanh(score[perm]) realized as static-shape masking
        h = z * jnp.tanh(score)[:, None] * nmask[:, None]
        emask = emask * nmask[src] * nmask[dst]
        mask = nmask
        cnt = k
        pooled = jax.ops.segment_sum(h, batch, num_segments=1) / float(k)  # global_mean_pool
        globs.append(pooled)
    g = jnp.concatenate(globs, axis=1)
    out = g @ params["Wlin"] + params["blin"]
    scale = 1.0 / np.sqrt(1.0 + BN_EPS)  # BatchNorm1d in eval mode, running stats (0,1)
    h1 = jax.nn.relu((out @ params["Wr1"] + params["br1"]) * scale * params["g1"] + params["bt1"])
    h2 = jax.nn.relu((h1 @ params["Wr2"] + params["br2"]) * scale * params["g2"] + params["bt2"])
    return h2 @ params["Wr3"]


def reference(x, edge_index, batch, W0, b0,
              Wa0, ba0, Wb0, bb0, Wroot0, Wrel0, brel0,
              Wa1, ba1, Wb1, bb1, Wroot1, Wrel1, brel1,
              Wlin, blin, Wr1, br1, g1, bt1, Wr2, br2, g2, bt2, Wr3):
    params = {
        "W0": W0, "b0": b0,
        "Wa0": Wa0, "ba0": ba0, "Wb0": Wb0, "bb0": bb0,
        "Wroot0": Wroot0, "Wrel0": Wrel0, "brel0": brel0,
        "Wa1": Wa1, "ba1": ba1, "Wb1": Wb1, "bb1": bb1,
        "Wroot1": Wroot1, "Wrel1": Wrel1, "brel1": brel1,
        "Wlin": Wlin, "blin": blin,
        "Wr1": Wr1, "br1": br1, "g1": g1, "bt1": bt1,
        "Wr2": Wr2, "br2": br2, "g2": g2, "bt2": bt2,
        "Wr3": Wr3,
    }
    return _forward(x, edge_index, batch, params)

if __name__ == "__main__":
    import jax
    _d = setup_inputs()
    print(jax.jit(kernel)(*tuple(_d.values())))

</pallas_src>

<mosaic_0001>
#map = affine_map<(d0, d1) -> (0, 0)>
#map1 = affine_map<(d0, d1) -> (0)>
module attributes {stable_mosaic.version = 14 : i64} {
  func.func @segsum_rows(%arg0: i32, %arg1: i32, %arg2: memref<10240x128xf32, #tpu.memory_space<hbm>>, %arg3: memref<327680xi32, #tpu.memory_space<hbm>>, %arg4: memref<327680xi32, #tpu.memory_space<hbm>>, %arg5: memref<640x128xf32, #tpu.memory_space<hbm>>, %arg6: memref<20480x128xf32, #tpu.memory_space<hbm>>, %arg7: memref<128xi32, #tpu.memory_space<vmem>>, %arg8: memref<128xi32, #tpu.memory_space<vmem>>, %arg9: memref<128x128xf32, #tpu.memory_space<vmem>>, %arg10: memref<10240x128xf32, #tpu.memory_space<vmem_shared>>, %arg11: memref<!tpu.dma_semaphore, #tpu.memory_space<semaphore_mem>>) attributes {dimension_semantics = [#tpu.dimension_semantics<core_parallel>, #tpu.dimension_semantics<subcore_parallel>], iteration_bounds = array<i64: 2, 16>, scalar_prefetch = 0 : i64, scratch_operands = 5 : i64, tpu.core_type = #tpu.core_type<sc_vector_subcore>, window_params = [{transform_indices = #map}, {transform_indices = #map1}, {transform_indices = #map1}, {transform_indices = #map}, {transform_indices = #map}]} {
    %mul3A = arith.constant 2 : i32
    %mul3A_0 = arith.muli %arg1, %mul3A : i32
    %add3A = arith.addi %mul3A_0, %arg0 : i32
    %mul3A_1 = arith.constant 10240 : i32
    %mul3A_2 = arith.muli %add3A, %mul3A_1 : i32
    %mul3A_3 = arith.constant 640 : i32
    %mul3A_4 = arith.muli %arg1, %mul3A_3 : i32
    "tpu.region"() ({
      %run_scoped3A = tpu.sem_alloc : memref<!tpu.dma_semaphore, #tpu.memory_space<semaphore_mem>>
      %dma_start3A = arith.constant 0 : i32
      %dma_start3A_18 = tpu.memref_slice %arg10[%mul3A_4, %dma_start3A] : memref<10240x128xf32, #tpu.memory_space<vmem_shared>> -> memref<640x128xf32, #tpu.memory_space<vmem_shared>>
      tpu.enqueue_dma source(%arg5 : memref<640x128xf32, #tpu.memory_space<hbm>>) target(%dma_start3A_18 : memref<640x128xf32, #tpu.memory_space<vmem_shared>>) target_semaphore(%run_scoped3A : memref<!tpu.dma_semaphore, #tpu.memory_space<semaphore_mem>>)
      %dma_wait3A = arith.constant 0 : i32
      %dma_wait3A_19 = tpu.memref_slice %arg10[%mul3A_4, %dma_wait3A] : memref<10240x128xf32, #tpu.memory_space<vmem_shared>> -> memref<640x128xf32, #tpu.memory_space<vmem_shared>>
      tpu.wait_dma2 semaphore(%run_scoped3A : memref<!tpu.dma_semaphore, #tpu.memory_space<semaphore_mem>>) src(%arg5 : memref<640x128xf32, #tpu.memory_space<hbm>>) dst(%dma_wait3A_19 : memref<640x128xf32, #tpu.memory_space<vmem_shared>>)
      tpu.yield
    }) : () -> ()
    %barrier3A = arith.constant 0 : index
    tpu.barrier barrier_id(%barrier3A)
    %scan3A = arith.constant 0 : i32
    %scan3A_5 = arith.constant 0 : i32
    %scan3A_6 = arith.constant 80 : i32
    %scan3A_7 = arith.addi %scan3A_5, %scan3A_6 : i32
    %scan3A_8 = arith.constant 1 : i32
    scf.for %scan3A_18 = %scan3A_5 to %scan3A_7 step %scan3A_8  : i32 {
      %mul3A_19 = arith.constant 128 : i32
      %mul3A_20 = arith.muli %scan3A_18, %mul3A_19 : i32
      %add3A_21 = arith.addi %mul3A_2, %mul3A_20 : i32
      "tpu.region"() ({
        %run_scoped3A = tpu.sem_alloc : memref<!tpu.dma_semaphore, #tpu.memory_space<semaphore_mem>>
        %dma_start3A_26 = tpu.memref_slice %arg3[%add3A_21] : memref<327680xi32, #tpu.memory_space<hbm>> -> memref<128xi32, #tpu.memory_space<hbm>>
        %dma_start3A_27 = tpu.memref_slice %arg3[%add3A_21] : memref<327680xi32, #tpu.memory_space<hbm>> -> memref<128xi32, #tpu.memory_space<hbm>>
        tpu.enqueue_dma source(%dma_start3A_27 : memref<128xi32, #tpu.memory_space<hbm>>) target(%arg7 : memref<128xi32, #tpu.memory_space<vmem>>) target_semaphore(%run_scoped3A : memref<!tpu.dma_semaphore, #tpu.memory_space<semaphore_mem>>)
        %dma_wait3A_28 = tpu.memref_slice %arg3[%add3A_21] : memref<327680xi32, #tpu.memory_space<hbm>> -> memref<128xi32, #tpu.memory_space<hbm>>
        %dma_wait3A_29 = tpu.memref_slice %arg3[%add3A_21] : memref<327680xi32, #tpu.memory_space<hbm>> -> memref<128xi32, #tpu.memory_space<hbm>>
        tpu.wait_dma2 semaphore(%run_scoped3A : memref<!tpu.dma_semaphore, #tpu.memory_space<semaphore_mem>>) src(%dma_wait3A_29 : memref<128xi32, #tpu.memory_space<hbm>>) dst(%arg7 : memref<128xi32, #tpu.memory_space<vmem>>)
        tpu.yield
      }) : () -> ()
      "tpu.region"() ({
        %run_scoped3A = tpu.sem_alloc : memref<!tpu.dma_semaphore, #tpu.memory_space<semaphore_mem>>
        %dma_start3A_26 = tpu.memref_slice %arg4[%add3A_21] : memref<327680xi32, #tpu.memory_space<hbm>> -> memref<128xi32, #tpu.memory_space<hbm>>
        %dma_start3A_27 = tpu.memref_slice %arg4[%add3A_21] : memref<327680xi32, #tpu.memory_space<hbm>> -> memref<128xi32, #tpu.memory_space<hbm>>
        tpu.enqueue_dma source(%dma_start3A_27 : memref<128xi32, #tpu.memory_space<hbm>>) target(%arg8 : memref<128xi32, #tpu.memory_space<vmem>>) target_semaphore(%run_scoped3A : memref<!tpu.dma_semaphore, #tpu.memory_space<semaphore_mem>>)
        %dma_wait3A_28 = tpu.memref_slice %arg4[%add3A_21] : memref<327680xi32, #tpu.memory_space<hbm>> -> memref<128xi32, #tpu.memory_space<hbm>>
        %dma_wait3A_29 = tpu.memref_slice %arg4[%add3A_21] : memref<327680xi32, #tpu.memory_space<hbm>> -> memref<128xi32, #tpu.memory_space<hbm>>
        tpu.wait_dma2 semaphore(%run_scoped3A : memref<!tpu.dma_semaphore, #tpu.memory_space<semaphore_mem>>) src(%dma_wait3A_29 : memref<128xi32, #tpu.memory_space<hbm>>) dst(%arg8 : memref<128xi32, #tpu.memory_space<vmem>>)
        tpu.yield
      }) : () -> ()
      %dma_start3A = arith.constant 0 : i32
      %dma_start3A_22 = arith.constant 0 : i32
      %dma_start3A_23 = tpu.memref_slice %arg2[%dma_start3A, %dma_start3A_22] : memref<10240x128xf32, #tpu.memory_space<hbm>> -> memref<10240x128xf32, #tpu.memory_space<hbm>>
      tpu.enqueue_indirect_dma source(%dma_start3A_23 : memref<10240x128xf32, #tpu.memory_space<hbm>>) target(%arg9 : memref<128x128xf32, #tpu.memory_space<vmem>>) offsets(%arg7 : memref<128xi32, #tpu.memory_space<vmem>>) semaphore(%arg11 : memref<!tpu.dma_semaphore, #tpu.memory_space<semaphore_mem>>)
      %dma_wait3A = arith.constant 0 : i32
      %dma_wait3A_24 = arith.constant 0 : i32
      %dma_wait3A_25 = tpu.memref_slice %arg2[%dma_wait3A, %dma_wait3A_24] : memref<10240x128xf32, #tpu.memory_space<hbm>> -> memref<10240x128xf32, #tpu.memory_space<hbm>>
      tpu.wait_indirect_dma semaphore(%arg11 : memref<!tpu.dma_semaphore, #tpu.memory_space<semaphore_mem>>) src(%dma_wait3A_25 : memref<10240x128xf32, #tpu.memory_space<hbm>>) dst(%arg9 : memref<128x128xf32, #tpu.memory_space<vmem>>)
      "tpu.region"() ({
        %run_scoped3A = tpu.sem_alloc : memref<!tpu.dma_semaphore, #tpu.memory_space<semaphore_mem>>
        %dma_start3A_26 = arith.constant 0 : i32
        %dma_start3A_27 = arith.constant 0 : i32
        %dma_start3A_28 = tpu.memref_slice %arg10[%dma_start3A_26, %dma_start3A_27] : memref<10240x128xf32, #tpu.memory_space<vmem_shared>> -> memref<10240x128xf32, #tpu.memory_space<vmem_shared>>
        tpu.enqueue_indirect_dma source(%arg9 : memref<128x128xf32, #tpu.memory_space<vmem>>) target(%dma_start3A_28 : memref<10240x128xf32, #tpu.memory_space<vmem_shared>>) offsets(%arg8 : memref<128xi32, #tpu.memory_space<vmem>>) semaphore(%run_scoped3A : memref<!tpu.dma_semaphore, #tpu.memory_space<semaphore_mem>>) {add = true}
        %dma_wait3A_29 = arith.constant 0 : i32
        %dma_wait3A_30 = arith.constant 0 : i32
        %dma_wait3A_31 = tpu.memref_slice %arg10[%dma_wait3A_29, %dma_wait3A_30] : memref<10240x128xf32, #tpu.memory_space<vmem_shared>> -> memref<10240x128xf32, #tpu.memory_space<vmem_shared>>
        tpu.wait_indirect_dma semaphore(%run_scoped3A : memref<!tpu.dma_semaphore, #tpu.memory_space<semaphore_mem>>) src(%arg9 : memref<128x128xf32, #tpu.memory_space<vmem>>) dst(%dma_wait3A_31 : memref<10240x128xf32, #tpu.memory_space<vmem_shared>>)
        tpu.yield
      }) : () -> ()
    }
    %scan3A_9 = arith.constant 80 : i32
    %barrier3A_10 = arith.constant 0 : index
    tpu.barrier barrier_id(%barrier3A_10)
    %mul3A_11 = arith.constant 640 : i32
    %mul3A_12 = arith.muli %arg1, %mul3A_11 : i32
    %mul3A_13 = arith.constant 10240 : i32
    %mul3A_14 = arith.muli %arg0, %mul3A_13 : i32
    %mul3A_15 = arith.constant 640 : i32
    %mul3A_16 = arith.muli %arg1, %mul3A_15 : i32
    %add3A_17 = arith.addi %mul3A_14, %mul3A_16 : i32
    "tpu.region"() ({
      %run_scoped3A = tpu.sem_alloc : memref<!tpu.dma_semaphore, #tpu.memory_space<semaphore_mem>>
      %dma_start3A = arith.constant 0 : i32
      %dma_start3A_18 = tpu.memref_slice %arg6[%add3A_17, %dma_start3A] : memref<20480x128xf32, #tpu.memory_space<hbm>> -> memref<640x128xf32, #tpu.memory_space<hbm>>
      %dma_start3A_19 = arith.constant 0 : i32
      %dma_start3A_20 = tpu.memref_slice %arg10[%mul3A_12, %dma_start3A_19] : memref<10240x128xf32, #tpu.memory_space<vmem_shared>> -> memref<640x128xf32, #tpu.memory_space<vmem_shared>>
      tpu.enqueue_dma source(%dma_start3A_20 : memref<640x128xf32, #tpu.memory_space<vmem_shared>>) target(%dma_start3A_18 : memref<640x128xf32, #tpu.memory_space<hbm>>) target_semaphore(%run_scoped3A : memref<!tpu.dma_semaphore, #tpu.memory_space<semaphore_mem>>)
      %dma_wait3A = arith.constant 0 : i32
      %dma_wait3A_21 = tpu.memref_slice %arg6[%add3A_17, %dma_wait3A] : memref<20480x128xf32, #tpu.memory_space<hbm>> -> memref<640x128xf32, #tpu.memory_space<hbm>>
      %dma_wait3A_22 = arith.constant 0 : i32
      %dma_wait3A_23 = tpu.memref_slice %arg10[%mul3A_12, %dma_wait3A_22] : memref<10240x128xf32, #tpu.memory_space<vmem_shared>> -> memref<640x128xf32, #tpu.memory_space<vmem_shared>>
      tpu.wait_dma2 semaphore(%run_scoped3A : memref<!tpu.dma_semaphore, #tpu.memory_space<semaphore_mem>>) src(%dma_wait3A_23 : memref<640x128xf32, #tpu.memory_space<vmem_shared>>) dst(%dma_wait3A_21 : memref<640x128xf32, #tpu.memory_space<hbm>>)
      tpu.yield
    }) : () -> ()
    return
  }
}

#map = affine_map<(d0, d1) -> (0, 0)>
#map1 = affine_map<(d0, d1) -> (0)>
module attributes {stable_mosaic.version = 14 : i64} {
  func.func @segsum_rows(%arg0: i32, %arg1: i32, %arg2: memref<10240x128xf32, #tpu.memory_space<hbm>>, %arg3: memref<327680xi32, #tpu.memory_space<hbm>>, %arg4: memref<327680xi32, #tpu.memory_space<hbm>>, %arg5: memref<640x128xf32, #tpu.memory_space<hbm>>, %arg6: memref<20480x128xf32, #tpu.memory_space<hbm>>, %arg7: memref<128xi32, #tpu.memory_space<vmem>>, %arg8: memref<128xi32, #tpu.memory_space<vmem>>, %arg9: memref<128x128xf32, #tpu.memory_space<vmem>>, %arg10: memref<10240x128xf32, #tpu.memory_space<vmem_shared>>, %arg11: memref<!tpu.dma_semaphore, #tpu.memory_space<semaphore_mem>>) attributes {dimension_semantics = [#tpu.dimension_semantics<core_parallel>, #tpu.dimension_semantics<subcore_parallel>], iteration_bounds = array<i64: 2, 16>, scalar_prefetch = 0 : i64, scratch_operands = 5 : i64, tpu.core_type = #tpu.core_type<sc_vector_subcore>, window_params = [{transform_indices = #map}, {transform_indices = #map1}, {transform_indices = #map1}, {transform_indices = #map}, {transform_indices = #map}]} {
    %mul3A = arith.constant 2 : i32
    %mul3A_0 = arith.muli %arg1, %mul3A : i32
    %add3A = arith.addi %mul3A_0, %arg0 : i32
    %mul3A_1 = arith.constant 10240 : i32
    %mul3A_2 = arith.muli %add3A, %mul3A_1 : i32
    %mul3A_3 = arith.constant 640 : i32
    %mul3A_4 = arith.muli %arg1, %mul3A_3 : i32
    "tpu.region"() ({
      %run_scoped3A = tpu.sem_alloc : memref<!tpu.dma_semaphore, #tpu.memory_space<semaphore_mem>>
      %dma_start3A = arith.constant 0 : i32
      %dma_start3A_18 = tpu.memref_slice %arg10[%mul3A_4, %dma_start3A] : memref<10240x128xf32, #tpu.memory_space<vmem_shared>> -> memref<640x128xf32, #tpu.memory_space<vmem_shared>>
      tpu.enqueue_dma source(%arg5 : memref<640x128xf32, #tpu.memory_space<hbm>>) target(%dma_start3A_18 : memref<640x128xf32, #tpu.memory_space<vmem_shared>>) target_semaphore(%run_scoped3A : memref<!tpu.dma_semaphore, #tpu.memory_space<semaphore_mem>>)
      %dma_wait3A = arith.constant 0 : i32
      %dma_wait3A_19 = tpu.memref_slice %arg10[%mul3A_4, %dma_wait3A] : memref<10240x128xf32, #tpu.memory_space<vmem_shared>> -> memref<640x128xf32, #tpu.memory_space<vmem_shared>>
      tpu.wait_dma2 semaphore(%run_scoped3A : memref<!tpu.dma_semaphore, #tpu.memory_space<semaphore_mem>>) src(%arg5 : memref<640x128xf32, #tpu.memory_space<hbm>>) dst(%dma_wait3A_19 : memref<640x128xf32, #tpu.memory_space<vmem_shared>>)
      tpu.yield
    }) : () -> ()
    %barrier3A = arith.constant 0 : index
    tpu.barrier barrier_id(%barrier3A)
    %scan3A = arith.constant 0 : i32
    %scan3A_5 = arith.constant 0 : i32
    %scan3A_6 = arith.constant 80 : i32
    %scan3A_7 = arith.addi %scan3A_5, %scan3A_6 : i32
    %scan3A_8 = arith.constant 1 : i32
    scf.for %scan3A_18 = %scan3A_5 to %scan3A_7 step %scan3A_8  : i32 {
      %mul3A_19 = arith.constant 128 : i32
      %mul3A_20 = arith.muli %scan3A_18, %mul3A_19 : i32
      %add3A_21 = arith.addi %mul3A_2, %mul3A_20 : i32
      "tpu.region"() ({
        %run_scoped3A = tpu.sem_alloc : memref<!tpu.dma_semaphore, #tpu.memory_space<semaphore_mem>>
        %dma_start3A_26 = tpu.memref_slice %arg3[%add3A_21] : memref<327680xi32, #tpu.memory_space<hbm>> -> memref<128xi32, #tpu.memory_space<hbm>>
        %dma_start3A_27 = tpu.memref_slice %arg3[%add3A_21] : memref<327680xi32, #tpu.memory_space<hbm>> -> memref<128xi32, #tpu.memory_space<hbm>>
        tpu.enqueue_dma source(%dma_start3A_27 : memref<128xi32, #tpu.memory_space<hbm>>) target(%arg7 : memref<128xi32, #tpu.memory_space<vmem>>) target_semaphore(%run_scoped3A : memref<!tpu.dma_semaphore, #tpu.memory_space<semaphore_mem>>)
        %dma_wait3A_28 = tpu.memref_slice %arg3[%add3A_21] : memref<327680xi32, #tpu.memory_space<hbm>> -> memref<128xi32, #tpu.memory_space<hbm>>
        %dma_wait3A_29 = tpu.memref_slice %arg3[%add3A_21] : memref<327680xi32, #tpu.memory_space<hbm>> -> memref<128xi32, #tpu.memory_space<hbm>>
        tpu.wait_dma2 semaphore(%run_scoped3A : memref<!tpu.dma_semaphore, #tpu.memory_space<semaphore_mem>>) src(%dma_wait3A_29 : memref<128xi32, #tpu.memory_space<hbm>>) dst(%arg7 : memref<128xi32, #tpu.memory_space<vmem>>)
        tpu.yield
      }) : () -> ()
      "tpu.region"() ({
        %run_scoped3A = tpu.sem_alloc : memref<!tpu.dma_semaphore, #tpu.memory_space<semaphore_mem>>
        %dma_start3A_26 = tpu.memref_slice %arg4[%add3A_21] : memref<327680xi32, #tpu.memory_space<hbm>> -> memref<128xi32, #tpu.memory_space<hbm>>
        %dma_start3A_27 = tpu.memref_slice %arg4[%add3A_21] : memref<327680xi32, #tpu.memory_space<hbm>> -> memref<128xi32, #tpu.memory_space<hbm>>
        tpu.enqueue_dma source(%dma_start3A_27 : memref<128xi32, #tpu.memory_space<hbm>>) target(%arg8 : memref<128xi32, #tpu.memory_space<vmem>>) target_semaphore(%run_scoped3A : memref<!tpu.dma_semaphore, #tpu.memory_space<semaphore_mem>>)
        %dma_wait3A_28 = tpu.memref_slice %arg4[%add3A_21] : memref<327680xi32, #tpu.memory_space<hbm>> -> memref<128xi32, #tpu.memory_space<hbm>>
        %dma_wait3A_29 = tpu.memref_slice %arg4[%add3A_21] : memref<327680xi32, #tpu.memory_space<hbm>> -> memref<128xi32, #tpu.memory_space<hbm>>
        tpu.wait_dma2 semaphore(%run_scoped3A : memref<!tpu.dma_semaphore, #tpu.memory_space<semaphore_mem>>) src(%dma_wait3A_29 : memref<128xi32, #tpu.memory_space<hbm>>) dst(%arg8 : memref<128xi32, #tpu.memory_space<vmem>>)
        tpu.yield
      }) : () -> ()
      %dma_start3A = arith.constant 0 : i32
      %dma_start3A_22 = arith.constant 0 : i32
      %dma_start3A_23 = tpu.memref_slice %arg2[%dma_start3A, %dma_start3A_22] : memref<10240x128xf32, #tpu.memory_space<hbm>> -> memref<10240x128xf32, #tpu.memory_space<hbm>>
      tpu.enqueue_indirect_dma source(%dma_start3A_23 : memref<10240x128xf32, #tpu.memory_space<hbm>>) target(%arg9 : memref<128x128xf32, #tpu.memory_space<vmem>>) offsets(%arg7 : memref<128xi32, #tpu.memory_space<vmem>>) semaphore(%arg11 : memref<!tpu.dma_semaphore, #tpu.memory_space<semaphore_mem>>)
      %dma_wait3A = arith.constant 0 : i32
      %dma_wait3A_24 = arith.constant 0 : i32
      %dma_wait3A_25 = tpu.memref_slice %arg2[%dma_wait3A, %dma_wait3A_24] : memref<10240x128xf32, #tpu.memory_space<hbm>> -> memref<10240x128xf32, #tpu.memory_space<hbm>>
      tpu.wait_indirect_dma semaphore(%arg11 : memref<!tpu.dma_semaphore, #tpu.memory_space<semaphore_mem>>) src(%dma_wait3A_25 : memref<10240x128xf32, #tpu.memory_space<hbm>>) dst(%arg9 : memref<128x128xf32, #tpu.memory_space<vmem>>)
      "tpu.region"() ({
        %run_scoped3A = tpu.sem_alloc : memref<!tpu.dma_semaphore, #tpu.memory_space<semaphore_mem>>
        %dma_start3A_26 = arith.constant 0 : i32
        %dma_start3A_27 = arith.constant 0 : i32
        %dma_start3A_28 = tpu.memref_slice %arg10[%dma_start3A_26, %dma_start3A_27] : memref<10240x128xf32, #tpu.memory_space<vmem_shared>> -> memref<10240x128xf32, #tpu.memory_space<vmem_shared>>
        tpu.enqueue_indirect_dma source(%arg9 : memref<128x128xf32, #tpu.memory_space<vmem>>) target(%dma_start3A_28 : memref<10240x128xf32, #tpu.memory_space<vmem_shared>>) offsets(%arg8 : memref<128xi32, #tpu.memory_space<vmem>>) semaphore(%run_scoped3A : memref<!tpu.dma_semaphore, #tpu.memory_space<semaphore_mem>>) {add = true}
        %dma_wait3A_29 = arith.constant 0 : i32
        %dma_wait3A_30 = arith.constant 0 : i32
        %dma_wait3A_31 = tpu.memref_slice %arg10[%dma_wait3A_29, %dma_wait3A_30] : memref<10240x128xf32, #tpu.memory_space<vmem_shared>> -> memref<10240x128xf32, #tpu.memory_space<vmem_shared>>
        tpu.wait_indirect_dma semaphore(%run_scoped3A : memref<!tpu.dma_semaphore, #tpu.memory_space<semaphore_mem>>) src(%arg9 : memref<128x128xf32, #tpu.memory_space<vmem>>) dst(%dma_wait3A_31 : memref<10240x128xf32, #tpu.memory_space<vmem_shared>>)
        tpu.yield
      }) : () -> ()
    }
    %scan3A_9 = arith.constant 80 : i32
    %barrier3A_10 = arith.constant 0 : index
    tpu.barrier barrier_id(%barrier3A_10)
    %mul3A_11 = arith.constant 640 : i32
    %mul3A_12 = arith.muli %arg1, %mul3A_11 : i32
    %mul3A_13 = arith.constant 10240 : i32
    %mul3A_14 = arith.muli %arg0, %mul3A_13 : i32
    %mul3A_15 = arith.constant 640 : i32
    %mul3A_16 = arith.muli %arg1, %mul3A_15 : i32
    %add3A_17 = arith.addi %mul3A_14, %mul3A_16 : i32
    "tpu.region"() ({
      %run_scoped3A = tpu.sem_alloc : memref<!tpu.dma_semaphore, #tpu.memory_space<semaphore_mem>>
      %dma_start3A = arith.constant 0 : i32
      %dma_start3A_18 = tpu.memref_slice %arg6[%add3A_17, %dma_start3A] : memref<20480x128xf32, #tpu.memory_space<hbm>> -> memref<640x128xf32, #tpu.memory_space<hbm>>
      %dma_start3A_19 = arith.constant 0 : i32
      %dma_start3A_20 = tpu.memref_slice %arg10[%mul3A_12, %dma_start3A_19] : memref<10240x128xf32, #tpu.memory_space<vmem_shared>> -> memref<640x128xf32, #tpu.memory_space<vmem_shared>>
      tpu.enqueue_dma source(%dma_start3A_20 : memref<640x128xf32, #tpu.memory_space<vmem_shared>>) target(%dma_start3A_18 : memref<640x128xf32, #tpu.memory_space<hbm>>) target_semaphore(%run_scoped3A : memref<!tpu.dma_semaphore, #tpu.memory_space<semaphore_mem>>)
      %dma_wait3A = arith.constant 0 : i32
      %dma_wait3A_21 = tpu.memref_slice %arg6[%add3A_17, %dma_wait3A] : memref<20480x128xf32, #tpu.memory_space<hbm>> -> memref<640x128xf32, #tpu.memory_space<hbm>>
      %dma_wait3A_22 = arith.constant 0 : i32
      %dma_wait3A_23 = tpu.memref_slice %arg10[%mul3A_12, %dma_wait3A_22] : memref<10240x128xf32, #tpu.memory_space<vmem_shared>> -> memref<640x128xf32, #tpu.memory_space<vmem_shared>>
      tpu.wait_dma2 semaphore(%run_scoped3A : memref<!tpu.dma_semaphore, #tpu.memory_space<semaphore_mem>>) src(%dma_wait3A_23 : memref<640x128xf32, #tpu.memory_space<vmem_shared>>) dst(%dma_wait3A_21 : memref<640x128xf32, #tpu.memory_space<hbm>>)
      tpu.yield
    }) : () -> ()
    return
  }
}

#map = affine_map<(d0, d1) -> (0)>
#map1 = affine_map<(d0, d1) -> (0, 0, 0)>
#map2 = affine_map<(d0, d1) -> (0, 0)>
module attributes {stable_mosaic.version = 14 : i64} {
  func.func @segsum_scal(%arg0: i32, %arg1: i32, %arg2: memref<10240xf32, #tpu.memory_space<hbm>>, %arg3: memref<32x160x128xi32, #tpu.memory_space<hbm>>, %arg4: memref<640xf32, #tpu.memory_space<hbm>>, %arg5: memref<2x10240xf32, #tpu.memory_space<hbm>>, %arg6: memref<160x128xi32, #tpu.memory_space<vmem>>, %arg7: memref<2x128xf32, #tpu.memory_space<vmem>>, %arg8: memref<10240xf32, #tpu.memory_space<vmem_shared>>, %arg9: memref<!tpu.dma_semaphore, #tpu.memory_space<semaphore_mem>>, %arg10: memref<!tpu.dma_semaphore, #tpu.memory_space<semaphore_mem>>) attributes {dimension_semantics = [#tpu.dimension_semantics<core_parallel>, #tpu.dimension_semantics<subcore_parallel>], iteration_bounds = array<i64: 2, 16>, scalar_prefetch = 0 : i64, scratch_operands = 5 : i64, tpu.core_type = #tpu.core_type<sc_vector_subcore>, window_params = [{transform_indices = #map}, {transform_indices = #map1}, {transform_indices = #map}, {transform_indices = #map2}]} {
    %mul3A = arith.constant 2 : i32
    %mul3A_0 = arith.muli %arg1, %mul3A : i32
    %add3A = arith.addi %mul3A_0, %arg0 : i32
    "tpu.region"() ({
      %run_scoped3A = tpu.sem_alloc : memref<!tpu.dma_semaphore, #tpu.memory_space<semaphore_mem>>
      %dma_start3A_51 = arith.constant 0 : i32
      %dma_start3A_52 = arith.constant 0 : i32
      %dma_start3A_53 = tpu.memref_slice %arg3[%add3A, %dma_start3A_51, %dma_start3A_52] : memref<32x160x128xi32, #tpu.memory_space<hbm>> -> memref<1x160x128xi32, #tpu.memory_space<hbm>>
      %dma_start3A_54 = tpu.memref_squeeze %dma_start3A_53 : memref<1x160x128xi32, #tpu.memory_space<hbm>> -> memref<160x128xi32, #tpu.memory_space<hbm>>
      %dma_start3A_55 = arith.constant 0 : i32
      %dma_start3A_56 = arith.constant 0 : i32
      %dma_start3A_57 = tpu.memref_slice %arg3[%add3A, %dma_start3A_55, %dma_start3A_56] : memref<32x160x128xi32, #tpu.memory_space<hbm>> -> memref<1x160x128xi32, #tpu.memory_space<hbm>>
      %dma_start3A_58 = tpu.memref_squeeze %dma_start3A_57 : memref<1x160x128xi32, #tpu.memory_space<hbm>> -> memref<160x128xi32, #tpu.memory_space<hbm>>
      tpu.enqueue_dma source(%dma_start3A_58 : memref<160x128xi32, #tpu.memory_space<hbm>>) target(%arg6 : memref<160x128xi32, #tpu.memory_space<vmem>>) target_semaphore(%run_scoped3A : memref<!tpu.dma_semaphore, #tpu.memory_space<semaphore_mem>>)
      %dma_wait3A_59 = arith.constant 0 : i32
      %dma_wait3A_60 = arith.constant 0 : i32
      %dma_wait3A_61 = tpu.memref_slice %arg3[%add3A, %dma_wait3A_59, %dma_wait3A_60] : memref<32x160x128xi32, #tpu.memory_space<hbm>> -> memref<1x160x128xi32, #tpu.memory_space<hbm>>
      %dma_wait3A_62 = tpu.memref_squeeze %dma_wait3A_61 : memref<1x160x128xi32, #tpu.memory_space<hbm>> -> memref<160x128xi32, #tpu.memory_space<hbm>>
      %dma_wait3A_63 = arith.constant 0 : i32
      %dma_wait3A_64 = arith.constant 0 : i32
      %dma_wait3A_65 = tpu.memref_slice %arg3[%add3A, %dma_wait3A_63, %dma_wait3A_64] : memref<32x160x128xi32, #tpu.memory_space<hbm>> -> memref<1x160x128xi32, #tpu.memory_space<hbm>>
      %dma_wait3A_66 = tpu.memref_squeeze %dma_wait3A_65 : memref<1x160x128xi32, #tpu.memory_space<hbm>> -> memref<160x128xi32, #tpu.memory_space<hbm>>
      tpu.wait_dma2 semaphore(%run_scoped3A : memref<!tpu.dma_semaphore, #tpu.memory_space<semaphore_mem>>) src(%dma_wait3A_66 : memref<160x128xi32, #tpu.memory_space<hbm>>) dst(%arg6 : memref<160x128xi32, #tpu.memory_space<vmem>>)
      tpu.yield
    }) : () -> ()
    %mul3A_1 = arith.constant 640 : i32
    %mul3A_2 = arith.muli %arg1, %mul3A_1 : i32
    "tpu.region"() ({
      %run_scoped3A = tpu.sem_alloc : memref<!tpu.dma_semaphore, #tpu.memory_space<semaphore_mem>>
      %dma_start3A_51 = tpu.memref_slice %arg8[%mul3A_2] : memref<10240xf32, #tpu.memory_space<vmem_shared>> -> memref<640xf32, #tpu.memory_space<vmem_shared>>
      tpu.enqueue_dma source(%arg4 : memref<640xf32, #tpu.memory_space<hbm>>) target(%dma_start3A_51 : memref<640xf32, #tpu.memory_space<vmem_shared>>) target_semaphore(%run_scoped3A : memref<!tpu.dma_semaphore, #tpu.memory_space<semaphore_mem>>)
      %dma_wait3A_52 = tpu.memref_slice %arg8[%mul3A_2] : memref<10240xf32, #tpu.memory_space<vmem_shared>> -> memref<640xf32, #tpu.memory_space<vmem_shared>>
      tpu.wait_dma2 semaphore(%run_scoped3A : memref<!tpu.dma_semaphore, #tpu.memory_space<semaphore_mem>>) src(%arg4 : memref<640xf32, #tpu.memory_space<hbm>>) dst(%dma_wait3A_52 : memref<640xf32, #tpu.memory_space<vmem_shared>>)
      tpu.yield
    }) : () -> ()
    %dma_start3A = arith.constant 0 : i32
    %dma_start3A_3 = arith.constant 0 : i32
    %dma_start3A_4 = arith.constant 0 : i32
    %dma_start3A_5 = tpu.memref_slice %arg7[%dma_start3A_3, %dma_start3A_4] : memref<2x128xf32, #tpu.memory_space<vmem>> -> memref<1x128xf32, #tpu.memory_space<vmem>>
    %dma_start3A_6 = tpu.memref_squeeze %dma_start3A_5 : memref<1x128xf32, #tpu.memory_space<vmem>> -> memref<128xf32, #tpu.memory_space<vmem>>
    %dma_start3A_7 = arith.constant 0 : i32
    %dma_start3A_8 = tpu.memref_slice %arg6[%dma_start3A, %dma_start3A_7] : memref<160x128xi32, #tpu.memory_space<vmem>> -> memref<1x128xi32, #tpu.memory_space<vmem>>
    %dma_start3A_9 = tpu.memref_squeeze %dma_start3A_8 : memref<1x128xi32, #tpu.memory_space<vmem>> -> memref<128xi32, #tpu.memory_space<vmem>>
    %dma_start3A_10 = arith.constant 0 : i32
    %dma_start3A_11 = tpu.memref_slice %arg2[%dma_start3A_10] : memref<10240xf32, #tpu.memory_space<hbm>> -> memref<10240xf32, #tpu.memory_space<hbm>>
    tpu.enqueue_indirect_dma source(%dma_start3A_11 : memref<10240xf32, #tpu.memory_space<hbm>>) target(%dma_start3A_6 : memref<128xf32, #tpu.memory_space<vmem>>) offsets(%dma_start3A_9 : memref<128xi32, #tpu.memory_space<vmem>>) semaphore(%arg9 : memref<!tpu.dma_semaphore, #tpu.memory_space<semaphore_mem>>)
    %dma_start3A_12 = arith.constant 1 : i32
    %dma_start3A_13 = arith.constant 1 : i32
    %dma_start3A_14 = arith.constant 0 : i32
    %dma_start3A_15 = tpu.memref_slice %arg7[%dma_start3A_13, %dma_start3A_14] : memref<2x128xf32, #tpu.memory_space<vmem>> -> memref<1x128xf32, #tpu.memory_space<vmem>>
    %dma_start3A_16 = tpu.memref_squeeze %dma_start3A_15 : memref<1x128xf32, #tpu.memory_space<vmem>> -> memref<128xf32, #tpu.memory_space<vmem>>
    %dma_start3A_17 = arith.constant 0 : i32
    %dma_start3A_18 = tpu.memref_slice %arg6[%dma_start3A_12, %dma_start3A_17] : memref<160x128xi32, #tpu.memory_space<vmem>> -> memref<1x128xi32, #tpu.memory_space<vmem>>
    %dma_start3A_19 = tpu.memref_squeeze %dma_start3A_18 : memref<1x128xi32, #tpu.memory_space<vmem>> -> memref<128xi32, #tpu.memory_space<vmem>>
    %dma_start3A_20 = arith.constant 0 : i32
    %dma_start3A_21 = tpu.memref_slice %arg2[%dma_start3A_20] : memref<10240xf32, #tpu.memory_space<hbm>> -> memref<10240xf32, #tpu.memory_space<hbm>>
    tpu.enqueue_indirect_dma source(%dma_start3A_21 : memref<10240xf32, #tpu.memory_space<hbm>>) target(%dma_start3A_16 : memref<128xf32, #tpu.memory_space<vmem>>) offsets(%dma_start3A_19 : memref<128xi32, #tpu.memory_space<vmem>>) semaphore(%arg10 : memref<!tpu.dma_semaphore, #tpu.memory_space<semaphore_mem>>)
    %barrier3A = arith.constant 0 : index
    tpu.barrier barrier_id(%barrier3A)
    %scan3A = arith.constant 0 : i32
    %scan3A_22 = arith.constant 0 : i32
    %scan3A_23 = arith.constant 40 : i32
    %scan3A_24 = arith.addi %scan3A_22, %scan3A_23 : i32
    %scan3A_25 = arith.constant 1 : i32
    scf.for %scan3A_51 = %scan3A_22 to %scan3A_24 step %scan3A_25  : i32 {
      %mul3A_52 = arith.constant 2 : i32
      %mul3A_53 = arith.muli %mul3A_52, %scan3A_51 : i32
      %add3A_54 = arith.constant 1 : i32
      %add3A_55 = arith.addi %mul3A_53, %add3A_54 : i32
      %add3A_56 = arith.constant 2 : i32
      %add3A_57 = arith.addi %mul3A_53, %add3A_56 : i32
      %min3A = arith.constant 79 : i32
      %min3A_58 = arith.minsi %add3A_57, %min3A : i32
      %dma_wait3A_59 = arith.constant 0 : i32
      %dma_wait3A_60 = arith.constant 0 : i32
      %dma_wait3A_61 = arith.constant 0 : i32
      %dma_wait3A_62 = tpu.memref_slice %arg7[%dma_wait3A_60, %dma_wait3A_61] : memref<2x128xf32, #tpu.memory_space<vmem>> -> memref<1x128xf32, #tpu.memory_space<vmem>>
      %dma_wait3A_63 = tpu.memref_squeeze %dma_wait3A_62 : memref<1x128xf32, #tpu.memory_space<vmem>> -> memref<128xf32, #tpu.memory_space<vmem>>
      %dma_wait3A_64 = arith.constant 0 : i32
      %dma_wait3A_65 = tpu.memref_slice %arg6[%dma_wait3A_59, %dma_wait3A_64] : memref<160x128xi32, #tpu.memory_space<vmem>> -> memref<1x128xi32, #tpu.memory_space<vmem>>
      %dma_wait3A_66 = tpu.memref_squeeze %dma_wait3A_65 : memref<1x128xi32, #tpu.memory_space<vmem>> -> memref<128xi32, #tpu.memory_space<vmem>>
      %dma_wait3A_67 = arith.constant 0 : i32
      %dma_wait3A_68 = tpu.memref_slice %arg2[%dma_wait3A_67] : memref<10240xf32, #tpu.memory_space<hbm>> -> memref<10240xf32, #tpu.memory_space<hbm>>
      tpu.wait_indirect_dma semaphore(%arg9 : memref<!tpu.dma_semaphore, #tpu.memory_space<semaphore_mem>>) src(%dma_wait3A_68 : memref<10240xf32, #tpu.memory_space<hbm>>) dst(%dma_wait3A_63 : memref<128xf32, #tpu.memory_space<vmem>>)
      %add3A_69 = arith.constant 80 : i32
      %add3A_70 = arith.addi %add3A_69, %mul3A_53 : i32
      %run_scoped3A = arith.constant 0 : i32
      "tpu.region"() ({
        %run_scoped3A_106 = tpu.sem_alloc : memref<!tpu.dma_semaphore, #tpu.memory_space<semaphore_mem>>
        %dma_start3A_107 = arith.constant 0 : i32
        %dma_start3A_108 = tpu.memref_slice %arg7[%run_scoped3A, %dma_start3A_107] : memref<2x128xf32, #tpu.memory_space<vmem>> -> memref<1x128xf32, #tpu.memory_space<vmem>>
        %dma_start3A_109 = tpu.memref_squeeze %dma_start3A_108 : memref<1x128xf32, #tpu.memory_space<vmem>> -> memref<128xf32, #tpu.memory_space<vmem>>
        %dma_start3A_110 = arith.constant 0 : i32
        %dma_start3A_111 = tpu.memref_slice %arg6[%add3A_70, %dma_start3A_110] : memref<160x128xi32, #tpu.memory_space<vmem>> -> memref<1x128xi32, #tpu.memory_space<vmem>>
        %dma_start3A_112 = tpu.memref_squeeze %dma_start3A_111 : memref<1x128xi32, #tpu.memory_space<vmem>> -> memref<128xi32, #tpu.memory_space<vmem>>
        %dma_start3A_113 = arith.constant 0 : i32
        %dma_start3A_114 = tpu.memref_slice %arg8[%dma_start3A_113] : memref<10240xf32, #tpu.memory_space<vmem_shared>> -> memref<10240xf32, #tpu.memory_space<vmem_shared>>
        tpu.enqueue_indirect_dma source(%dma_start3A_109 : memref<128xf32, #tpu.memory_space<vmem>>) target(%dma_start3A_114 : memref<10240xf32, #tpu.memory_space<vmem_shared>>) offsets(%dma_start3A_112 : memref<128xi32, #tpu.memory_space<vmem>>) semaphore(%run_scoped3A_106 : memref<!tpu.dma_semaphore, #tpu.memory_space<semaphore_mem>>) {add = true}
        %dma_wait3A_115 = arith.constant 0 : i32
        %dma_wait3A_116 = tpu.memref_slice %arg7[%run_scoped3A, %dma_wait3A_115] : memref<2x128xf32, #tpu.memory_space<vmem>> -> memref<1x128xf32, #tpu.memory_space<vmem>>
        %dma_wait3A_117 = tpu.memref_squeeze %dma_wait3A_116 : memref<1x128xf32, #tpu.memory_space<vmem>> -> memref<128xf32, #tpu.memory_space<vmem>>
        %dma_wait3A_118 = arith.constant 0 : i32
        %dma_wait3A_119 = tpu.memref_slice %arg6[%add3A_70, %dma_wait3A_118] : memref<160x128xi32, #tpu.memory_space<vmem>> -> memref<1x128xi32, #tpu.memory_space<vmem>>
        %dma_wait3A_120 = tpu.memref_squeeze %dma_wait3A_119 : memref<1x128xi32, #tpu.memory_space<vmem>> -> memref<128xi32, #tpu.memory_space<vmem>>
        %dma_wait3A_121 = arith.constant 0 : i32
        %dma_wait3A_122 = tpu.memref_slice %arg8[%dma_wait3A_121] : memref<10240xf32, #tpu.memory_space<vmem_shared>> -> memref<10240xf32, #tpu.memory_space<vmem_shared>>
        tpu.wait_indirect_dma semaphore(%run_scoped3A_106 : memref<!tpu.dma_semaphore, #tpu.memory_space<semaphore_mem>>) src(%dma_wait3A_117 : memref<128xf32, #tpu.memory_space<vmem>>) dst(%dma_wait3A_122 : memref<10240xf32, #tpu.memory_space<vmem_shared>>)
        tpu.yield
      }) : () -> ()
      %dma_start3A_71 = arith.constant 0 : i32
      %dma_start3A_72 = arith.constant 0 : i32
      %dma_start3A_73 = tpu.memref_slice %arg7[%dma_start3A_71, %dma_start3A_72] : memref<2x128xf32, #tpu.memory_space<vmem>> -> memref<1x128xf32, #tpu.memory_space<vmem>>
      %dma_start3A_74 = tpu.memref_squeeze %dma_start3A_73 : memref<1x128xf32, #tpu.memory_space<vmem>> -> memref<128xf32, #tpu.memory_space<vmem>>
      %dma_start3A_75 = arith.constant 0 : i32
      %dma_start3A_76 = tpu.memref_slice %arg6[%min3A_58, %dma_start3A_75] : memref<160x128xi32, #tpu.memory_space<vmem>> -> memref<1x128xi32, #tpu.memory_space<vmem>>
      %dma_start3A_77 = tpu.memref_squeeze %dma_start3A_76 : memref<1x128xi32, #tpu.memory_space<vmem>> -> memref<128xi32, #tpu.memory_space<vmem>>
      %dma_start3A_78 = arith.constant 0 : i32
      %dma_start3A_79 = tpu.memref_slice %arg2[%dma_start3A_78] : memref<10240xf32, #tpu.memory_space<hbm>> -> memref<10240xf32, #tpu.memory_space<hbm>>
      tpu.enqueue_indirect_dma source(%dma_start3A_79 : memref<10240xf32, #tpu.memory_space<hbm>>) target(%dma_start3A_74 : memref<128xf32, #tpu.memory_space<vmem>>) offsets(%dma_start3A_77 : memref<128xi32, #tpu.memory_space<vmem>>) semaphore(%arg9 : memref<!tpu.dma_semaphore, #tpu.memory_space<semaphore_mem>>)
      %add3A_80 = arith.constant 2 : i32
      %add3A_81 = arith.addi %add3A_55, %add3A_80 : i32
      %min3A_82 = arith.constant 79 : i32
      %min3A_83 = arith.minsi %add3A_81, %min3A_82 : i32
      %dma_wait3A_84 = arith.constant 0 : i32
      %dma_wait3A_85 = arith.constant 1 : i32
      %dma_wait3A_86 = arith.constant 0 : i32
      %dma_wait3A_87 = tpu.memref_slice %arg7[%dma_wait3A_85, %dma_wait3A_86] : memref<2x128xf32, #tpu.memory_space<vmem>> -> memref<1x128xf32, #tpu.memory_space<vmem>>
      %dma_wait3A_88 = tpu.memref_squeeze %dma_wait3A_87 : memref<1x128xf32, #tpu.memory_space<vmem>> -> memref<128xf32, #tpu.memory_space<vmem>>
      %dma_wait3A_89 = arith.constant 0 : i32
      %dma_wait3A_90 = tpu.memref_slice %arg6[%dma_wait3A_84, %dma_wait3A_89] : memref<160x128xi32, #tpu.memory_space<vmem>> -> memref<1x128xi32, #tpu.memory_space<vmem>>
      %dma_wait3A_91 = tpu.memref_squeeze %dma_wait3A_90 : memref<1x128xi32, #tpu.memory_space<vmem>> -> memref<128xi32, #tpu.memory_space<vmem>>
      %dma_wait3A_92 = arith.constant 0 : i32
      %dma_wait3A_93 = tpu.memref_slice %arg2[%dma_wait3A_92] : memref<10240xf32, #tpu.memory_space<hbm>> -> memref<10240xf32, #tpu.memory_space<hbm>>
      tpu.wait_indirect_dma semaphore(%arg10 : memref<!tpu.dma_semaphore, #tpu.memory_space<semaphore_mem>>) src(%dma_wait3A_93 : memref<10240xf32, #tpu.memory_space<hbm>>) dst(%dma_wait3A_88 : memref<128xf32, #tpu.memory_space<vmem>>)
      %add3A_94 = arith.constant 80 : i32
      %add3A_95 = arith.addi %add3A_94, %add3A_55 : i32
      %run_scoped3A_96 = arith.constant 1 : i32
      "tpu.region"() ({
        %run_scoped3A_106 = tpu.sem_alloc : memref<!tpu.dma_semaphore, #tpu.memory_space<semaphore_mem>>
        %dma_start3A_107 = arith.constant 0 : i32
        %dma_start3A_108 = tpu.memref_slice %arg7[%run_scoped3A_96, %dma_start3A_107] : memref<2x128xf32, #tpu.memory_space<vmem>> -> memref<1x128xf32, #tpu.memory_space<vmem>>
        %dma_start3A_109 = tpu.memref_squeeze %dma_start3A_108 : memref<1x128xf32, #tpu.memory_space<vmem>> -> memref<128xf32, #tpu.memory_space<vmem>>
        %dma_start3A_110 = arith.constant 0 : i32
        %dma_start3A_111 = tpu.memref_slice %arg6[%add3A_95, %dma_start3A_110] : memref<160x128xi32, #tpu.memory_space<vmem>> -> memref<1x128xi32, #tpu.memory_space<vmem>>
        %dma_start3A_112 = tpu.memref_squeeze %dma_start3A_111 : memref<1x128xi32, #tpu.memory_space<vmem>> -> memref<128xi32, #tpu.memory_space<vmem>>
        %dma_start3A_113 = arith.constant 0 : i32
        %dma_start3A_114 = tpu.memref_slice %arg8[%dma_start3A_113] : memref<10240xf32, #tpu.memory_space<vmem_shared>> -> memref<10240xf32, #tpu.memory_space<vmem_shared>>
        tpu.enqueue_indirect_dma source(%dma_start3A_109 : memref<128xf32, #tpu.memory_space<vmem>>) target(%dma_start3A_114 : memref<10240xf32, #tpu.memory_space<vmem_shared>>) offsets(%dma_start3A_112 : memref<128xi32, #tpu.memory_space<vmem>>) semaphore(%run_scoped3A_106 : memref<!tpu.dma_semaphore, #tpu.memory_space<semaphore_mem>>) {add = true}
        %dma_wait3A_115 = arith.constant 0 : i32
        %dma_wait3A_116 = tpu.memref_slice %arg7[%run_scoped3A_96, %dma_wait3A_115] : memref<2x128xf32, #tpu.memory_space<vmem>> -> memref<1x128xf32, #tpu.memory_space<vmem>>
        %dma_wait3A_117 = tpu.memref_squeeze %dma_wait3A_116 : memref<1x128xf32, #tpu.memory_space<vmem>> -> memref<128xf32, #tpu.memory_space<vmem>>
        %dma_wait3A_118 = arith.constant 0 : i32
        %dma_wait3A_119 = tpu.memref_slice %arg6[%add3A_95, %dma_wait3A_118] : memref<160x128xi32, #tpu.memory_space<vmem>> -> memref<1x128xi32, #tpu.memory_space<vmem>>
        %dma_wait3A_120 = tpu.memref_squeeze %dma_wait3A_119 : memref<1x128xi32, #tpu.memory_space<vmem>> -> memref<128xi32, #tpu.memory_space<vmem>>
        %dma_wait3A_121 = arith.constant 0 : i32
        %dma_wait3A_122 = tpu.memref_slice %arg8[%dma_wait3A_121] : memref<10240xf32, #tpu.memory_space<vmem_shared>> -> memref<10240xf32, #tpu.memory_space<vmem_shared>>
        tpu.wait_indirect_dma semaphore(%run_scoped3A_106 : memref<!tpu.dma_semaphore, #tpu.memory_space<semaphore_mem>>) src(%dma_wait3A_117 : memref<128xf32, #tpu.memory_space<vmem>>) dst(%dma_wait3A_122 : memref<10240xf32, #tpu.memory_space<vmem_shared>>)
        tpu.yield
      }) : () -> ()
      %dma_start3A_97 = arith.constant 1 : i32
      %dma_start3A_98 = arith.constant 0 : i32
      %dma_start3A_99 = tpu.memref_slice %arg7[%dma_start3A_97, %dma_start3A_98] : memref<2x128xf32, #tpu.memory_space<vmem>> -> memref<1x128xf32, #tpu.memory_space<vmem>>
      %dma_start3A_100 = tpu.memref_squeeze %dma_start3A_99 : memref<1x128xf32, #tpu.memory_space<vmem>> -> memref<128xf32, #tpu.memory_space<vmem>>
      %dma_start3A_101 = arith.constant 0 : i32
      %dma_start3A_102 = tpu.memref_slice %arg6[%min3A_83, %dma_start3A_101] : memref<160x128xi32, #tpu.memory_space<vmem>> -> memref<1x128xi32, #tpu.memory_space<vmem>>
      %dma_start3A_103 = tpu.memref_squeeze %dma_start3A_102 : memref<1x128xi32, #tpu.memory_space<vmem>> -> memref<128xi32, #tpu.memory_space<vmem>>
      %dma_start3A_104 = arith.constant 0 : i32
      %dma_start3A_105 = tpu.memref_slice %arg2[%dma_start3A_104] : memref<10240xf32, #tpu.memory_space<hbm>> -> memref<10240xf32, #tpu.memory_space<hbm>>
      tpu.enqueue_indirect_dma source(%dma_start3A_105 : memref<10240xf32, #tpu.memory_space<hbm>>) target(%dma_start3A_100 : memref<128xf32, #tpu.memory_space<vmem>>) offsets(%dma_start3A_103 : memref<128xi32, #tpu.memory_space<vmem>>) semaphore(%arg10 : memref<!tpu.dma_semaphore, #tpu.memory_space<semaphore_mem>>)
    }
    %scan3A_26 = arith.constant 40 : i32
    %dma_wait3A = arith.constant 0 : i32
    %dma_wait3A_27 = arith.constant 0 : i32
    %dma_wait3A_28 = arith.constant 0 : i32
    %dma_wait3A_29 = tpu.memref_slice %arg7[%dma_wait3A_27, %dma_wait3A_28] : memref<2x128xf32, #tpu.memory_space<vmem>> -> memref<1x128xf32, #tpu.memory_space<vmem>>
    %dma_wait3A_30 = tpu.memref_squeeze %dma_wait3A_29 : memref<1x128xf32, #tpu.memory_space<vmem>> -> memref<128xf32, #tpu.memory_space<vmem>>
    %dma_wait3A_31 = arith.constant 0 : i32
    %dma_wait3A_32 = tpu.memref_slice %arg6[%dma_wait3A, %dma_wait3A_31] : memref<160x128xi32, #tpu.memory_space<vmem>> -> memref<1x128xi32, #tpu.memory_space<vmem>>
    %dma_wait3A_33 = tpu.memref_squeeze %dma_wait3A_32 : memref<1x128xi32, #tpu.memory_space<vmem>> -> memref<128xi32, #tpu.memory_space<vmem>>
    %dma_wait3A_34 = arith.constant 0 : i32
    %dma_wait3A_35 = tpu.memref_slice %arg2[%dma_wait3A_34] : memref<10240xf32, #tpu.memory_space<hbm>> -> memref<10240xf32, #tpu.memory_space<hbm>>
    tpu.wait_indirect_dma semaphore(%arg9 : memref<!tpu.dma_semaphore, #tpu.memory_space<semaphore_mem>>) src(%dma_wait3A_35 : memref<10240xf32, #tpu.memory_space<hbm>>) dst(%dma_wait3A_30 : memref<128xf32, #tpu.memory_space<vmem>>)
    %dma_wait3A_36 = arith.constant 0 : i32
    %dma_wait3A_37 = arith.constant 1 : i32
    %dma_wait3A_38 = arith.constant 0 : i32
    %dma_wait3A_39 = tpu.memref_slice %arg7[%dma_wait3A_37, %dma_wait3A_38] : memref<2x128xf32, #tpu.memory_space<vmem>> -> memref<1x128xf32, #tpu.memory_space<vmem>>
    %dma_wait3A_40 = tpu.memref_squeeze %dma_wait3A_39 : memref<1x128xf32, #tpu.memory_space<vmem>> -> memref<128xf32, #tpu.memory_space<vmem>>
    %dma_wait3A_41 = arith.constant 0 : i32
    %dma_wait3A_42 = tpu.memref_slice %arg6[%dma_wait3A_36, %dma_wait3A_41] : memref<160x128xi32, #tpu.memory_space<vmem>> -> memref<1x128xi32, #tpu.memory_space<vmem>>
    %dma_wait3A_43 = tpu.memref_squeeze %dma_wait3A_42 : memref<1x128xi32, #tpu.memory_space<vmem>> -> memref<128xi32, #tpu.memory_space<vmem>>
    %dma_wait3A_44 = arith.constant 0 : i32
    %dma_wait3A_45 = tpu.memref_slice %arg2[%dma_wait3A_44] : memref<10240xf32, #tpu.memory_space<hbm>> -> memref<10240xf32, #tpu.memory_space<hbm>>
    tpu.wait_indirect_dma semaphore(%arg10 : memref<!tpu.dma_semaphore, #tpu.memory_space<semaphore_mem>>) src(%dma_wait3A_45 : memref<10240xf32, #tpu.memory_space<hbm>>) dst(%dma_wait3A_40 : memref<128xf32, #tpu.memory_space<vmem>>)
    %barrier3A_46 = arith.constant 0 : index
    tpu.barrier barrier_id(%barrier3A_46)
    %mul3A_47 = arith.constant 640 : i32
    %mul3A_48 = arith.muli %arg1, %mul3A_47 : i32
    %mul3A_49 = arith.constant 640 : i32
    %mul3A_50 = arith.muli %arg1, %mul3A_49 : i32
    "tpu.region"() ({
      %run_scoped3A = tpu.sem_alloc : memref<!tpu.dma_semaphore, #tpu.memory_space<semaphore_mem>>
      %dma_start3A_51 = tpu.memref_slice %arg5[%arg0, %mul3A_50] : memref<2x10240xf32, #tpu.memory_space<hbm>> -> memref<1x640xf32, #tpu.memory_space<hbm>>
      %dma_start3A_52 = tpu.memref_squeeze %dma_start3A_51 : memref<1x640xf32, #tpu.memory_space<hbm>> -> memref<640xf32, #tpu.memory_space<hbm>>
      %dma_start3A_53 = tpu.memref_slice %arg8[%mul3A_48] : memref<10240xf32, #tpu.memory_space<vmem_shared>> -> memref<640xf32, #tpu.memory_space<vmem_shared>>
      tpu.enqueue_dma source(%dma_start3A_53 : memref<640xf32, #tpu.memory_space<vmem_shared>>) target(%dma_start3A_52 : memref<640xf32, #tpu.memory_space<hbm>>) target_semaphore(%run_scoped3A : memref<!tpu.dma_semaphore, #tpu.memory_space<semaphore_mem>>)
      %dma_wait3A_54 = tpu.memref_slice %arg5[%arg0, %mul3A_50] : memref<2x10240xf32, #tpu.memory_space<hbm>> -> memref<1x640xf32, #tpu.memory_space<hbm>>
      %dma_wait3A_55 = tpu.memref_squeeze %dma_wait3A_54 : memref<1x640xf32, #tpu.memory_space<hbm>> -> memref<640xf32, #tpu.memory_space<hbm>>
      %dma_wait3A_56 = tpu.memref_slice %arg8[%mul3A_48] : memref<10240xf32, #tpu.memory_space<vmem_shared>> -> memref<640xf32, #tpu.memory_space<vmem_shared>>
      tpu.wait_dma2 semaphore(%run_scoped3A : memref<!tpu.dma_semaphore, #tpu.memory_space<semaphore_mem>>) src(%dma_wait3A_56 : memref<640xf32, #tpu.memory_space<vmem_shared>>) dst(%dma_wait3A_55 : memref<640xf32, #tpu.memory_space<hbm>>)
      tpu.yield
    }) : () -> ()
    return
  }
}

#map = affine_map<(d0, d1) -> (0)>
#map1 = affine_map<(d0, d1) -> (0, 0, 0)>
#map2 = affine_map<(d0, d1) -> (0, 0)>
module attributes {stable_mosaic.version = 14 : i64} {
  func.func @segsum_scal(%arg0: i32, %arg1: i32, %arg2: memref<10240xf32, #tpu.memory_space<hbm>>, %arg3: memref<32x160x128xi32, #tpu.memory_space<hbm>>, %arg4: memref<640xf32, #tpu.memory_space<hbm>>, %arg5: memref<2x10240xf32, #tpu.memory_space<hbm>>, %arg6: memref<160x128xi32, #tpu.memory_space<vmem>>, %arg7: memref<2x128xf32, #tpu.memory_space<vmem>>, %arg8: memref<10240xf32, #tpu.memory_space<vmem_shared>>, %arg9: memref<!tpu.dma_semaphore, #tpu.memory_space<semaphore_mem>>, %arg10: memref<!tpu.dma_semaphore, #tpu.memory_space<semaphore_mem>>) attributes {dimension_semantics = [#tpu.dimension_semantics<core_parallel>, #tpu.dimension_semantics<subcore_parallel>], iteration_bounds = array<i64: 2, 16>, scalar_prefetch = 0 : i64, scratch_operands = 5 : i64, tpu.core_type = #tpu.core_type<sc_vector_subcore>, window_params = [{transform_indices = #map}, {transform_indices = #map1}, {transform_indices = #map}, {transform_indices = #map2}]} {
    %mul3A = arith.constant 2 : i32
    %mul3A_0 = arith.muli %arg1, %mul3A : i32
    %add3A = arith.addi %mul3A_0, %arg0 : i32
    "tpu.region"() ({
      %run_scoped3A = tpu.sem_alloc : memref<!tpu.dma_semaphore, #tpu.memory_space<semaphore_mem>>
      %dma_start3A_51 = arith.constant 0 : i32
      %dma_start3A_52 = arith.constant 0 : i32
      %dma_start3A_53 = tpu.memref_slice %arg3[%add3A, %dma_start3A_51, %dma_start3A_52] : memref<32x160x128xi32, #tpu.memory_space<hbm>> -> memref<1x160x128xi32, #tpu.memory_space<hbm>>
      %dma_start3A_54 = tpu.memref_squeeze %dma_start3A_53 : memref<1x160x128xi32, #tpu.memory_space<hbm>> -> memref<160x128xi32, #tpu.memory_space<hbm>>
      %dma_start3A_55 = arith.constant 0 : i32
      %dma_start3A_56 = arith.constant 0 : i32
      %dma_start3A_57 = tpu.memref_slice %arg3[%add3A, %dma_start3A_55, %dma_start3A_56] : memref<32x160x128xi32, #tpu.memory_space<hbm>> -> memref<1x160x128xi32, #tpu.memory_space<hbm>>
      %dma_start3A_58 = tpu.memref_squeeze %dma_start3A_57 : memref<1x160x128xi32, #tpu.memory_space<hbm>> -> memref<160x128xi32, #tpu.memory_space<hbm>>
      tpu.enqueue_dma source(%dma_start3A_58 : memref<160x128xi32, #tpu.memory_space<hbm>>) target(%arg6 : memref<160x128xi32, #tpu.memory_space<vmem>>) target_semaphore(%run_scoped3A : memref<!tpu.dma_semaphore, #tpu.memory_space<semaphore_mem>>)
      %dma_wait3A_59 = arith.constant 0 : i32
      %dma_wait3A_60 = arith.constant 0 : i32
      %dma_wait3A_61 = tpu.memref_slice %arg3[%add3A, %dma_wait3A_59, %dma_wait3A_60] : memref<32x160x128xi32, #tpu.memory_space<hbm>> -> memref<1x160x128xi32, #tpu.memory_space<hbm>>
      %dma_wait3A_62 = tpu.memref_squeeze %dma_wait3A_61 : memref<1x160x128xi32, #tpu.memory_space<hbm>> -> memref<160x128xi32, #tpu.memory_space<hbm>>
      %dma_wait3A_63 = arith.constant 0 : i32
      %dma_wait3A_64 = arith.constant 0 : i32
      %dma_wait3A_65 = tpu.memref_slice %arg3[%add3A, %dma_wait3A_63, %dma_wait3A_64] : memref<32x160x128xi32, #tpu.memory_space<hbm>> -> memref<1x160x128xi32, #tpu.memory_space<hbm>>
      %dma_wait3A_66 = tpu.memref_squeeze %dma_wait3A_65 : memref<1x160x128xi32, #tpu.memory_space<hbm>> -> memref<160x128xi32, #tpu.memory_space<hbm>>
      tpu.wait_dma2 semaphore(%run_scoped3A : memref<!tpu.dma_semaphore, #tpu.memory_space<semaphore_mem>>) src(%dma_wait3A_66 : memref<160x128xi32, #tpu.memory_space<hbm>>) dst(%arg6 : memref<160x128xi32, #tpu.memory_space<vmem>>)
      tpu.yield
    }) : () -> ()
    %mul3A_1 = arith.constant 640 : i32
    %mul3A_2 = arith.muli %arg1, %mul3A_1 : i32
    "tpu.region"() ({
      %run_scoped3A = tpu.sem_alloc : memref<!tpu.dma_semaphore, #tpu.memory_space<semaphore_mem>>
      %dma_start3A_51 = tpu.memref_slice %arg8[%mul3A_2] : memref<10240xf32, #tpu.memory_space<vmem_shared>> -> memref<640xf32, #tpu.memory_space<vmem_shared>>
      tpu.enqueue_dma source(%arg4 : memref<640xf32, #tpu.memory_space<hbm>>) target(%dma_start3A_51 : memref<640xf32, #tpu.memory_space<vmem_shared>>) target_semaphore(%run_scoped3A : memref<!tpu.dma_semaphore, #tpu.memory_space<semaphore_mem>>)
      %dma_wait3A_52 = tpu.memref_slice %arg8[%mul3A_2] : memref<10240xf32, #tpu.memory_space<vmem_shared>> -> memref<640xf32, #tpu.memory_space<vmem_shared>>
      tpu.wait_dma2 semaphore(%run_scoped3A : memref<!tpu.dma_semaphore, #tpu.memory_space<semaphore_mem>>) src(%arg4 : memref<640xf32, #tpu.memory_space<hbm>>) dst(%dma_wait3A_52 : memref<640xf32, #tpu.memory_space<vmem_shared>>)
      tpu.yield
    }) : () -> ()
    %dma_start3A = arith.constant 0 : i32
    %dma_start3A_3 = arith.constant 0 : i32
    %dma_start3A_4 = arith.constant 0 : i32
    %dma_start3A_5 = tpu.memref_slice %arg7[%dma_start3A_3, %dma_start3A_4] : memref<2x128xf32, #tpu.memory_space<vmem>> -> memref<1x128xf32, #tpu.memory_space<vmem>>
    %dma_start3A_6 = tpu.memref_squeeze %dma_start3A_5 : memref<1x128xf32, #tpu.memory_space<vmem>> -> memref<128xf32, #tpu.memory_space<vmem>>
    %dma_start3A_7 = arith.constant 0 : i32
    %dma_start3A_8 = tpu.memref_slice %arg6[%dma_start3A, %dma_start3A_7] : memref<160x128xi32, #tpu.memory_space<vmem>> -> memref<1x128xi32, #tpu.memory_space<vmem>>
    %dma_start3A_9 = tpu.memref_squeeze %dma_start3A_8 : memref<1x128xi32, #tpu.memory_space<vmem>> -> memref<128xi32, #tpu.memory_space<vmem>>
    %dma_start3A_10 = arith.constant 0 : i32
    %dma_start3A_11 = tpu.memref_slice %arg2[%dma_start3A_10] : memref<10240xf32, #tpu.memory_space<hbm>> -> memref<10240xf32, #tpu.memory_space<hbm>>
    tpu.enqueue_indirect_dma source(%dma_start3A_11 : memref<10240xf32, #tpu.memory_space<hbm>>) target(%dma_start3A_6 : memref<128xf32, #tpu.memory_space<vmem>>) offsets(%dma_start3A_9 : memref<128xi32, #tpu.memory_space<vmem>>) semaphore(%arg9 : memref<!tpu.dma_semaphore, #tpu.memory_space<semaphore_mem>>)
    %dma_start3A_12 = arith.constant 1 : i32
    %dma_start3A_13 = arith.constant 1 : i32
    %dma_start3A_14 = arith.constant 0 : i32
    %dma_start3A_15 = tpu.memref_slice %arg7[%dma_start3A_13, %dma_start3A_14] : memref<2x128xf32, #tpu.memory_space<vmem>> -> memref<1x128xf32, #tpu.memory_space<vmem>>
    %dma_start3A_16 = tpu.memref_squeeze %dma_start3A_15 : memref<1x128xf32, #tpu.memory_space<vmem>> -> memref<128xf32, #tpu.memory_space<vmem>>
    %dma_start3A_17 = arith.constant 0 : i32
    %dma_start3A_18 = tpu.memref_slice %arg6[%dma_start3A_12, %dma_start3A_17] : memref<160x128xi32, #tpu.memory_space<vmem>> -> memref<1x128xi32, #tpu.memory_space<vmem>>
    %dma_start3A_19 = tpu.memref_squeeze %dma_start3A_18 : memref<1x128xi32, #tpu.memory_space<vmem>> -> memref<128xi32, #tpu.memory_space<vmem>>
    %dma_start3A_20 = arith.constant 0 : i32
    %dma_start3A_21 = tpu.memref_slice %arg2[%dma_start3A_20] : memref<10240xf32, #tpu.memory_space<hbm>> -> memref<10240xf32, #tpu.memory_space<hbm>>
    tpu.enqueue_indirect_dma source(%dma_start3A_21 : memref<10240xf32, #tpu.memory_space<hbm>>) target(%dma_start3A_16 : memref<128xf32, #tpu.memory_space<vmem>>) offsets(%dma_start3A_19 : memref<128xi32, #tpu.memory_space<vmem>>) semaphore(%arg10 : memref<!tpu.dma_semaphore, #tpu.memory_space<semaphore_mem>>)
    %barrier3A = arith.constant 0 : index
    tpu.barrier barrier_id(%barrier3A)
    %scan3A = arith.constant 0 : i32
    %scan3A_22 = arith.constant 0 : i32
    %scan3A_23 = arith.constant 40 : i32
    %scan3A_24 = arith.addi %scan3A_22, %scan3A_23 : i32
    %scan3A_25 = arith.constant 1 : i32
    scf.for %scan3A_51 = %scan3A_22 to %scan3A_24 step %scan3A_25  : i32 {
      %mul3A_52 = arith.constant 2 : i32
      %mul3A_53 = arith.muli %mul3A_52, %scan3A_51 : i32
      %add3A_54 = arith.constant 1 : i32
      %add3A_55 = arith.addi %mul3A_53, %add3A_54 : i32
      %add3A_56 = arith.constant 2 : i32
      %add3A_57 = arith.addi %mul3A_53, %add3A_56 : i32
      %min3A = arith.constant 79 : i32
      %min3A_58 = arith.minsi %add3A_57, %min3A : i32
      %dma_wait3A_59 = arith.constant 0 : i32
      %dma_wait3A_60 = arith.constant 0 : i32
      %dma_wait3A_61 = arith.constant 0 : i32
      %dma_wait3A_62 = tpu.memref_slice %arg7[%dma_wait3A_60, %dma_wait3A_61] : memref<2x128xf32, #tpu.memory_space<vmem>> -> memref<1x128xf32, #tpu.memory_space<vmem>>
      %dma_wait3A_63 = tpu.memref_squeeze %dma_wait3A_62 : memref<1x128xf32, #tpu.memory_space<vmem>> -> memref<128xf32, #tpu.memory_space<vmem>>
      %dma_wait3A_64 = arith.constant 0 : i32
      %dma_wait3A_65 = tpu.memref_slice %arg6[%dma_wait3A_59, %dma_wait3A_64] : memref<160x128xi32, #tpu.memory_space<vmem>> -> memref<1x128xi32, #tpu.memory_space<vmem>>
      %dma_wait3A_66 = tpu.memref_squeeze %dma_wait3A_65 : memref<1x128xi32, #tpu.memory_space<vmem>> -> memref<128xi32, #tpu.memory_space<vmem>>
      %dma_wait3A_67 = arith.constant 0 : i32
      %dma_wait3A_68 = tpu.memref_slice %arg2[%dma_wait3A_67] : memref<10240xf32, #tpu.memory_space<hbm>> -> memref<10240xf32, #tpu.memory_space<hbm>>
      tpu.wait_indirect_dma semaphore(%arg9 : memref<!tpu.dma_semaphore, #tpu.memory_space<semaphore_mem>>) src(%dma_wait3A_68 : memref<10240xf32, #tpu.memory_space<hbm>>) dst(%dma_wait3A_63 : memref<128xf32, #tpu.memory_space<vmem>>)
      %add3A_69 = arith.constant 80 : i32
      %add3A_70 = arith.addi %add3A_69, %mul3A_53 : i32
      %run_scoped3A = arith.constant 0 : i32
      "tpu.region"() ({
        %run_scoped3A_106 = tpu.sem_alloc : memref<!tpu.dma_semaphore, #tpu.memory_space<semaphore_mem>>
        %dma_start3A_107 = arith.constant 0 : i32
        %dma_start3A_108 = tpu.memref_slice %arg7[%run_scoped3A, %dma_start3A_107] : memref<2x128xf32, #tpu.memory_space<vmem>> -> memref<1x128xf32, #tpu.memory_space<vmem>>
        %dma_start3A_109 = tpu.memref_squeeze %dma_start3A_108 : memref<1x128xf32, #tpu.memory_space<vmem>> -> memref<128xf32, #tpu.memory_space<vmem>>
        %dma_start3A_110 = arith.constant 0 : i32
        %dma_start3A_111 = tpu.memref_slice %arg6[%add3A_70, %dma_start3A_110] : memref<160x128xi32, #tpu.memory_space<vmem>> -> memref<1x128xi32, #tpu.memory_space<vmem>>
        %dma_start3A_112 = tpu.memref_squeeze %dma_start3A_111 : memref<1x128xi32, #tpu.memory_space<vmem>> -> memref<128xi32, #tpu.memory_space<vmem>>
        %dma_start3A_113 = arith.constant 0 : i32
        %dma_start3A_114 = tpu.memref_slice %arg8[%dma_start3A_113] : memref<10240xf32, #tpu.memory_space<vmem_shared>> -> memref<10240xf32, #tpu.memory_space<vmem_shared>>
        tpu.enqueue_indirect_dma source(%dma_start3A_109 : memref<128xf32, #tpu.memory_space<vmem>>) target(%dma_start3A_114 : memref<10240xf32, #tpu.memory_space<vmem_shared>>) offsets(%dma_start3A_112 : memref<128xi32, #tpu.memory_space<vmem>>) semaphore(%run_scoped3A_106 : memref<!tpu.dma_semaphore, #tpu.memory_space<semaphore_mem>>) {add = true}
        %dma_wait3A_115 = arith.constant 0 : i32
        %dma_wait3A_116 = tpu.memref_slice %arg7[%run_scoped3A, %dma_wait3A_115] : memref<2x128xf32, #tpu.memory_space<vmem>> -> memref<1x128xf32, #tpu.memory_space<vmem>>
        %dma_wait3A_117 = tpu.memref_squeeze %dma_wait3A_116 : memref<1x128xf32, #tpu.memory_space<vmem>> -> memref<128xf32, #tpu.memory_space<vmem>>
        %dma_wait3A_118 = arith.constant 0 : i32
        %dma_wait3A_119 = tpu.memref_slice %arg6[%add3A_70, %dma_wait3A_118] : memref<160x128xi32, #tpu.memory_space<vmem>> -> memref<1x128xi32, #tpu.memory_space<vmem>>
        %dma_wait3A_120 = tpu.memref_squeeze %dma_wait3A_119 : memref<1x128xi32, #tpu.memory_space<vmem>> -> memref<128xi32, #tpu.memory_space<vmem>>
        %dma_wait3A_121 = arith.constant 0 : i32
        %dma_wait3A_122 = tpu.memref_slice %arg8[%dma_wait3A_121] : memref<10240xf32, #tpu.memory_space<vmem_shared>> -> memref<10240xf32, #tpu.memory_space<vmem_shared>>
        tpu.wait_indirect_dma semaphore(%run_scoped3A_106 : memref<!tpu.dma_semaphore, #tpu.memory_space<semaphore_mem>>) src(%dma_wait3A_117 : memref<128xf32, #tpu.memory_space<vmem>>) dst(%dma_wait3A_122 : memref<10240xf32, #tpu.memory_space<vmem_shared>>)
        tpu.yield
      }) : () -> ()
      %dma_start3A_71 = arith.constant 0 : i32
      %dma_start3A_72 = arith.constant 0 : i32
      %dma_start3A_73 = tpu.memref_slice %arg7[%dma_start3A_71, %dma_start3A_72] : memref<2x128xf32, #tpu.memory_space<vmem>> -> memref<1x128xf32, #tpu.memory_space<vmem>>
      %dma_start3A_74 = tpu.memref_squeeze %dma_start3A_73 : memref<1x128xf32, #tpu.memory_space<vmem>> -> memref<128xf32, #tpu.memory_space<vmem>>
      %dma_start3A_75 = arith.constant 0 : i32
      %dma_start3A_76 = tpu.memref_slice %arg6[%min3A_58, %dma_start3A_75] : memref<160x128xi32, #tpu.memory_space<vmem>> -> memref<1x128xi32, #tpu.memory_space<vmem>>
      %dma_start3A_77 = tpu.memref_squeeze %dma_start3A_76 : memref<1x128xi32, #tpu.memory_space<vmem>> -> memref<128xi32, #tpu.memory_space<vmem>>
      %dma_start3A_78 = arith.constant 0 : i32
      %dma_start3A_79 = tpu.memref_slice %arg2[%dma_start3A_78] : memref<10240xf32, #tpu.memory_space<hbm>> -> memref<10240xf32, #tpu.memory_space<hbm>>
      tpu.enqueue_indirect_dma source(%dma_start3A_79 : memref<10240xf32, #tpu.memory_space<hbm>>) target(%dma_start3A_74 : memref<128xf32, #tpu.memory_space<vmem>>) offsets(%dma_start3A_77 : memref<128xi32, #tpu.memory_space<vmem>>) semaphore(%arg9 : memref<!tpu.dma_semaphore, #tpu.memory_space<semaphore_mem>>)
      %add3A_80 = arith.constant 2 : i32
      %add3A_81 = arith.addi %add3A_55, %add3A_80 : i32
      %min3A_82 = arith.constant 79 : i32
      %min3A_83 = arith.minsi %add3A_81, %min3A_82 : i32
      %dma_wait3A_84 = arith.constant 0 : i32
      %dma_wait3A_85 = arith.constant 1 : i32
      %dma_wait3A_86 = arith.constant 0 : i32
      %dma_wait3A_87 = tpu.memref_slice %arg7[%dma_wait3A_85, %dma_wait3A_86] : memref<2x128xf32, #tpu.memory_space<vmem>> -> memref<1x128xf32, #tpu.memory_space<vmem>>
      %dma_wait3A_88 = tpu.memref_squeeze %dma_wait3A_87 : memref<1x128xf32, #tpu.memory_space<vmem>> -> memref<128xf32, #tpu.memory_space<vmem>>
      %dma_wait3A_89 = arith.constant 0 : i32
      %dma_wait3A_90 = tpu.memref_slice %arg6[%dma_wait3A_84, %dma_wait3A_89] : memref<160x128xi32, #tpu.memory_space<vmem>> -> memref<1x128xi32, #tpu.memory_space<vmem>>
      %dma_wait3A_91 = tpu.memref_squeeze %dma_wait3A_90 : memref<1x128xi32, #tpu.memory_space<vmem>> -> memref<128xi32, #tpu.memory_space<vmem>>
      %dma_wait3A_92 = arith.constant 0 : i32
      %dma_wait3A_93 = tpu.memref_slice %arg2[%dma_wait3A_92] : memref<10240xf32, #tpu.memory_space<hbm>> -> memref<10240xf32, #tpu.memory_space<hbm>>
      tpu.wait_indirect_dma semaphore(%arg10 : memref<!tpu.dma_semaphore, #tpu.memory_space<semaphore_mem>>) src(%dma_wait3A_93 : memref<10240xf32, #tpu.memory_space<hbm>>) dst(%dma_wait3A_88 : memref<128xf32, #tpu.memory_space<vmem>>)
      %add3A_94 = arith.constant 80 : i32
      %add3A_95 = arith.addi %add3A_94, %add3A_55 : i32
      %run_scoped3A_96 = arith.constant 1 : i32
      "tpu.region"() ({
        %run_scoped3A_106 = tpu.sem_alloc : memref<!tpu.dma_semaphore, #tpu.memory_space<semaphore_mem>>
        %dma_start3A_107 = arith.constant 0 : i32
        %dma_start3A_108 = tpu.memref_slice %arg7[%run_scoped3A_96, %dma_start3A_107] : memref<2x128xf32, #tpu.memory_space<vmem>> -> memref<1x128xf32, #tpu.memory_space<vmem>>
        %dma_start3A_109 = tpu.memref_squeeze %dma_start3A_108 : memref<1x128xf32, #tpu.memory_space<vmem>> -> memref<128xf32, #tpu.memory_space<vmem>>
        %dma_start3A_110 = arith.constant 0 : i32
        %dma_start3A_111 = tpu.memref_slice %arg6[%add3A_95, %dma_start3A_110] : memref<160x128xi32, #tpu.memory_space<vmem>> -> memref<1x128xi32, #tpu.memory_space<vmem>>
        %dma_start3A_112 = tpu.memref_squeeze %dma_start3A_111 : memref<1x128xi32, #tpu.memory_space<vmem>> -> memref<128xi32, #tpu.memory_space<vmem>>
        %dma_start3A_113 = arith.constant 0 : i32
        %dma_start3A_114 = tpu.memref_slice %arg8[%dma_start3A_113] : memref<10240xf32, #tpu.memory_space<vmem_shared>> -> memref<10240xf32, #tpu.memory_space<vmem_shared>>
        tpu.enqueue_indirect_dma source(%dma_start3A_109 : memref<128xf32, #tpu.memory_space<vmem>>) target(%dma_start3A_114 : memref<10240xf32, #tpu.memory_space<vmem_shared>>) offsets(%dma_start3A_112 : memref<128xi32, #tpu.memory_space<vmem>>) semaphore(%run_scoped3A_106 : memref<!tpu.dma_semaphore, #tpu.memory_space<semaphore_mem>>) {add = true}
        %dma_wait3A_115 = arith.constant 0 : i32
        %dma_wait3A_116 = tpu.memref_slice %arg7[%run_scoped3A_96, %dma_wait3A_115] : memref<2x128xf32, #tpu.memory_space<vmem>> -> memref<1x128xf32, #tpu.memory_space<vmem>>
        %dma_wait3A_117 = tpu.memref_squeeze %dma_wait3A_116 : memref<1x128xf32, #tpu.memory_space<vmem>> -> memref<128xf32, #tpu.memory_space<vmem>>
        %dma_wait3A_118 = arith.constant 0 : i32
        %dma_wait3A_119 = tpu.memref_slice %arg6[%add3A_95, %dma_wait3A_118] : memref<160x128xi32, #tpu.memory_space<vmem>> -> memref<1x128xi32, #tpu.memory_space<vmem>>
        %dma_wait3A_120 = tpu.memref_squeeze %dma_wait3A_119 : memref<1x128xi32, #tpu.memory_space<vmem>> -> memref<128xi32, #tpu.memory_space<vmem>>
        %dma_wait3A_121 = arith.constant 0 : i32
        %dma_wait3A_122 = tpu.memref_slice %arg8[%dma_wait3A_121] : memref<10240xf32, #tpu.memory_space<vmem_shared>> -> memref<10240xf32, #tpu.memory_space<vmem_shared>>
        tpu.wait_indirect_dma semaphore(%run_scoped3A_106 : memref<!tpu.dma_semaphore, #tpu.memory_space<semaphore_mem>>) src(%dma_wait3A_117 : memref<128xf32, #tpu.memory_space<vmem>>) dst(%dma_wait3A_122 : memref<10240xf32, #tpu.memory_space<vmem_shared>>)
        tpu.yield
      }) : () -> ()
      %dma_start3A_97 = arith.constant 1 : i32
      %dma_start3A_98 = arith.constant 0 : i32
      %dma_start3A_99 = tpu.memref_slice %arg7[%dma_start3A_97, %dma_start3A_98] : memref<2x128xf32, #tpu.memory_space<vmem>> -> memref<1x128xf32, #tpu.memory_space<vmem>>
      %dma_start3A_100 = tpu.memref_squeeze %dma_start3A_99 : memref<1x128xf32, #tpu.memory_space<vmem>> -> memref<128xf32, #tpu.memory_space<vmem>>
      %dma_start3A_101 = arith.constant 0 : i32
      %dma_start3A_102 = tpu.memref_slice %arg6[%min3A_83, %dma_start3A_101] : memref<160x128xi32, #tpu.memory_space<vmem>> -> memref<1x128xi32, #tpu.memory_space<vmem>>
      %dma_start3A_103 = tpu.memref_squeeze %dma_start3A_102 : memref<1x128xi32, #tpu.memory_space<vmem>> -> memref<128xi32, #tpu.memory_space<vmem>>
      %dma_start3A_104 = arith.constant 0 : i32
      %dma_start3A_105 = tpu.memref_slice %arg2[%dma_start3A_104] : memref<10240xf32, #tpu.memory_space<hbm>> -> memref<10240xf32, #tpu.memory_space<hbm>>
      tpu.enqueue_indirect_dma source(%dma_start3A_105 : memref<10240xf32, #tpu.memory_space<hbm>>) target(%dma_start3A_100 : memref<128xf32, #tpu.memory_space<vmem>>) offsets(%dma_start3A_103 : memref<128xi32, #tpu.memory_space<vmem>>) semaphore(%arg10 : memref<!tpu.dma_semaphore, #tpu.memory_space<semaphore_mem>>)
    }
    %scan3A_26 = arith.constant 40 : i32
    %dma_wait3A = arith.constant 0 : i32
    %dma_wait3A_27 = arith.constant 0 : i32
    %dma_wait3A_28 = arith.constant 0 : i32
    %dma_wait3A_29 = tpu.memref_slice %arg7[%dma_wait3A_27, %dma_wait3A_28] : memref<2x128xf32, #tpu.memory_space<vmem>> -> memref<1x128xf32, #tpu.memory_space<vmem>>
    %dma_wait3A_30 = tpu.memref_squeeze %dma_wait3A_29 : memref<1x128xf32, #tpu.memory_space<vmem>> -> memref<128xf32, #tpu.memory_space<vmem>>
    %dma_wait3A_31 = arith.constant 0 : i32
    %dma_wait3A_32 = tpu.memref_slice %arg6[%dma_wait3A, %dma_wait3A_31] : memref<160x128xi32, #tpu.memory_space<vmem>> -> memref<1x128xi32, #tpu.memory_space<vmem>>
    %dma_wait3A_33 = tpu.memref_squeeze %dma_wait3A_32 : memref<1x128xi32, #tpu.memory_space<vmem>> -> memref<128xi32, #tpu.memory_space<vmem>>
    %dma_wait3A_34 = arith.constant 0 : i32
    %dma_wait3A_35 = tpu.memref_slice %arg2[%dma_wait3A_34] : memref<10240xf32, #tpu.memory_space<hbm>> -> memref<10240xf32, #tpu.memory_space<hbm>>
    tpu.wait_indirect_dma semaphore(%arg9 : memref<!tpu.dma_semaphore, #tpu.memory_space<semaphore_mem>>) src(%dma_wait3A_35 : memref<10240xf32, #tpu.memory_space<hbm>>) dst(%dma_wait3A_30 : memref<128xf32, #tpu.memory_space<vmem>>)
    %dma_wait3A_36 = arith.constant 0 : i32
    %dma_wait3A_37 = arith.constant 1 : i32
    %dma_wait3A_38 = arith.constant 0 : i32
    %dma_wait3A_39 = tpu.memref_slice %arg7[%dma_wait3A_37, %dma_wait3A_38] : memref<2x128xf32, #tpu.memory_space<vmem>> -> memref<1x128xf32, #tpu.memory_space<vmem>>
    %dma_wait3A_40 = tpu.memref_squeeze %dma_wait3A_39 : memref<1x128xf32, #tpu.memory_space<vmem>> -> memref<128xf32, #tpu.memory_space<vmem>>
    %dma_wait3A_41 = arith.constant 0 : i32
    %dma_wait3A_42 = tpu.memref_slice %arg6[%dma_wait3A_36, %dma_wait3A_41] : memref<160x128xi32, #tpu.memory_space<vmem>> -> memref<1x128xi32, #tpu.memory_space<vmem>>
    %dma_wait3A_43 = tpu.memref_squeeze %dma_wait3A_42 : memref<1x128xi32, #tpu.memory_space<vmem>> -> memref<128xi32, #tpu.memory_space<vmem>>
    %dma_wait3A_44 = arith.constant 0 : i32
    %dma_wait3A_45 = tpu.memref_slice %arg2[%dma_wait3A_44] : memref<10240xf32, #tpu.memory_space<hbm>> -> memref<10240xf32, #tpu.memory_space<hbm>>
    tpu.wait_indirect_dma semaphore(%arg10 : memref<!tpu.dma_semaphore, #tpu.memory_space<semaphore_mem>>) src(%dma_wait3A_45 : memref<10240xf32, #tpu.memory_space<hbm>>) dst(%dma_wait3A_40 : memref<128xf32, #tpu.memory_space<vmem>>)
    %barrier3A_46 = arith.constant 0 : index
    tpu.barrier barrier_id(%barrier3A_46)
    %mul3A_47 = arith.constant 640 : i32
    %mul3A_48 = arith.muli %arg1, %mul3A_47 : i32
    %mul3A_49 = arith.constant 640 : i32
    %mul3A_50 = arith.muli %arg1, %mul3A_49 : i32
    "tpu.region"() ({
      %run_scoped3A = tpu.sem_alloc : memref<!tpu.dma_semaphore, #tpu.memory_space<semaphore_mem>>
      %dma_start3A_51 = tpu.memref_slice %arg5[%arg0, %mul3A_50] : memref<2x10240xf32, #tpu.memory_space<hbm>> -> memref<1x640xf32, #tpu.memory_space<hbm>>
      %dma_start3A_52 = tpu.memref_squeeze %dma_start3A_51 : memref<1x640xf32, #tpu.memory_space<hbm>> -> memref<640xf32, #tpu.memory_space<hbm>>
      %dma_start3A_53 = tpu.memref_slice %arg8[%mul3A_48] : memref<10240xf32, #tpu.memory_space<vmem_shared>> -> memref<640xf32, #tpu.memory_space<vmem_shared>>
      tpu.enqueue_dma source(%dma_start3A_53 : memref<640xf32, #tpu.memory_space<vmem_shared>>) target(%dma_start3A_52 : memref<640xf32, #tpu.memory_space<hbm>>) target_semaphore(%run_scoped3A : memref<!tpu.dma_semaphore, #tpu.memory_space<semaphore_mem>>)
      %dma_wait3A_54 = tpu.memref_slice %arg5[%arg0, %mul3A_50] : memref<2x10240xf32, #tpu.memory_space<hbm>> -> memref<1x640xf32, #tpu.memory_space<hbm>>
      %dma_wait3A_55 = tpu.memref_squeeze %dma_wait3A_54 : memref<1x640xf32, #tpu.memory_space<hbm>> -> memref<640xf32, #tpu.memory_space<hbm>>
      %dma_wait3A_56 = tpu.memref_slice %arg8[%mul3A_48] : memref<10240xf32, #tpu.memory_space<vmem_shared>> -> memref<640xf32, #tpu.memory_space<vmem_shared>>
      tpu.wait_dma2 semaphore(%run_scoped3A : memref<!tpu.dma_semaphore, #tpu.memory_space<semaphore_mem>>) src(%dma_wait3A_56 : memref<640xf32, #tpu.memory_space<vmem_shared>>) dst(%dma_wait3A_55 : memref<640xf32, #tpu.memory_space<hbm>>)
      tpu.yield
    }) : () -> ()
    return
  }
}

module attributes {stable_mosaic.version = 14 : i64} {
  func.func @_first_h(%arg0: memref<10000x128xf32, #tpu.memory_space<vmem>>, %arg1: memref<128x128xf32, #tpu.memory_space<vmem>>, %arg2: memref<1x128xf32, #tpu.memory_space<vmem>>, %arg3: memref<10240x128xf32, #tpu.memory_space<vmem>>) attributes {dimension_semantics = [], scalar_prefetch = 0 : i64, scratch_operands = 0 : i64, tpu.core_type = #tpu.core_type<tc>} {
    %get3A = arith.constant 0 : index
    %get3A_0 = arith.constant 0 : index
    %get3A_1 = vector.load %arg0[%get3A, %get3A_0] : memref<10000x128xf32, #tpu.memory_space<vmem>>, vector<10000x128xf32>
    %get3A_2 = arith.constant 0 : index
    %get3A_3 = arith.constant 0 : index
    %get3A_4 = vector.load %arg1[%get3A_2, %get3A_3] : memref<128x128xf32, #tpu.memory_space<vmem>>, vector<128x128xf32>
    %dot_general3A = arith.constant dense<0.000000e+00> : vector<10000x128xf32>
    %dot_general3A_5 = tpu.matmul %get3A_1, %get3A_4, %dot_general3A {dimension_numbers = #tpu.dot_dimension_numbers<[1], [0], [0], [1], [0, 0, 1, 1], [], []>, transpose_lhs_hint = false} : vector<10000x128xf32>, vector<128x128xf32>, vector<10000x128xf32> -> vector<10000x128xf32>
    %get3A_6 = arith.constant 0 : index
    %get3A_7 = arith.constant 0 : index
    %get3A_8 = vector.load %arg2[%get3A_6, %get3A_7] : memref<1x128xf32, #tpu.memory_space<vmem>>, vector<1x128xf32>
    %add3A = vector.broadcast %get3A_8 : vector<1x128xf32> to vector<10000x128xf32>
    %add3A_9 = arith.addf %dot_general3A_5, %add3A : vector<10000x128xf32>
    %max3A = arith.constant 0.000000e+00 : f32
    %max3A_10 = vector.broadcast %max3A : f32 to vector<10000x128xf32>
    %max3A_11 = arith.maximumf %add3A_9, %max3A_10 : vector<10000x128xf32>
    %swap3A = arith.constant 0 : index
    %swap3A_12 = arith.constant 0 : index
    %swap3A_13 = vector.load %arg3[%swap3A, %swap3A_12] : memref<10240x128xf32, #tpu.memory_space<vmem>>, vector<10000x128xf32>
    tpu.vector_store %arg3[%swap3A, %swap3A_12], %max3A_11 {strides = array<i32>} : memref<10240x128xf32, #tpu.memory_space<vmem>>, vector<10000x128xf32>,
    %broadcast_in_dim3A = arith.constant 0.000000e+00 : f32
    %broadcast_in_dim3A_14 = vector.broadcast %broadcast_in_dim3A : f32 to vector<240x128xf32>
    %swap3A_15 = arith.constant 10000 : index
    %swap3A_16 = arith.constant 0 : index
    %swap3A_17 = vector.load %arg3[%swap3A_15, %swap3A_16] : memref<10240x128xf32, #tpu.memory_space<vmem>>, vector<240x128xf32>
    tpu.vector_store %arg3[%swap3A_15, %swap3A_16], %broadcast_in_dim3A_14 {strides = array<i32>} : memref<10240x128xf32, #tpu.memory_space<vmem>>, vector<240x128xf32>,
    return
  }
}

module attributes {stable_mosaic.version = 14 : i64} {
  func.func @_gin_mlp(%arg0: i32, %arg1: memref<1280x128xf32, #tpu.memory_space<vmem>>, %arg2: memref<1280x128xf32, #tpu.memory_space<vmem>>, %arg3: memref<1280x128xf32, #tpu.memory_space<vmem>>, %arg4: memref<1280x1xf32, #tpu.memory_space<vmem>>, %arg5: memref<128x128xf32, #tpu.memory_space<vmem>>, %arg6: memref<1x128xf32, #tpu.memory_space<vmem>>, %arg7: memref<128x128xf32, #tpu.memory_space<vmem>>, %arg8: memref<1x128xf32, #tpu.memory_space<vmem>>, %arg9: memref<128x1xf32, #tpu.memory_space<vmem>>, %arg10: memref<128x1xf32, #tpu.memory_space<vmem>>, %arg11: memref<1280x128xf32, #tpu.memory_space<vmem>>, %arg12: memref<1280x1xf32, #tpu.memory_space<vmem>>, %arg13: memref<1280x1xf32, #tpu.memory_space<vmem>>) attributes {dimension_semantics = [#tpu.dimension_semantics<arbitrary>], iteration_bounds = array<i64: 8>, scalar_prefetch = 0 : i64, scratch_operands = 0 : i64, tpu.core_type = #tpu.core_type<tc>, window_params = [{transform_indices = @transform_0, window_bounds = array<i64: 1280, 128>}, {transform_indices = @transform_1, window_bounds = array<i64: 1280, 128>}, {transform_indices = @transform_2, window_bounds = array<i64: 1280, 128>}, {transform_indices = @transform_3, window_bounds = array<i64: 1280, 1>}, {pipeline_mode = #tpu.pipeline_mode<synchronous>, transform_indices = @transform_4, window_bounds = array<i64: 128, 128>}, {pipeline_mode = #tpu.pipeline_mode<synchronous>, transform_indices = @transform_5, window_bounds = array<i64: 1, 128>}, {pipeline_mode = #tpu.pipeline_mode<synchronous>, transform_indices = @transform_6, window_bounds = array<i64: 128, 128>}, {pipeline_mode = #tpu.pipeline_mode<synchronous>, transform_indices = @transform_7, window_bounds = array<i64: 1, 128>}, {pipeline_mode = #tpu.pipeline_mode<synchronous>, transform_indices = @transform_8, window_bounds = array<i64: 128, 1>}, {pipeline_mode = #tpu.pipeline_mode<synchronous>, transform_indices = @transform_9, window_bounds = array<i64: 128, 1>}, {transform_indices = @transform_10, window_bounds = array<i64: 1280, 128>}, {transform_indices = @transform_11, window_bounds = array<i64: 1280, 1>}, {transform_indices = @transform_12, window_bounds = array<i64: 1280, 1>}]} {
    %get3A = arith.constant 0 : index
    %get3A_0 = arith.constant 0 : index
    %get3A_1 = vector.load %arg1[%get3A, %get3A_0] : memref<1280x128xf32, #tpu.memory_space<vmem>>, vector<1280x128xf32>
    %get3A_2 = arith.constant 0 : index
    %get3A_3 = arith.constant 0 : index
    %get3A_4 = vector.load %arg2[%get3A_2, %get3A_3] : memref<1280x128xf32, #tpu.memory_space<vmem>>, vector<1280x128xf32>
    %add3A = arith.addf %get3A_1, %get3A_4 : vector<1280x128xf32>
    %get3A_5 = arith.constant 0 : index
    %get3A_6 = arith.constant 0 : index
    %get3A_7 = vector.load %arg3[%get3A_5, %get3A_6] : memref<1280x128xf32, #tpu.memory_space<vmem>>, vector<1280x128xf32>
    %add3A_8 = arith.addf %add3A, %get3A_7 : vector<1280x128xf32>
    %get3A_9 = arith.constant 0 : index
    %get3A_10 = arith.constant 0 : index
    %get3A_11 = vector.load %arg5[%get3A_9, %get3A_10] : memref<128x128xf32, #tpu.memory_space<vmem>>, vector<128x128xf32>
    %dot_general3A = arith.constant dense<0.000000e+00> : vector<1280x128xf32>
    %dot_general3A_12 = tpu.matmul %add3A_8, %get3A_11, %dot_general3A {dimension_numbers = #tpu.dot_dimension_numbers<[1], [0], [0], [1], [0, 0, 1, 1], [], []>, transpose_lhs_hint = false} : vector<1280x128xf32>, vector<128x128xf32>, vector<1280x128xf32> -> vector<1280x128xf32>
    %get3A_13 = arith.constant 0 : index
    %get3A_14 = arith.constant 0 : index
    %get3A_15 = vector.load %arg6[%get3A_13, %get3A_14] : memref<1x128xf32, #tpu.memory_space<vmem>>, vector<1x128xf32>
    %add3A_16 = vector.broadcast %get3A_15 : vector<1x128xf32> to vector<1280x128xf32>
    %add3A_17 = arith.addf %dot_general3A_12, %add3A_16 : vector<1280x128xf32>
    %max3A = arith.constant 0.000000e+00 : f32
    %max3A_18 = vector.broadcast %max3A : f32 to vector<1280x128xf32>
    %max3A_19 = arith.maximumf %add3A_17, %max3A_18 : vector<1280x128xf32>
    %get3A_20 = arith.constant 0 : index
    %get3A_21 = arith.constant 0 : index
    %get3A_22 = vector.load %arg7[%get3A_20, %get3A_21] : memref<128x128xf32, #tpu.memory_space<vmem>>, vector<128x128xf32>
    %dot_general3A_23 = arith.constant dense<0.000000e+00> : vector<1280x128xf32>
    %dot_general3A_24 = tpu.matmul %max3A_19, %get3A_22, %dot_general3A_23 {dimension_numbers = #tpu.dot_dimension_numbers<[1], [0], [0], [1], [0, 0, 1, 1], [], []>, transpose_lhs_hint = false} : vector<1280x128xf32>, vector<128x128xf32>, vector<1280x128xf32> -> vector<1280x128xf32>
    %get3A_25 = arith.constant 0 : index
    %get3A_26 = arith.constant 0 : index
    %get3A_27 = vector.load %arg8[%get3A_25, %get3A_26] : memref<1x128xf32, #tpu.memory_space<vmem>>, vector<1x128xf32>
    %add3A_28 = vector.broadcast %get3A_27 : vector<1x128xf32> to vector<1280x128xf32>
    %add3A_29 = arith.addf %dot_general3A_24, %add3A_28 : vector<1280x128xf32>
    %swap3A = arith.constant 0 : index
    %swap3A_30 = arith.constant 0 : index
    %swap3A_31 = vector.load %arg11[%swap3A, %swap3A_30] : memref<1280x128xf32, #tpu.memory_space<vmem>>, vector<1280x128xf32>
    tpu.vector_store %arg11[%swap3A, %swap3A_30], %add3A_29 {strides = array<i32>} : memref<1280x128xf32, #tpu.memory_space<vmem>>, vector<1280x128xf32>,
    %get3A_32 = arith.constant 0 : index
    %get3A_33 = arith.constant 0 : index
    %get3A_34 = vector.load %arg9[%get3A_32, %get3A_33] : memref<128x1xf32, #tpu.memory_space<vmem>>, vector<128x1xf32>
    %dot_general3A_35 = arith.constant dense<0.000000e+00> : vector<1280x1xf32>
    %dot_general3A_36 = tpu.matmul %add3A_29, %get3A_34, %dot_general3A_35 {dimension_numbers = #tpu.dot_dimension_numbers<[1], [0], [0], [1], [0, 0, 1, 1], [], []>, transpose_lhs_hint = false} : vector<1280x128xf32>, vector<128x1xf32>, vector<1280x1xf32> -> vector<1280x1xf32>
    %swap3A_37 = arith.constant 0 : index
    %swap3A_38 = arith.constant 0 : index
    %swap3A_39 = vector.load %arg12[%swap3A_37, %swap3A_38] : memref<1280x1xf32, #tpu.memory_space<vmem>>, vector<1280x1xf32>
    tpu.vector_store %arg12[%swap3A_37, %swap3A_38], %dot_general3A_36 {strides = array<i32>} : memref<1280x1xf32, #tpu.memory_space<vmem>>, vector<1280x1xf32>,
    %get3A_40 = arith.constant 0 : index
    %get3A_41 = arith.constant 0 : index
    %get3A_42 = vector.load %arg10[%get3A_40, %get3A_41] : memref<128x1xf32, #tpu.memory_space<vmem>>, vector<128x1xf32>
    %dot_general3A_43 = arith.constant dense<0.000000e+00> : vector<1280x1xf32>
    %dot_general3A_44 = tpu.matmul %add3A_29, %get3A_42, %dot_general3A_43 {dimension_numbers = #tpu.dot_dimension_numbers<[1], [0], [0], [1], [0, 0, 1, 1], [], []>, transpose_lhs_hint = false} : vector<1280x128xf32>, vector<128x1xf32>, vector<1280x1xf32> -> vector<1280x1xf32>
    %get3A_45 = arith.constant 0 : index
    %get3A_46 = arith.constant 0 : index
    %get3A_47 = vector.load %arg4[%get3A_45, %get3A_46] : memref<1280x1xf32, #tpu.memory_space<vmem>>, vector<1280x1xf32>
    %mul3A = arith.mulf %dot_general3A_44, %get3A_47 : vector<1280x1xf32>
    %swap3A_48 = arith.constant 0 : index
    %swap3A_49 = arith.constant 0 : index
    %swap3A_50 = vector.load %arg13[%swap3A_48, %swap3A_49] : memref<1280x1xf32, #tpu.memory_space<vmem>>, vector<1280x1xf32>
    tpu.vector_store %arg13[%swap3A_48, %swap3A_49], %mul3A {strides = array<i32>} : memref<1280x1xf32, #tpu.memory_space<vmem>>, vector<1280x1xf32>,
    return
  }
  func.func @transform_0(%arg0: i32) -> (i32, i32) {
    %c0_i32 = arith.constant 0 : i32
    %c0_i32_0 = arith.constant 0 : i32
    return %arg0, %c0_i32 : i32, i32
  }
  func.func @transform_1(%arg0: i32) -> (i32, i32) {
    %c0_i32 = arith.constant 0 : i32
    %c0_i32_0 = arith.constant 0 : i32
    return %arg0, %c0_i32 : i32, i32
  }
  func.func @transform_2(%arg0: i32) -> (i32, i32) {
    %c0_i32 = arith.constant 0 : i32
    %c0_i32_0 = arith.constant 0 : i32
    return %arg0, %c0_i32 : i32, i32
  }
  func.func @transform_3(%arg0: i32) -> (i32, i32) {
    %c0_i32 = arith.constant 0 : i32
    %c0_i32_0 = arith.constant 0 : i32
    return %arg0, %c0_i32 : i32, i32
  }
  func.func @transform_4(%arg0: i32) -> (i32, i32) {
    %c0_i32 = arith.constant 0 : i32
    %c0_i32_0 = arith.constant 0 : i32
    %c0_i32_1 = arith.constant 0 : i32
    return %c0_i32, %c0_i32_0 : i32, i32
  }
  func.func @transform_5(%arg0: i32) -> (i32, i32) {
    %c0_i32 = arith.constant 0 : i32
    %c0_i32_0 = arith.constant 0 : i32
    %c0_i32_1 = arith.constant 0 : i32
    return %c0_i32, %c0_i32_0 : i32, i32
  }
  func.func @transform_6(%arg0: i32) -> (i32, i32) {
    %c0_i32 = arith.constant 0 : i32
    %c0_i32_0 = arith.constant 0 : i32
    %c0_i32_1 = arith.constant 0 : i32
    return %c0_i32, %c0_i32_0 : i32, i32
  }
  func.func @transform_7(%arg0: i32) -> (i32, i32) {
    %c0_i32 = arith.constant 0 : i32
    %c0_i32_0 = arith.constant 0 : i32
    %c0_i32_1 = arith.constant 0 : i32
    return %c0_i32, %c0_i32_0 : i32, i32
  }
  func.func @transform_8(%arg0: i32) -> (i32, i32) {
    %c0_i32 = arith.constant 0 : i32
    %c0_i32_0 = arith.constant 0 : i32
    %c0_i32_1 = arith.constant 0 : i32
    return %c0_i32, %c0_i32_0 : i32, i32
  }
  func.func @transform_9(%arg0: i32) -> (i32, i32) {
    %c0_i32 = arith.constant 0 : i32
    %c0_i32_0 = arith.constant 0 : i32
    %c0_i32_1 = arith.constant 0 : i32
    return %c0_i32, %c0_i32_0 : i32, i32
  }
  func.func @transform_10(%arg0: i32) -> (i32, i32) {
    %c0_i32 = arith.constant 0 : i32
    %c0_i32_0 = arith.constant 0 : i32
    return %arg0, %c0_i32 : i32, i32
  }
  func.func @transform_11(%arg0: i32) -> (i32, i32) {
    %c0_i32 = arith.constant 0 : i32
    %c0_i32_0 = arith.constant 0 : i32
    return %arg0, %c0_i32 : i32, i32
  }
  func.func @transform_12(%arg0: i32) -> (i32, i32) {
    %c0_i32 = arith.constant 0 : i32
    %c0_i32_0 = arith.constant 0 : i32
    return %arg0, %c0_i32 : i32, i32
  }
}

module attributes {stable_mosaic.version = 14 : i64} {
  func.func @pool_thresh(%arg0: memref<80x128xf32, #tpu.memory_space<vmem>>, %arg1: memref<80x128xf32, #tpu.memory_space<vmem>>, %arg2: memref<80x128xf32, #tpu.memory_space<vmem>>, %arg3: memref<80x128xf32, #tpu.memory_space<vmem>>, %arg4: memref<1x1xf32, #tpu.memory_space<vmem>>, %arg5: memref<1x1xi32, #tpu.memory_space<vmem>>, %arg6: memref<1x1xi32, #tpu.memory_space<vmem>>, %arg7: memref<80x128xf32, #tpu.memory_space<vmem>>) attributes {dimension_semantics = [], scalar_prefetch = 0 : i64, scratch_operands = 0 : i64, tpu.core_type = #tpu.core_type<tc>} {
    %get3A = arith.constant 0 : index
    %get3A_0 = arith.constant 0 : index
    %get3A_1 = vector.load %arg0[%get3A, %get3A_0] : memref<80x128xf32, #tpu.memory_space<vmem>>, vector<80x128xf32>
    %get3A_2 = arith.constant 0 : index
    %get3A_3 = arith.constant 0 : index
    %get3A_4 = vector.load %arg1[%get3A_2, %get3A_3] : memref<80x128xf32, #tpu.memory_space<vmem>>, vector<80x128xf32>
    %add3A = arith.addf %get3A_1, %get3A_4 : vector<80x128xf32>
    %get3A_5 = arith.constant 0 : index
    %get3A_6 = arith.constant 0 : index
    %get3A_7 = vector.load %arg2[%get3A_5, %get3A_6] : memref<80x128xf32, #tpu.memory_space<vmem>>, vector<80x128xf32>
    %add3A_8 = arith.addf %add3A, %get3A_7 : vector<80x128xf32>
    %get3A_9 = arith.constant 0 : index
    %get3A_10 = arith.constant 0 : index
    %get3A_11 = vector.load %arg4[%get3A_9, %get3A_10] : memref<1x1xf32, #tpu.memory_space<vmem>>, vector<1x1xf32>
    %get3A_12 = vector.extract %get3A_11[0, 0] : f32 from vector<1x1xf32>
    %add3A_13 = vector.broadcast %get3A_12 : f32 to vector<80x128xf32>
    %add3A_14 = arith.addf %add3A_8, %add3A_13 : vector<80x128xf32>
    %iota3A = tpu.iota {dimensions = array<i32: 0>} : vector<80x128xi32>
    %mul3A = arith.constant 128 : i32
    %mul3A_15 = vector.broadcast %mul3A : i32 to vector<80x128xi32>
    %mul3A_16 = arith.muli %iota3A, %mul3A_15 : vector<80x128xi32>
    %iota3A_17 = tpu.iota {dimensions = array<i32: 1>} : vector<80x128xi32>
    %add3A_18 = arith.addi %mul3A_16, %iota3A_17 : vector<80x128xi32>
    %get3A_19 = arith.constant 0 : index
    %get3A_20 = arith.constant 0 : index
    %get3A_21 = vector.load %arg3[%get3A_19, %get3A_20] : memref<80x128xf32, #tpu.memory_space<vmem>>, vector<80x128xf32>
    %gt3A = arith.constant 0.000000e+00 : f32
    %gt3A_22 = vector.broadcast %gt3A : f32 to vector<80x128xf32>
    %gt3A_23 = arith.cmpf ogt, %get3A_21, %gt3A_22 : vector<80x128xf32>
    %lt3A = arith.constant 10000 : i32
    %lt3A_24 = vector.broadcast %lt3A : i32 to vector<80x128xi32>
    %lt3A_25 = arith.cmpi slt, %add3A_18, %lt3A_24 : vector<80x128xi32>
    %and3A = arith.andi %gt3A_23, %lt3A_25 : vector<80x128xi1>
    %bitcast_convert_type3A = tpu.bitcast %add3A_14 : vector<80x128xf32> -> vector<80x128xi32>
    %lt3A_26 = arith.constant 0 : i32
    %lt3A_27 = vector.broadcast %lt3A_26 : i32 to vector<80x128xi32>
    %lt3A_28 = arith.cmpi slt, %bitcast_convert_type3A, %lt3A_27 : vector<80x128xi32>
    %xor3A = arith.constant 2147483647 : i32
    %xor3A_29 = vector.broadcast %xor3A : i32 to vector<80x128xi32>
    %xor3A_30 = arith.xori %bitcast_convert_type3A, %xor3A_29 : vector<80x128xi32>
    %select_n3A = arith.select %lt3A_28, %xor3A_30, %bitcast_convert_type3A : vector<80x128xi1>, vector<80x128xi32>
    %jit3A = arith.constant -2147483648 : i32
    %broadcast_in_dim3A = vector.broadcast %jit3A : i32 to vector<80x128xi32>
    %select_n3A_31 = arith.select %and3A, %select_n3A, %broadcast_in_dim3A : vector<80x128xi1>, vector<80x128xi32>
    %scan3A = arith.constant -2147483648 : i32
    %scan3A_32 = arith.constant 2147483647 : i32
    %scan3A_33 = arith.constant 0 : i32
    %scan3A_34 = arith.constant 32 : i32
    %scan3A_35 = arith.addi %scan3A_33, %scan3A_34 : i32
    %scan3A_36 = arith.constant 1 : i32
    %scan3A_37:2 = scf.for %scan3A_78 = %scan3A_33 to %scan3A_35 step %scan3A_36 iter_args(%scan3A_79 = %scan3A, %scan3A_80 = %scan3A_32) -> (i32, i32)  : i32 {
      %xor3A_81 = arith.xori %scan3A_79, %scan3A_80 : i32
      %and3A_82 = arith.andi %scan3A_79, %scan3A_80 : i32
      %shift_right_arithmetic3A = arith.constant 1 : i32
      %shift_right_arithmetic3A_83 = arith.shrsi %xor3A_81, %shift_right_arithmetic3A : i32
      %add3A_84 = arith.addi %and3A_82, %shift_right_arithmetic3A_83 : i32
      %and3A_85 = arith.constant 1 : i32
      %and3A_86 = arith.andi %xor3A_81, %and3A_85 : i32
      %add3A_87 = arith.addi %add3A_84, %and3A_86 : i32
      %ge3A = vector.broadcast %add3A_87 : i32 to vector<80x128xi32>
      %ge3A_88 = arith.cmpi sge, %select_n3A_31, %ge3A : vector<80x128xi32>
      %convert_element_type3A_89 = arith.extui %ge3A_88 : vector<80x128xi1> to vector<80x128xi32>
      %reduce_sum3A_90 = vector.shape_cast %convert_element_type3A_89 : vector<80x128xi32> to vector<1x80x128xi32>
      %reduce_sum3A_91 = arith.constant dense<0> : vector<1xi32>
      %reduce_sum3A_92 = vector.multi_reduction <add>, %reduce_sum3A_90, %reduce_sum3A_91 [1, 2] : vector<1x80x128xi32> to vector<1xi32>
      %reduce_sum3A_93 = vector.shape_cast %reduce_sum3A_92 : vector<1xi32> to vector<1x1x1xi32>
      %reduce_sum3A_94 = vector.extract %reduce_sum3A_93[0, 0, 0] : i32 from vector<1x1x1xi32>
      %ge3A_95 = arith.constant 6000 : i32
      %ge3A_96 = arith.cmpi sge, %reduce_sum3A_94, %ge3A_95 : i32
      %select_n3A_97 = arith.select %ge3A_96, %add3A_87, %scan3A_79 : i32
      %sub3A_98 = arith.constant 1 : i32
      %sub3A_99 = arith.subi %add3A_87, %sub3A_98 : i32
      %select_n3A_100 = arith.select %ge3A_96, %scan3A_80, %sub3A_99 : i32
      scf.yield %select_n3A_97, %select_n3A_100 : i32, i32
    }
    %gt3A_38 = vector.broadcast %scan3A_37#0 : i32 to vector<80x128xi32>
    %gt3A_39 = arith.cmpi sgt, %select_n3A_31, %gt3A_38 : vector<80x128xi32>
    %convert_element_type3A = arith.extui %gt3A_39 : vector<80x128xi1> to vector<80x128xi32>
    %reduce_sum3A = vector.shape_cast %convert_element_type3A : vector<80x128xi32> to vector<1x80x128xi32>
    %reduce_sum3A_40 = arith.constant dense<0> : vector<1xi32>
    %reduce_sum3A_41 = vector.multi_reduction <add>, %reduce_sum3A, %reduce_sum3A_40 [1, 2] : vector<1x80x128xi32> to vector<1xi32>
    %reduce_sum3A_42 = vector.shape_cast %reduce_sum3A_41 : vector<1xi32> to vector<1x1x1xi32>
    %reduce_sum3A_43 = vector.extract %reduce_sum3A_42[0, 0, 0] : i32 from vector<1x1x1xi32>
    %sub3A = arith.constant 6000 : i32
    %sub3A_44 = arith.subi %sub3A, %reduce_sum3A_43 : i32
    %eq3A = vector.broadcast %scan3A_37#0 : i32 to vector<80x128xi32>
    %eq3A_45 = arith.cmpi eq, %select_n3A_31, %eq3A : vector<80x128xi32>
    %iota3A_46 = tpu.iota {dimensions = array<i32: 0>} : vector<80x128xi32>
    %mul3A_47 = arith.constant 128 : i32
    %mul3A_48 = vector.broadcast %mul3A_47 : i32 to vector<80x128xi32>
    %mul3A_49 = arith.muli %iota3A_46, %mul3A_48 : vector<80x128xi32>
    %iota3A_50 = tpu.iota {dimensions = array<i32: 1>} : vector<80x128xi32>
    %add3A_51 = arith.addi %mul3A_49, %iota3A_50 : vector<80x128xi32>
    %scan3A_52 = arith.constant 0 : i32
    %scan3A_53 = arith.constant 10240 : i32
    %scan3A_54 = arith.constant 0 : i32
    %scan3A_55 = arith.constant 15 : i32
    %scan3A_56 = arith.addi %scan3A_54, %scan3A_55 : i32
    %scan3A_57 = arith.constant 1 : i32
    %scan3A_58:2 = scf.for %scan3A_78 = %scan3A_54 to %scan3A_56 step %scan3A_57 iter_args(%scan3A_79 = %scan3A_52, %scan3A_80 = %scan3A_53) -> (i32, i32)  : i32 {
      %add3A_81 = arith.addi %scan3A_79, %scan3A_80 : i32
      %jit3A_82 = arith.constant 2 : i32
      %div3A = arith.divsi %add3A_81, %jit3A_82 : i32
      %sign3A = arith.constant 0 : i32
      %sign3A_83 = arith.cmpi sgt, %add3A_81, %sign3A : i32
      %sign3A_84 = arith.extui %sign3A_83 : i1 to i32
      %sign3A_85 = arith.constant 0 : i32
      %sign3A_86 = arith.cmpi slt, %add3A_81, %sign3A_85 : i32
      %sign3A_87 = arith.extui %sign3A_86 : i1 to i32
      %sign3A_88 = arith.subi %sign3A_84, %sign3A_87 : i32
      %sign3A_89 = arith.constant 0 : i32
      %sign3A_90 = arith.cmpi sgt, %jit3A_82, %sign3A_89 : i32
      %sign3A_91 = arith.extui %sign3A_90 : i1 to i32
      %sign3A_92 = arith.constant 0 : i32
      %sign3A_93 = arith.cmpi slt, %jit3A_82, %sign3A_92 : i32
      %sign3A_94 = arith.extui %sign3A_93 : i1 to i32
      %sign3A_95 = arith.subi %sign3A_91, %sign3A_94 : i32
      %ne3A = arith.cmpi ne, %sign3A_88, %sign3A_95 : i32
      %rem3A = arith.remsi %add3A_81, %jit3A_82 : i32
      %ne3A_96 = arith.constant 0 : i32
      %ne3A_97 = arith.cmpi ne, %rem3A, %ne3A_96 : i32
      %and3A_98 = arith.andi %ne3A, %ne3A_97 : i1
      %sub3A_99 = arith.constant 1 : i32
      %sub3A_100 = arith.subi %div3A, %sub3A_99 : i32
      %select_n3A_101 = arith.select %and3A_98, %sub3A_100, %div3A : i32
      %lt3A_102 = vector.broadcast %select_n3A_101 : i32 to vector<80x128xi32>
      %lt3A_103 = arith.cmpi slt, %add3A_51, %lt3A_102 : vector<80x128xi32>
      %and3A_104 = arith.andi %eq3A_45, %lt3A_103 : vector<80x128xi1>
      %convert_element_type3A_105 = arith.extui %and3A_104 : vector<80x128xi1> to vector<80x128xi32>
      %reduce_sum3A_106 = vector.shape_cast %convert_element_type3A_105 : vector<80x128xi32> to vector<1x80x128xi32>
      %reduce_sum3A_107 = arith.constant dense<0> : vector<1xi32>
      %reduce_sum3A_108 = vector.multi_reduction <add>, %reduce_sum3A_106, %reduce_sum3A_107 [1, 2] : vector<1x80x128xi32> to vector<1xi32>
      %reduce_sum3A_109 = vector.shape_cast %reduce_sum3A_108 : vector<1xi32> to vector<1x1x1xi32>
      %reduce_sum3A_110 = vector.extract %reduce_sum3A_109[0, 0, 0] : i32 from vector<1x1x1xi32>
      %ge3A = arith.cmpi sge, %reduce_sum3A_110, %sub3A_44 : i32
      %add3A_111 = arith.constant 1 : i32
      %add3A_112 = arith.addi %select_n3A_101, %add3A_111 : i32
      %select_n3A_113 = arith.select %ge3A, %scan3A_79, %add3A_112 : i32
      %select_n3A_114 = arith.select %ge3A, %select_n3A_101, %scan3A_80 : i32
      scf.yield %select_n3A_113, %select_n3A_114 : i32, i32
    }
    %broadcast_in_dim3A_59 = vector.broadcast %scan3A_37#0 : i32 to vector<1x1xi32>
    %swap3A = arith.constant 0 : index
    %swap3A_60 = arith.constant 0 : index
    %swap3A_61 = vector.load %arg5[%swap3A, %swap3A_60] : memref<1x1xi32, #tpu.memory_space<vmem>>, vector<1x1xi32>
    tpu.vector_store %arg5[%swap3A, %swap3A_60], %broadcast_in_dim3A_59 {strides = array<i32>} : memref<1x1xi32, #tpu.memory_space<vmem>>, vector<1x1xi32>,
    %broadcast_in_dim3A_62 = vector.broadcast %scan3A_58#0 : i32 to vector<1x1xi32>
    %swap3A_63 = arith.constant 0 : index
    %swap3A_64 = arith.constant 0 : index
    %swap3A_65 = vector.load %arg6[%swap3A_63, %swap3A_64] : memref<1x1xi32, #tpu.memory_space<vmem>>, vector<1x1xi32>
    tpu.vector_store %arg6[%swap3A_63, %swap3A_64], %broadcast_in_dim3A_62 {strides = array<i32>} : memref<1x1xi32, #tpu.memory_space<vmem>>, vector<1x1xi32>,
    %gt3A_66 = vector.broadcast %scan3A_37#0 : i32 to vector<80x128xi32>
    %gt3A_67 = arith.cmpi sgt, %select_n3A_31, %gt3A_66 : vector<80x128xi32>
    %eq3A_68 = vector.broadcast %scan3A_37#0 : i32 to vector<80x128xi32>
    %eq3A_69 = arith.cmpi eq, %select_n3A_31, %eq3A_68 : vector<80x128xi32>
    %lt3A_70 = vector.broadcast %scan3A_58#0 : i32 to vector<80x128xi32>
    %lt3A_71 = arith.cmpi slt, %add3A_18, %lt3A_70 : vector<80x128xi32>
    %and3A_72 = arith.andi %eq3A_69, %lt3A_71 : vector<80x128xi1>
    %or3A = arith.ori %gt3A_67, %and3A_72 : vector<80x128xi1>
    %convert_element_type3A_73 = arith.extui %or3A : vector<80x128xi1> to vector<80x128xi32>
    %convert_element_type3A_74 = arith.sitofp %convert_element_type3A_73 : vector<80x128xi32> to vector<80x128xf32>
    %swap3A_75 = arith.constant 0 : index
    %swap3A_76 = arith.constant 0 : index
    %swap3A_77 = vector.load %arg7[%swap3A_75, %swap3A_76] : memref<80x128xf32, #tpu.memory_space<vmem>>, vector<80x128xf32>
    tpu.vector_store %arg7[%swap3A_75, %swap3A_76], %convert_element_type3A_74 {strides = array<i32>} : memref<80x128xf32, #tpu.memory_space<vmem>>, vector<80x128xf32>,
    return
  }
}

module attributes {stable_mosaic.version = 14 : i64} {
  func.func @_pool_apply(%arg0: i32, %arg1: memref<1280x128xf32, #tpu.memory_space<vmem>>, %arg2: memref<1280x1xf32, #tpu.memory_space<vmem>>, %arg3: memref<1280x1xf32, #tpu.memory_space<vmem>>, %arg4: memref<1280x1xf32, #tpu.memory_space<vmem>>, %arg5: memref<1280x1xf32, #tpu.memory_space<vmem>>, %arg6: memref<1x1xf32, #tpu.memory_space<vmem>>, %arg7: memref<1x1xi32, #tpu.memory_space<vmem>>, %arg8: memref<1x1xi32, #tpu.memory_space<vmem>>, %arg9: memref<1280x128xf32, #tpu.memory_space<vmem>>, %arg10: memref<1280x1xf32, #tpu.memory_space<vmem>>, %arg11: memref<1x128xf32, #tpu.memory_space<vmem>>) attributes {dimension_semantics = [#tpu.dimension_semantics<arbitrary>], iteration_bounds = array<i64: 8>, scalar_prefetch = 0 : i64, scratch_operands = 0 : i64, tpu.core_type = #tpu.core_type<tc>, window_params = [{transform_indices = @transform_0, window_bounds = array<i64: 1280, 128>}, {transform_indices = @transform_1, window_bounds = array<i64: 1280, 1>}, {transform_indices = @transform_2, window_bounds = array<i64: 1280, 1>}, {transform_indices = @transform_3, window_bounds = array<i64: 1280, 1>}, {transform_indices = @transform_4, window_bounds = array<i64: 1280, 1>}, {pipeline_mode = #tpu.pipeline_mode<synchronous>, transform_indices = @transform_5, window_bounds = array<i64: 1, 1>}, {pipeline_mode = #tpu.pipeline_mode<synchronous>, transform_indices = @transform_6, window_bounds = array<i64: 1, 1>}, {pipeline_mode = #tpu.pipeline_mode<synchronous>, transform_indices = @transform_7, window_bounds = array<i64: 1, 1>}, {transform_indices = @transform_8, window_bounds = array<i64: 1280, 128>}, {transform_indices = @transform_9, window_bounds = array<i64: 1280, 1>}, {pipeline_mode = #tpu.pipeline_mode<synchronous>, transform_indices = @transform_10, window_bounds = array<i64: 1, 128>}]} {
    %get3A = arith.constant 0 : index
    %get3A_0 = arith.constant 0 : index
    %get3A_1 = vector.load %arg3[%get3A, %get3A_0] : memref<1280x1xf32, #tpu.memory_space<vmem>>, vector<1280x1xf32>
    %get3A_2 = arith.constant 0 : index
    %get3A_3 = arith.constant 0 : index
    %get3A_4 = vector.load %arg4[%get3A_2, %get3A_3] : memref<1280x1xf32, #tpu.memory_space<vmem>>, vector<1280x1xf32>
    %add3A = arith.addf %get3A_1, %get3A_4 : vector<1280x1xf32>
    %get3A_5 = arith.constant 0 : index
    %get3A_6 = arith.constant 0 : index
    %get3A_7 = vector.load %arg2[%get3A_5, %get3A_6] : memref<1280x1xf32, #tpu.memory_space<vmem>>, vector<1280x1xf32>
    %add3A_8 = arith.addf %add3A, %get3A_7 : vector<1280x1xf32>
    %get3A_9 = arith.constant 0 : index
    %get3A_10 = arith.constant 0 : index
    %get3A_11 = vector.load %arg6[%get3A_9, %get3A_10] : memref<1x1xf32, #tpu.memory_space<vmem>>, vector<1x1xf32>
    %get3A_12 = vector.extract %get3A_11[0, 0] : f32 from vector<1x1xf32>
    %add3A_13 = vector.broadcast %get3A_12 : f32 to vector<1280x1xf32>
    %add3A_14 = arith.addf %add3A_8, %add3A_13 : vector<1280x1xf32>
    %mul3A = arith.constant 1280 : i32
    %mul3A_15 = arith.muli %arg0, %mul3A : i32
    %iota3A = tpu.iota {dimensions = array<i32: 0>} : vector<1280x1xi32>
    %add3A_16 = vector.broadcast %mul3A_15 : i32 to vector<1280x1xi32>
    %add3A_17 = arith.addi %add3A_16, %iota3A : vector<1280x1xi32>
    %get3A_18 = arith.constant 0 : index
    %get3A_19 = arith.constant 0 : index
    %get3A_20 = vector.load %arg5[%get3A_18, %get3A_19] : memref<1280x1xf32, #tpu.memory_space<vmem>>, vector<1280x1xf32>
    %gt3A = arith.constant 0.000000e+00 : f32
    %gt3A_21 = vector.broadcast %gt3A : f32 to vector<1280x1xf32>
    %gt3A_22 = arith.cmpf ogt, %get3A_20, %gt3A_21 : vector<1280x1xf32>
    %lt3A = arith.constant 10000 : i32
    %lt3A_23 = vector.broadcast %lt3A : i32 to vector<1280x1xi32>
    %lt3A_24 = arith.cmpi slt, %add3A_17, %lt3A_23 : vector<1280x1xi32>
    %and3A = arith.andi %gt3A_22, %lt3A_24 : vector<1280x1xi1>
    %bitcast_convert_type3A = tpu.bitcast %add3A_14 : vector<1280x1xf32> -> vector<1280x1xi32>
    %lt3A_25 = arith.constant 0 : i32
    %lt3A_26 = vector.broadcast %lt3A_25 : i32 to vector<1280x1xi32>
    %lt3A_27 = arith.cmpi slt, %bitcast_convert_type3A, %lt3A_26 : vector<1280x1xi32>
    %xor3A = arith.constant 2147483647 : i32
    %xor3A_28 = vector.broadcast %xor3A : i32 to vector<1280x1xi32>
    %xor3A_29 = arith.xori %bitcast_convert_type3A, %xor3A_28 : vector<1280x1xi32>
    %select_n3A = arith.select %lt3A_27, %xor3A_29, %bitcast_convert_type3A : vector<1280x1xi1>, vector<1280x1xi32>
    %jit3A = arith.constant -2147483648 : i32
    %broadcast_in_dim3A = vector.broadcast %jit3A : i32 to vector<1280x1xi32>
    %select_n3A_30 = arith.select %and3A, %select_n3A, %broadcast_in_dim3A : vector<1280x1xi1>, vector<1280x1xi32>
    %get3A_31 = arith.constant 0 : index
    %get3A_32 = arith.constant 0 : index
    %get3A_33 = vector.load %arg7[%get3A_31, %get3A_32] : memref<1x1xi32, #tpu.memory_space<vmem>>, vector<1x1xi32>
    %get3A_34 = vector.extract %get3A_33[0, 0] : i32 from vector<1x1xi32>
    %get3A_35 = arith.constant 0 : index
    %get3A_36 = arith.constant 0 : index
    %get3A_37 = vector.load %arg8[%get3A_35, %get3A_36] : memref<1x1xi32, #tpu.memory_space<vmem>>, vector<1x1xi32>
    %get3A_38 = vector.extract %get3A_37[0, 0] : i32 from vector<1x1xi32>
    %gt3A_39 = vector.broadcast %get3A_34 : i32 to vector<1280x1xi32>
    %gt3A_40 = arith.cmpi sgt, %select_n3A_30, %gt3A_39 : vector<1280x1xi32>
    %eq3A = vector.broadcast %get3A_34 : i32 to vector<1280x1xi32>
    %eq3A_41 = arith.cmpi eq, %select_n3A_30, %eq3A : vector<1280x1xi32>
    %lt3A_42 = vector.broadcast %get3A_38 : i32 to vector<1280x1xi32>
    %lt3A_43 = arith.cmpi slt, %add3A_17, %lt3A_42 : vector<1280x1xi32>
    %and3A_44 = arith.andi %eq3A_41, %lt3A_43 : vector<1280x1xi1>
    %or3A = arith.ori %gt3A_40, %and3A_44 : vector<1280x1xi1>
    %tanh3A = math.tanh %add3A_14 : vector<1280x1xf32>
    %convert_element_type3A = arith.extui %or3A : vector<1280x1xi1> to vector<1280x1xi32>
    %convert_element_type3A_45 = arith.sitofp %convert_element_type3A : vector<1280x1xi32> to vector<1280x1xf32>
    %mul3A_46 = arith.mulf %tanh3A, %convert_element_type3A_45 : vector<1280x1xf32>
    %get3A_47 = arith.constant 0 : index
    %get3A_48 = arith.constant 0 : index
    %get3A_49 = vector.load %arg1[%get3A_47, %get3A_48] : memref<1280x128xf32, #tpu.memory_space<vmem>>, vector<1280x128xf32>
    %mul3A_50 = vector.broadcast %mul3A_46 : vector<1280x1xf32> to vector<1280x128xf32>
    %mul3A_51 = arith.mulf %get3A_49, %mul3A_50 : vector<1280x128xf32>
    %swap3A = arith.constant 0 : index
    %swap3A_52 = arith.constant 0 : index
    %swap3A_53 = vector.load %arg9[%swap3A, %swap3A_52] : memref<1280x128xf32, #tpu.memory_space<vmem>>, vector<1280x128xf32>
    tpu.vector_store %arg9[%swap3A, %swap3A_52], %mul3A_51 {strides = array<i32>} : memref<1280x128xf32, #tpu.memory_space<vmem>>, vector<1280x128xf32>,
    %convert_element_type3A_54 = arith.extui %or3A : vector<1280x1xi1> to vector<1280x1xi32>
    %convert_element_type3A_55 = arith.sitofp %convert_element_type3A_54 : vector<1280x1xi32> to vector<1280x1xf32>
    %swap3A_56 = arith.constant 0 : index
    %swap3A_57 = arith.constant 0 : index
    %swap3A_58 = vector.load %arg10[%swap3A_56, %swap3A_57] : memref<1280x1xf32, #tpu.memory_space<vmem>>, vector<1280x1xf32>
    tpu.vector_store %arg10[%swap3A_56, %swap3A_57], %convert_element_type3A_55 {strides = array<i32>} : memref<1280x1xf32, #tpu.memory_space<vmem>>, vector<1280x1xf32>,
    %eq3A_59 = arith.constant 0 : i32
    %eq3A_60 = arith.cmpi eq, %arg0, %eq3A_59 : i32
    %convert_element_type3A_61 = arith.extui %eq3A_60 : i1 to i32
    %cond3A = arith.constant 0 : i32
    %cond3A_62 = arith.cmpi ne, %convert_element_type3A_61, %cond3A : i32
    scf.if %cond3A_62 {
      %broadcast_in_dim3A_75 = arith.constant 0.000000e+00 : f32
      %broadcast_in_dim3A_76 = vector.broadcast %broadcast_in_dim3A_75 : f32 to vector<1x128xf32>
      %swap3A_77 = arith.constant 0 : index
      %swap3A_78 = arith.constant 0 : index
      %swap3A_79 = vector.load %arg11[%swap3A_77, %swap3A_78] : memref<1x128xf32, #tpu.memory_space<vmem>>, vector<1x128xf32>
      tpu.vector_store %arg11[%swap3A_77, %swap3A_78], %broadcast_in_dim3A_76 {strides = array<i32>} : memref<1x128xf32, #tpu.memory_space<vmem>>, vector<1x128xf32>,
    } else {
    }
    %get3A_63 = arith.constant 0 : index
    %get3A_64 = arith.constant 0 : index
    %get3A_65 = vector.load %arg11[%get3A_63, %get3A_64] : memref<1x128xf32, #tpu.memory_space<vmem>>, vector<1x128xf32>
    %reduce_sum3A = arith.constant dense<0.000000e+00> : vector<128xf32>
    %reduce_sum3A_66 = vector.multi_reduction <add>, %mul3A_51, %reduce_sum3A [0] : vector<1280x128xf32> to vector<128xf32>
    %broadcast_in_dim3A_67 = vector.shape_cast %reduce_sum3A_66 : vector<128xf32> to vector<1x128xf32>
    %mul3A_68 = arith.constant 1.66666665E-4 : f32
    %mul3A_69 = vector.broadcast %mul3A_68 : f32 to vector<1x128xf32>
    %mul3A_70 = arith.mulf %broadcast_in_dim3A_67, %mul3A_69 : vector<1x128xf32>
    %add3A_71 = arith.addf %get3A_65, %mul3A_70 : vector<1x128xf32>
    %swap3A_72 = arith.constant 0 : index
    %swap3A_73 = arith.constant 0 : index
    %swap3A_74 = vector.load %arg11[%swap3A_72, %swap3A_73] : memref<1x128xf32, #tpu.memory_space<vmem>>, vector<1x128xf32>
    tpu.vector_store %arg11[%swap3A_72, %swap3A_73], %add3A_71 {strides = array<i32>} : memref<1x128xf32, #tpu.memory_space<vmem>>, vector<1x128xf32>,
    return
  }
  func.func @transform_0(%arg0: i32) -> (i32, i32) {
    %c0_i32 = arith.constant 0 : i32
    %c0_i32_0 = arith.constant 0 : i32
    return %arg0, %c0_i32 : i32, i32
  }
  func.func @transform_1(%arg0: i32) -> (i32, i32) {
    %c0_i32 = arith.constant 0 : i32
    %c0_i32_0 = arith.constant 0 : i32
    return %arg0, %c0_i32 : i32, i32
  }
  func.func @transform_2(%arg0: i32) -> (i32, i32) {
    %c0_i32 = arith.constant 0 : i32
    %c0_i32_0 = arith.constant 0 : i32
    return %arg0, %c0_i32 : i32, i32
  }
  func.func @transform_3(%arg0: i32) -> (i32, i32) {
    %c0_i32 = arith.constant 0 : i32
    %c0_i32_0 = arith.constant 0 : i32
    return %arg0, %c0_i32 : i32, i32
  }
  func.func @transform_4(%arg0: i32) -> (i32, i32) {
    %c0_i32 = arith.constant 0 : i32
    %c0_i32_0 = arith.constant 0 : i32
    return %arg0, %c0_i32 : i32, i32
  }
  func.func @transform_5(%arg0: i32) -> (i32, i32) {
    %c0_i32 = arith.constant 0 : i32
    %c0_i32_0 = arith.constant 0 : i32
    %c0_i32_1 = arith.constant 0 : i32
    return %c0_i32, %c0_i32_0 : i32, i32
  }
  func.func @transform_6(%arg0: i32) -> (i32, i32) {
    %c0_i32 = arith.constant 0 : i32
    %c0_i32_0 = arith.constant 0 : i32
    %c0_i32_1 = arith.constant 0 : i32
    return %c0_i32, %c0_i32_0 : i32, i32
  }
  func.func @transform_7(%arg0: i32) -> (i32, i32) {
    %c0_i32 = arith.constant 0 : i32
    %c0_i32_0 = arith.constant 0 : i32
    %c0_i32_1 = arith.constant 0 : i32
    return %c0_i32, %c0_i32_0 : i32, i32
  }
  func.func @transform_8(%arg0: i32) -> (i32, i32) {
    %c0_i32 = arith.constant 0 : i32
    %c0_i32_0 = arith.constant 0 : i32
    return %arg0, %c0_i32 : i32, i32
  }
  func.func @transform_9(%arg0: i32) -> (i32, i32) {
    %c0_i32 = arith.constant 0 : i32
    %c0_i32_0 = arith.constant 0 : i32
    return %arg0, %c0_i32 : i32, i32
  }
  func.func @transform_10(%arg0: i32) -> (i32, i32) {
    %c0_i32 = arith.constant 0 : i32
    %c0_i32_0 = arith.constant 0 : i32
    %c0_i32_1 = arith.constant 0 : i32
    return %c0_i32, %c0_i32_0 : i32, i32
  }
}

module attributes {stable_mosaic.version = 14 : i64} {
  func.func @pool_thresh(%arg0: memref<80x128xf32, #tpu.memory_space<vmem>>, %arg1: memref<80x128xf32, #tpu.memory_space<vmem>>, %arg2: memref<80x128xf32, #tpu.memory_space<vmem>>, %arg3: memref<80x128xf32, #tpu.memory_space<vmem>>, %arg4: memref<1x1xf32, #tpu.memory_space<vmem>>, %arg5: memref<1x1xi32, #tpu.memory_space<vmem>>, %arg6: memref<1x1xi32, #tpu.memory_space<vmem>>, %arg7: memref<80x128xf32, #tpu.memory_space<vmem>>) attributes {dimension_semantics = [], scalar_prefetch = 0 : i64, scratch_operands = 0 : i64, tpu.core_type = #tpu.core_type<tc>} {
    %get3A = arith.constant 0 : index
    %get3A_0 = arith.constant 0 : index
    %get3A_1 = vector.load %arg0[%get3A, %get3A_0] : memref<80x128xf32, #tpu.memory_space<vmem>>, vector<80x128xf32>
    %get3A_2 = arith.constant 0 : index
    %get3A_3 = arith.constant 0 : index
    %get3A_4 = vector.load %arg1[%get3A_2, %get3A_3] : memref<80x128xf32, #tpu.memory_space<vmem>>, vector<80x128xf32>
    %add3A = arith.addf %get3A_1, %get3A_4 : vector<80x128xf32>
    %get3A_5 = arith.constant 0 : index
    %get3A_6 = arith.constant 0 : index
    %get3A_7 = vector.load %arg2[%get3A_5, %get3A_6] : memref<80x128xf32, #tpu.memory_space<vmem>>, vector<80x128xf32>
    %add3A_8 = arith.addf %add3A, %get3A_7 : vector<80x128xf32>
    %get3A_9 = arith.constant 0 : index
    %get3A_10 = arith.constant 0 : index
    %get3A_11 = vector.load %arg4[%get3A_9, %get3A_10] : memref<1x1xf32, #tpu.memory_space<vmem>>, vector<1x1xf32>
    %get3A_12 = vector.extract %get3A_11[0, 0] : f32 from vector<1x1xf32>
    %add3A_13 = vector.broadcast %get3A_12 : f32 to vector<80x128xf32>
    %add3A_14 = arith.addf %add3A_8, %add3A_13 : vector<80x128xf32>
    %iota3A = tpu.iota {dimensions = array<i32: 0>} : vector<80x128xi32>
    %mul3A = arith.constant 128 : i32
    %mul3A_15 = vector.broadcast %mul3A : i32 to vector<80x128xi32>
    %mul3A_16 = arith.muli %iota3A, %mul3A_15 : vector<80x128xi32>
    %iota3A_17 = tpu.iota {dimensions = array<i32: 1>} : vector<80x128xi32>
    %add3A_18 = arith.addi %mul3A_16, %iota3A_17 : vector<80x128xi32>
    %get3A_19 = arith.constant 0 : index
    %get3A_20 = arith.constant 0 : index
    %get3A_21 = vector.load %arg3[%get3A_19, %get3A_20] : memref<80x128xf32, #tpu.memory_space<vmem>>, vector<80x128xf32>
    %gt3A = arith.constant 0.000000e+00 : f32
    %gt3A_22 = vector.broadcast %gt3A : f32 to vector<80x128xf32>
    %gt3A_23 = arith.cmpf ogt, %get3A_21, %gt3A_22 : vector<80x128xf32>
    %lt3A = arith.constant 10000 : i32
    %lt3A_24 = vector.broadcast %lt3A : i32 to vector<80x128xi32>
    %lt3A_25 = arith.cmpi slt, %add3A_18, %lt3A_24 : vector<80x128xi32>
    %and3A = arith.andi %gt3A_23, %lt3A_25 : vector<80x128xi1>
    %bitcast_convert_type3A = tpu.bitcast %add3A_14 : vector<80x128xf32> -> vector<80x128xi32>
    %lt3A_26 = arith.constant 0 : i32
    %lt3A_27 = vector.broadcast %lt3A_26 : i32 to vector<80x128xi32>
    %lt3A_28 = arith.cmpi slt, %bitcast_convert_type3A, %lt3A_27 : vector<80x128xi32>
    %xor3A = arith.constant 2147483647 : i32
    %xor3A_29 = vector.broadcast %xor3A : i32 to vector<80x128xi32>
    %xor3A_30 = arith.xori %bitcast_convert_type3A, %xor3A_29 : vector<80x128xi32>
    %select_n3A = arith.select %lt3A_28, %xor3A_30, %bitcast_convert_type3A : vector<80x128xi1>, vector<80x128xi32>
    %jit3A = arith.constant -2147483648 : i32
    %broadcast_in_dim3A = vector.broadcast %jit3A : i32 to vector<80x128xi32>
    %select_n3A_31 = arith.select %and3A, %select_n3A, %broadcast_in_dim3A : vector<80x128xi1>, vector<80x128xi32>
    %scan3A = arith.constant -2147483648 : i32
    %scan3A_32 = arith.constant 2147483647 : i32
    %scan3A_33 = arith.constant 0 : i32
    %scan3A_34 = arith.constant 32 : i32
    %scan3A_35 = arith.addi %scan3A_33, %scan3A_34 : i32
    %scan3A_36 = arith.constant 1 : i32
    %scan3A_37:2 = scf.for %scan3A_78 = %scan3A_33 to %scan3A_35 step %scan3A_36 iter_args(%scan3A_79 = %scan3A, %scan3A_80 = %scan3A_32) -> (i32, i32)  : i32 {
      %xor3A_81 = arith.xori %scan3A_79, %scan3A_80 : i32
      %and3A_82 = arith.andi %scan3A_79, %scan3A_80 : i32
      %shift_right_arithmetic3A = arith.constant 1 : i32
      %shift_right_arithmetic3A_83 = arith.shrsi %xor3A_81, %shift_right_arithmetic3A : i32
      %add3A_84 = arith.addi %and3A_82, %shift_right_arithmetic3A_83 : i32
      %and3A_85 = arith.constant 1 : i32
      %and3A_86 = arith.andi %xor3A_81, %and3A_85 : i32
      %add3A_87 = arith.addi %add3A_84, %and3A_86 : i32
      %ge3A = vector.broadcast %add3A_87 : i32 to vector<80x128xi32>
      %ge3A_88 = arith.cmpi sge, %select_n3A_31, %ge3A : vector<80x128xi32>
      %convert_element_type3A_89 = arith.extui %ge3A_88 : vector<80x128xi1> to vector<80x128xi32>
      %reduce_sum3A_90 = vector.shape_cast %convert_element_type3A_89 : vector<80x128xi32> to vector<1x80x128xi32>
      %reduce_sum3A_91 = arith.constant dense<0> : vector<1xi32>
      %reduce_sum3A_92 = vector.multi_reduction <add>, %reduce_sum3A_90, %reduce_sum3A_91 [1, 2] : vector<1x80x128xi32> to vector<1xi32>
      %reduce_sum3A_93 = vector.shape_cast %reduce_sum3A_92 : vector<1xi32> to vector<1x1x1xi32>
      %reduce_sum3A_94 = vector.extract %reduce_sum3A_93[0, 0, 0] : i32 from vector<1x1x1xi32>
      %ge3A_95 = arith.constant 3600 : i32
      %ge3A_96 = arith.cmpi sge, %reduce_sum3A_94, %ge3A_95 : i32
      %select_n3A_97 = arith.select %ge3A_96, %add3A_87, %scan3A_79 : i32
      %sub3A_98 = arith.constant 1 : i32
      %sub3A_99 = arith.subi %add3A_87, %sub3A_98 : i32
      %select_n3A_100 = arith.select %ge3A_96, %scan3A_80, %sub3A_99 : i32
      scf.yield %select_n3A_97, %select_n3A_100 : i32, i32
    }
    %gt3A_38 = vector.broadcast %scan3A_37#0 : i32 to vector<80x128xi32>
    %gt3A_39 = arith.cmpi sgt, %select_n3A_31, %gt3A_38 : vector<80x128xi32>
    %convert_element_type3A = arith.extui %gt3A_39 : vector<80x128xi1> to vector<80x128xi32>
    %reduce_sum3A = vector.shape_cast %convert_element_type3A : vector<80x128xi32> to vector<1x80x128xi32>
    %reduce_sum3A_40 = arith.constant dense<0> : vector<1xi32>
    %reduce_sum3A_41 = vector.multi_reduction <add>, %reduce_sum3A, %reduce_sum3A_40 [1, 2] : vector<1x80x128xi32> to vector<1xi32>
    %reduce_sum3A_42 = vector.shape_cast %reduce_sum3A_41 : vector<1xi32> to vector<1x1x1xi32>
    %reduce_sum3A_43 = vector.extract %reduce_sum3A_42[0, 0, 0] : i32 from vector<1x1x1xi32>
    %sub3A = arith.constant 3600 : i32
    %sub3A_44 = arith.subi %sub3A, %reduce_sum3A_43 : i32
    %eq3A = vector.broadcast %scan3A_37#0 : i32 to vector<80x128xi32>
    %eq3A_45 = arith.cmpi eq, %select_n3A_31, %eq3A : vector<80x128xi32>
    %iota3A_46 = tpu.iota {dimensions = array<i32: 0>} : vector<80x128xi32>
    %mul3A_47 = arith.constant 128 : i32
    %mul3A_48 = vector.broadcast %mul3A_47 : i32 to vector<80x128xi32>
    %mul3A_49 = arith.muli %iota3A_46, %mul3A_48 : vector<80x128xi32>
    %iota3A_50 = tpu.iota {dimensions = array<i32: 1>} : vector<80x128xi32>
    %add3A_51 = arith.addi %mul3A_49, %iota3A_50 : vector<80x128xi32>
    %scan3A_52 = arith.constant 0 : i32
    %scan3A_53 = arith.constant 10240 : i32
    %scan3A_54 = arith.constant 0 : i32
    %scan3A_55 = arith.constant 15 : i32
    %scan3A_56 = arith.addi %scan3A_54, %scan3A_55 : i32
    %scan3A_57 = arith.constant 1 : i32
    %scan3A_58:2 = scf.for %scan3A_78 = %scan3A_54 to %scan3A_56 step %scan3A_57 iter_args(%scan3A_79 = %scan3A_52, %scan3A_80 = %scan3A_53) -> (i32, i32)  : i32 {
      %add3A_81 = arith.addi %scan3A_79, %scan3A_80 : i32
      %jit3A_82 = arith.constant 2 : i32
      %div3A = arith.divsi %add3A_81, %jit3A_82 : i32
      %sign3A = arith.constant 0 : i32
      %sign3A_83 = arith.cmpi sgt, %add3A_81, %sign3A : i32
      %sign3A_84 = arith.extui %sign3A_83 : i1 to i32
      %sign3A_85 = arith.constant 0 : i32
      %sign3A_86 = arith.cmpi slt, %add3A_81, %sign3A_85 : i32
      %sign3A_87 = arith.extui %sign3A_86 : i1 to i32
      %sign3A_88 = arith.subi %sign3A_84, %sign3A_87 : i32
      %sign3A_89 = arith.constant 0 : i32
      %sign3A_90 = arith.cmpi sgt, %jit3A_82, %sign3A_89 : i32
      %sign3A_91 = arith.extui %sign3A_90 : i1 to i32
      %sign3A_92 = arith.constant 0 : i32
      %sign3A_93 = arith.cmpi slt, %jit3A_82, %sign3A_92 : i32
      %sign3A_94 = arith.extui %sign3A_93 : i1 to i32
      %sign3A_95 = arith.subi %sign3A_91, %sign3A_94 : i32
      %ne3A = arith.cmpi ne, %sign3A_88, %sign3A_95 : i32
      %rem3A = arith.remsi %add3A_81, %jit3A_82 : i32
      %ne3A_96 = arith.constant 0 : i32
      %ne3A_97 = arith.cmpi ne, %rem3A, %ne3A_96 : i32
      %and3A_98 = arith.andi %ne3A, %ne3A_97 : i1
      %sub3A_99 = arith.constant 1 : i32
      %sub3A_100 = arith.subi %div3A, %sub3A_99 : i32
      %select_n3A_101 = arith.select %and3A_98, %sub3A_100, %div3A : i32
      %lt3A_102 = vector.broadcast %select_n3A_101 : i32 to vector<80x128xi32>
      %lt3A_103 = arith.cmpi slt, %add3A_51, %lt3A_102 : vector<80x128xi32>
      %and3A_104 = arith.andi %eq3A_45, %lt3A_103 : vector<80x128xi1>
      %convert_element_type3A_105 = arith.extui %and3A_104 : vector<80x128xi1> to vector<80x128xi32>
      %reduce_sum3A_106 = vector.shape_cast %convert_element_type3A_105 : vector<80x128xi32> to vector<1x80x128xi32>
      %reduce_sum3A_107 = arith.constant dense<0> : vector<1xi32>
      %reduce_sum3A_108 = vector.multi_reduction <add>, %reduce_sum3A_106, %reduce_sum3A_107 [1, 2] : vector<1x80x128xi32> to vector<1xi32>
      %reduce_sum3A_109 = vector.shape_cast %reduce_sum3A_108 : vector<1xi32> to vector<1x1x1xi32>
      %reduce_sum3A_110 = vector.extract %reduce_sum3A_109[0, 0, 0] : i32 from vector<1x1x1xi32>
      %ge3A = arith.cmpi sge, %reduce_sum3A_110, %sub3A_44 : i32
      %add3A_111 = arith.constant 1 : i32
      %add3A_112 = arith.addi %select_n3A_101, %add3A_111 : i32
      %select_n3A_113 = arith.select %ge3A, %scan3A_79, %add3A_112 : i32
      %select_n3A_114 = arith.select %ge3A, %select_n3A_101, %scan3A_80 : i32
      scf.yield %select_n3A_113, %select_n3A_114 : i32, i32
    }
    %broadcast_in_dim3A_59 = vector.broadcast %scan3A_37#0 : i32 to vector<1x1xi32>
    %swap3A = arith.constant 0 : index
    %swap3A_60 = arith.constant 0 : index
    %swap3A_61 = vector.load %arg5[%swap3A, %swap3A_60] : memref<1x1xi32, #tpu.memory_space<vmem>>, vector<1x1xi32>
    tpu.vector_store %arg5[%swap3A, %swap3A_60], %broadcast_in_dim3A_59 {strides = array<i32>} : memref<1x1xi32, #tpu.memory_space<vmem>>, vector<1x1xi32>,
    %broadcast_in_dim3A_62 = vector.broadcast %scan3A_58#0 : i32 to vector<1x1xi32>
    %swap3A_63 = arith.constant 0 : index
    %swap3A_64 = arith.constant 0 : index
    %swap3A_65 = vector.load %arg6[%swap3A_63, %swap3A_64] : memref<1x1xi32, #tpu.memory_space<vmem>>, vector<1x1xi32>
    tpu.vector_store %arg6[%swap3A_63, %swap3A_64], %broadcast_in_dim3A_62 {strides = array<i32>} : memref<1x1xi32, #tpu.memory_space<vmem>>, vector<1x1xi32>,
    %gt3A_66 = vector.broadcast %scan3A_37#0 : i32 to vector<80x128xi32>
    %gt3A_67 = arith.cmpi sgt, %select_n3A_31, %gt3A_66 : vector<80x128xi32>
    %eq3A_68 = vector.broadcast %scan3A_37#0 : i32 to vector<80x128xi32>
    %eq3A_69 = arith.cmpi eq, %select_n3A_31, %eq3A_68 : vector<80x128xi32>
    %lt3A_70 = vector.broadcast %scan3A_58#0 : i32 to vector<80x128xi32>
    %lt3A_71 = arith.cmpi slt, %add3A_18, %lt3A_70 : vector<80x128xi32>
    %and3A_72 = arith.andi %eq3A_69, %lt3A_71 : vector<80x128xi1>
    %or3A = arith.ori %gt3A_67, %and3A_72 : vector<80x128xi1>
    %convert_element_type3A_73 = arith.extui %or3A : vector<80x128xi1> to vector<80x128xi32>
    %convert_element_type3A_74 = arith.sitofp %convert_element_type3A_73 : vector<80x128xi32> to vector<80x128xf32>
    %swap3A_75 = arith.constant 0 : index
    %swap3A_76 = arith.constant 0 : index
    %swap3A_77 = vector.load %arg7[%swap3A_75, %swap3A_76] : memref<80x128xf32, #tpu.memory_space<vmem>>, vector<80x128xf32>
    tpu.vector_store %arg7[%swap3A_75, %swap3A_76], %convert_element_type3A_74 {strides = array<i32>} : memref<80x128xf32, #tpu.memory_space<vmem>>, vector<80x128xf32>,
    return
  }
}

module attributes {stable_mosaic.version = 14 : i64} {
  func.func @_pool_apply(%arg0: i32, %arg1: memref<1280x128xf32, #tpu.memory_space<vmem>>, %arg2: memref<1280x1xf32, #tpu.memory_space<vmem>>, %arg3: memref<1280x1xf32, #tpu.memory_space<vmem>>, %arg4: memref<1280x1xf32, #tpu.memory_space<vmem>>, %arg5: memref<1280x1xf32, #tpu.memory_space<vmem>>, %arg6: memref<1x1xf32, #tpu.memory_space<vmem>>, %arg7: memref<1x1xi32, #tpu.memory_space<vmem>>, %arg8: memref<1x1xi32, #tpu.memory_space<vmem>>, %arg9: memref<1280x128xf32, #tpu.memory_space<vmem>>, %arg10: memref<1280x1xf32, #tpu.memory_space<vmem>>, %arg11: memref<1x128xf32, #tpu.memory_space<vmem>>) attributes {dimension_semantics = [#tpu.dimension_semantics<arbitrary>], iteration_bounds = array<i64: 8>, scalar_prefetch = 0 : i64, scratch_operands = 0 : i64, tpu.core_type = #tpu.core_type<tc>, window_params = [{transform_indices = @transform_0, window_bounds = array<i64: 1280, 128>}, {transform_indices = @transform_1, window_bounds = array<i64: 1280, 1>}, {transform_indices = @transform_2, window_bounds = array<i64: 1280, 1>}, {transform_indices = @transform_3, window_bounds = array<i64: 1280, 1>}, {transform_indices = @transform_4, window_bounds = array<i64: 1280, 1>}, {pipeline_mode = #tpu.pipeline_mode<synchronous>, transform_indices = @transform_5, window_bounds = array<i64: 1, 1>}, {pipeline_mode = #tpu.pipeline_mode<synchronous>, transform_indices = @transform_6, window_bounds = array<i64: 1, 1>}, {pipeline_mode = #tpu.pipeline_mode<synchronous>, transform_indices = @transform_7, window_bounds = array<i64: 1, 1>}, {transform_indices = @transform_8, window_bounds = array<i64: 1280, 128>}, {transform_indices = @transform_9, window_bounds = array<i64: 1280, 1>}, {pipeline_mode = #tpu.pipeline_mode<synchronous>, transform_indices = @transform_10, window_bounds = array<i64: 1, 128>}]} {
    %get3A = arith.constant 0 : index
    %get3A_0 = arith.constant 0 : index
    %get3A_1 = vector.load %arg3[%get3A, %get3A_0] : memref<1280x1xf32, #tpu.memory_space<vmem>>, vector<1280x1xf32>
    %get3A_2 = arith.constant 0 : index
    %get3A_3 = arith.constant 0 : index
    %get3A_4 = vector.load %arg4[%get3A_2, %get3A_3] : memref<1280x1xf32, #tpu.memory_space<vmem>>, vector<1280x1xf32>
    %add3A = arith.addf %get3A_1, %get3A_4 : vector<1280x1xf32>
    %get3A_5 = arith.constant 0 : index
    %get3A_6 = arith.constant 0 : index
    %get3A_7 = vector.load %arg2[%get3A_5, %get3A_6] : memref<1280x1xf32, #tpu.memory_space<vmem>>, vector<1280x1xf32>
    %add3A_8 = arith.addf %add3A, %get3A_7 : vector<1280x1xf32>
    %get3A_9 = arith.constant 0 : index
    %get3A_10 = arith.constant 0 : index
    %get3A_11 = vector.load %arg6[%get3A_9, %get3A_10] : memref<1x1xf32, #tpu.memory_space<vmem>>, vector<1x1xf32>
    %get3A_12 = vector.extract %get3A_11[0, 0] : f32 from vector<1x1xf32>
    %add3A_13 = vector.broadcast %get3A_12 : f32 to vector<1280x1xf32>
    %add3A_14 = arith.addf %add3A_8, %add3A_13 : vector<1280x1xf32>
    %mul3A = arith.constant 1280 : i32
    %mul3A_15 = arith.muli %arg0, %mul3A : i32
    %iota3A = tpu.iota {dimensions = array<i32: 0>} : vector<1280x1xi32>
    %add3A_16 = vector.broadcast %mul3A_15 : i32 to vector<1280x1xi32>
    %add3A_17 = arith.addi %add3A_16, %iota3A : vector<1280x1xi32>
    %get3A_18 = arith.constant 0 : index
    %get3A_19 = arith.constant 0 : index
    %get3A_20 = vector.load %arg5[%get3A_18, %get3A_19] : memref<1280x1xf32, #tpu.memory_space<vmem>>, vector<1280x1xf32>
    %gt3A = arith.constant 0.000000e+00 : f32
    %gt3A_21 = vector.broadcast %gt3A : f32 to vector<1280x1xf32>
    %gt3A_22 = arith.cmpf ogt, %get3A_20, %gt3A_21 : vector<1280x1xf32>
    %lt3A = arith.constant 10000 : i32
    %lt3A_23 = vector.broadcast %lt3A : i32 to vector<1280x1xi32>
    %lt3A_24 = arith.cmpi slt, %add3A_17, %lt3A_23 : vector<1280x1xi32>
    %and3A = arith.andi %gt3A_22, %lt3A_24 : vector<1280x1xi1>
    %bitcast_convert_type3A = tpu.bitcast %add3A_14 : vector<1280x1xf32> -> vector<1280x1xi32>
    %lt3A_25 = arith.constant 0 : i32
    %lt3A_26 = vector.broadcast %lt3A_25 : i32 to vector<1280x1xi32>
    %lt3A_27 = arith.cmpi slt, %bitcast_convert_type3A, %lt3A_26 : vector<1280x1xi32>
    %xor3A = arith.constant 2147483647 : i32
    %xor3A_28 = vector.broadcast %xor3A : i32 to vector<1280x1xi32>
    %xor3A_29 = arith.xori %bitcast_convert_type3A, %xor3A_28 : vector<1280x1xi32>
    %select_n3A = arith.select %lt3A_27, %xor3A_29, %bitcast_convert_type3A : vector<1280x1xi1>, vector<1280x1xi32>
    %jit3A = arith.constant -2147483648 : i32
    %broadcast_in_dim3A = vector.broadcast %jit3A : i32 to vector<1280x1xi32>
    %select_n3A_30 = arith.select %and3A, %select_n3A, %broadcast_in_dim3A : vector<1280x1xi1>, vector<1280x1xi32>
    %get3A_31 = arith.constant 0 : index
    %get3A_32 = arith.constant 0 : index
    %get3A_33 = vector.load %arg7[%get3A_31, %get3A_32] : memref<1x1xi32, #tpu.memory_space<vmem>>, vector<1x1xi32>
    %get3A_34 = vector.extract %get3A_33[0, 0] : i32 from vector<1x1xi32>
    %get3A_35 = arith.constant 0 : index
    %get3A_36 = arith.constant 0 : index
    %get3A_37 = vector.load %arg8[%get3A_35, %get3A_36] : memref<1x1xi32, #tpu.memory_space<vmem>>, vector<1x1xi32>
    %get3A_38 = vector.extract %get3A_37[0, 0] : i32 from vector<1x1xi32>
    %gt3A_39 = vector.broadcast %get3A_34 : i32 to vector<1280x1xi32>
    %gt3A_40 = arith.cmpi sgt, %select_n3A_30, %gt3A_39 : vector<1280x1xi32>
    %eq3A = vector.broadcast %get3A_34 : i32 to vector<1280x1xi32>
    %eq3A_41 = arith.cmpi eq, %select_n3A_30, %eq3A : vector<1280x1xi32>
    %lt3A_42 = vector.broadcast %get3A_38 : i32 to vector<1280x1xi32>
    %lt3A_43 = arith.cmpi slt, %add3A_17, %lt3A_42 : vector<1280x1xi32>
    %and3A_44 = arith.andi %eq3A_41, %lt3A_43 : vector<1280x1xi1>
    %or3A = arith.ori %gt3A_40, %and3A_44 : vector<1280x1xi1>
    %tanh3A = math.tanh %add3A_14 : vector<1280x1xf32>
    %convert_element_type3A = arith.extui %or3A : vector<1280x1xi1> to vector<1280x1xi32>
    %convert_element_type3A_45 = arith.sitofp %convert_element_type3A : vector<1280x1xi32> to vector<1280x1xf32>
    %mul3A_46 = arith.mulf %tanh3A, %convert_element_type3A_45 : vector<1280x1xf32>
    %get3A_47 = arith.constant 0 : index
    %get3A_48 = arith.constant 0 : index
    %get3A_49 = vector.load %arg1[%get3A_47, %get3A_48] : memref<1280x128xf32, #tpu.memory_space<vmem>>, vector<1280x128xf32>
    %mul3A_50 = vector.broadcast %mul3A_46 : vector<1280x1xf32> to vector<1280x128xf32>
    %mul3A_51 = arith.mulf %get3A_49, %mul3A_50 : vector<1280x128xf32>
    %swap3A = arith.constant 0 : index
    %swap3A_52 = arith.constant 0 : index
    %swap3A_53 = vector.load %arg9[%swap3A, %swap3A_52] : memref<1280x128xf32, #tpu.memory_space<vmem>>, vector<1280x128xf32>
    tpu.vector_store %arg9[%swap3A, %swap3A_52], %mul3A_51 {strides = array<i32>} : memref<1280x128xf32, #tpu.memory_space<vmem>>, vector<1280x128xf32>,
    %convert_element_type3A_54 = arith.extui %or3A : vector<1280x1xi1> to vector<1280x1xi32>
    %convert_element_type3A_55 = arith.sitofp %convert_element_type3A_54 : vector<1280x1xi32> to vector<1280x1xf32>
    %swap3A_56 = arith.constant 0 : index
    %swap3A_57 = arith.constant 0 : index
    %swap3A_58 = vector.load %arg10[%swap3A_56, %swap3A_57] : memref<1280x1xf32, #tpu.memory_space<vmem>>, vector<1280x1xf32>
    tpu.vector_store %arg10[%swap3A_56, %swap3A_57], %convert_element_type3A_55 {strides = array<i32>} : memref<1280x1xf32, #tpu.memory_space<vmem>>, vector<1280x1xf32>,
    %eq3A_59 = arith.constant 0 : i32
    %eq3A_60 = arith.cmpi eq, %arg0, %eq3A_59 : i32
    %convert_element_type3A_61 = arith.extui %eq3A_60 : i1 to i32
    %cond3A = arith.constant 0 : i32
    %cond3A_62 = arith.cmpi ne, %convert_element_type3A_61, %cond3A : i32
    scf.if %cond3A_62 {
      %broadcast_in_dim3A_75 = arith.constant 0.000000e+00 : f32
      %broadcast_in_dim3A_76 = vector.broadcast %broadcast_in_dim3A_75 : f32 to vector<1x128xf32>
      %swap3A_77 = arith.constant 0 : index
      %swap3A_78 = arith.constant 0 : index
      %swap3A_79 = vector.load %arg11[%swap3A_77, %swap3A_78] : memref<1x128xf32, #tpu.memory_space<vmem>>, vector<1x128xf32>
      tpu.vector_store %arg11[%swap3A_77, %swap3A_78], %broadcast_in_dim3A_76 {strides = array<i32>} : memref<1x128xf32, #tpu.memory_space<vmem>>, vector<1x128xf32>,
    } else {
    }
    %get3A_63 = arith.constant 0 : index
    %get3A_64 = arith.constant 0 : index
    %get3A_65 = vector.load %arg11[%get3A_63, %get3A_64] : memref<1x128xf32, #tpu.memory_space<vmem>>, vector<1x128xf32>
    %reduce_sum3A = arith.constant dense<0.000000e+00> : vector<128xf32>
    %reduce_sum3A_66 = vector.multi_reduction <add>, %mul3A_51, %reduce_sum3A [0] : vector<1280x128xf32> to vector<128xf32>
    %broadcast_in_dim3A_67 = vector.shape_cast %reduce_sum3A_66 : vector<128xf32> to vector<1x128xf32>
    %mul3A_68 = arith.constant 2.77777785E-4 : f32
    %mul3A_69 = vector.broadcast %mul3A_68 : f32 to vector<1x128xf32>
    %mul3A_70 = arith.mulf %broadcast_in_dim3A_67, %mul3A_69 : vector<1x128xf32>
    %add3A_71 = arith.addf %get3A_65, %mul3A_70 : vector<1x128xf32>
    %swap3A_72 = arith.constant 0 : index
    %swap3A_73 = arith.constant 0 : index
    %swap3A_74 = vector.load %arg11[%swap3A_72, %swap3A_73] : memref<1x128xf32, #tpu.memory_space<vmem>>, vector<1x128xf32>
    tpu.vector_store %arg11[%swap3A_72, %swap3A_73], %add3A_71 {strides = array<i32>} : memref<1x128xf32, #tpu.memory_space<vmem>>, vector<1x128xf32>,
    return
  }
  func.func @transform_0(%arg0: i32) -> (i32, i32) {
    %c0_i32 = arith.constant 0 : i32
    %c0_i32_0 = arith.constant 0 : i32
    return %arg0, %c0_i32 : i32, i32
  }
  func.func @transform_1(%arg0: i32) -> (i32, i32) {
    %c0_i32 = arith.constant 0 : i32
    %c0_i32_0 = arith.constant 0 : i32
    return %arg0, %c0_i32 : i32, i32
  }
  func.func @transform_2(%arg0: i32) -> (i32, i32) {
    %c0_i32 = arith.constant 0 : i32
    %c0_i32_0 = arith.constant 0 : i32
    return %arg0, %c0_i32 : i32, i32
  }
  func.func @transform_3(%arg0: i32) -> (i32, i32) {
    %c0_i32 = arith.constant 0 : i32
    %c0_i32_0 = arith.constant 0 : i32
    return %arg0, %c0_i32 : i32, i32
  }
  func.func @transform_4(%arg0: i32) -> (i32, i32) {
    %c0_i32 = arith.constant 0 : i32
    %c0_i32_0 = arith.constant 0 : i32
    return %arg0, %c0_i32 : i32, i32
  }
  func.func @transform_5(%arg0: i32) -> (i32, i32) {
    %c0_i32 = arith.constant 0 : i32
    %c0_i32_0 = arith.constant 0 : i32
    %c0_i32_1 = arith.constant 0 : i32
    return %c0_i32, %c0_i32_0 : i32, i32
  }
  func.func @transform_6(%arg0: i32) -> (i32, i32) {
    %c0_i32 = arith.constant 0 : i32
    %c0_i32_0 = arith.constant 0 : i32
    %c0_i32_1 = arith.constant 0 : i32
    return %c0_i32, %c0_i32_0 : i32, i32
  }
  func.func @transform_7(%arg0: i32) -> (i32, i32) {
    %c0_i32 = arith.constant 0 : i32
    %c0_i32_0 = arith.constant 0 : i32
    %c0_i32_1 = arith.constant 0 : i32
    return %c0_i32, %c0_i32_0 : i32, i32
  }
  func.func @transform_8(%arg0: i32) -> (i32, i32) {
    %c0_i32 = arith.constant 0 : i32
    %c0_i32_0 = arith.constant 0 : i32
    return %arg0, %c0_i32 : i32, i32
  }
  func.func @transform_9(%arg0: i32) -> (i32, i32) {
    %c0_i32 = arith.constant 0 : i32
    %c0_i32_0 = arith.constant 0 : i32
    return %arg0, %c0_i32 : i32, i32
  }
  func.func @transform_10(%arg0: i32) -> (i32, i32) {
    %c0_i32 = arith.constant 0 : i32
    %c0_i32_0 = arith.constant 0 : i32
    %c0_i32_1 = arith.constant 0 : i32
    return %c0_i32, %c0_i32_0 : i32, i32
  }
}

module attributes {stable_mosaic.version = 14 : i64} {
  func.func @_head(%arg0: memref<1x128xf32, #tpu.memory_space<vmem>>, %arg1: memref<1x128xf32, #tpu.memory_space<vmem>>, %arg2: memref<256x128xf32, #tpu.memory_space<vmem>>, %arg3: memref<1x128xf32, #tpu.memory_space<vmem>>, %arg4: memref<128x64xf32, #tpu.memory_space<vmem>>, %arg5: memref<1x64xf32, #tpu.memory_space<vmem>>, %arg6: memref<1x64xf32, #tpu.memory_space<vmem>>, %arg7: memref<1x64xf32, #tpu.memory_space<vmem>>, %arg8: memref<64x32xf32, #tpu.memory_space<vmem>>, %arg9: memref<1x32xf32, #tpu.memory_space<vmem>>, %arg10: memref<1x32xf32, #tpu.memory_space<vmem>>, %arg11: memref<1x32xf32, #tpu.memory_space<vmem>>, %arg12: memref<32x4xf32, #tpu.memory_space<vmem>>, %arg13: memref<1x4xf32, #tpu.memory_space<vmem>>) attributes {dimension_semantics = [], scalar_prefetch = 0 : i64, scratch_operands = 0 : i64, tpu.core_type = #tpu.core_type<tc>} {
    %get3A = arith.constant 0 : index
    %get3A_0 = arith.constant 0 : index
    %get3A_1 = vector.load %arg0[%get3A, %get3A_0] : memref<1x128xf32, #tpu.memory_space<vmem>>, vector<1x128xf32>
    %get3A_2 = arith.constant 0 : index
    %get3A_3 = arith.constant 0 : index
    %get3A_4 = vector.load %arg1[%get3A_2, %get3A_3] : memref<1x128xf32, #tpu.memory_space<vmem>>, vector<1x128xf32>
    %concatenate3A = tpu.concatenate %get3A_1, %get3A_4 in 1 : vector<1x128xf32>, vector<1x128xf32> -> vector<1x256xf32>
    %get3A_5 = arith.constant 0 : index
    %get3A_6 = arith.constant 0 : index
    %get3A_7 = vector.load %arg2[%get3A_5, %get3A_6] : memref<256x128xf32, #tpu.memory_space<vmem>>, vector<256x128xf32>
    %dot_general3A = arith.constant dense<0.000000e+00> : vector<1x128xf32>
    %dot_general3A_8 = tpu.matmul %concatenate3A, %get3A_7, %dot_general3A {dimension_numbers = #tpu.dot_dimension_numbers<[1], [0], [0], [1], [0, 0, 1, 1], [], []>, transpose_lhs_hint = false} : vector<1x256xf32>, vector<256x128xf32>, vector<1x128xf32> -> vector<1x128xf32>
    %get3A_9 = arith.constant 0 : index
    %get3A_10 = arith.constant 0 : index
    %get3A_11 = vector.load %arg3[%get3A_9, %get3A_10] : memref<1x128xf32, #tpu.memory_space<vmem>>, vector<1x128xf32>
    %add3A = arith.addf %dot_general3A_8, %get3A_11 : vector<1x128xf32>
    %get3A_12 = arith.constant 0 : index
    %get3A_13 = arith.constant 0 : index
    %get3A_14 = vector.load %arg4[%get3A_12, %get3A_13] : memref<128x64xf32, #tpu.memory_space<vmem>>, vector<128x64xf32>
    %dot_general3A_15 = arith.constant dense<0.000000e+00> : vector<1x64xf32>
    %dot_general3A_16 = tpu.matmul %add3A, %get3A_14, %dot_general3A_15 {dimension_numbers = #tpu.dot_dimension_numbers<[1], [0], [0], [1], [0, 0, 1, 1], [], []>, transpose_lhs_hint = false} : vector<1x128xf32>, vector<128x64xf32>, vector<1x64xf32> -> vector<1x64xf32>
    %get3A_17 = arith.constant 0 : index
    %get3A_18 = arith.constant 0 : index
    %get3A_19 = vector.load %arg5[%get3A_17, %get3A_18] : memref<1x64xf32, #tpu.memory_space<vmem>>, vector<1x64xf32>
    %add3A_20 = arith.addf %dot_general3A_16, %get3A_19 : vector<1x64xf32>
    %mul3A = arith.constant 0.999994993 : f32
    %mul3A_21 = vector.broadcast %mul3A : f32 to vector<1x64xf32>
    %mul3A_22 = arith.mulf %add3A_20, %mul3A_21 : vector<1x64xf32>
    %get3A_23 = arith.constant 0 : index
    %get3A_24 = arith.constant 0 : index
    %get3A_25 = vector.load %arg6[%get3A_23, %get3A_24] : memref<1x64xf32, #tpu.memory_space<vmem>>, vector<1x64xf32>
    %mul3A_26 = arith.mulf %mul3A_22, %get3A_25 : vector<1x64xf32>
    %get3A_27 = arith.constant 0 : index
    %get3A_28 = arith.constant 0 : index
    %get3A_29 = vector.load %arg7[%get3A_27, %get3A_28] : memref<1x64xf32, #tpu.memory_space<vmem>>, vector<1x64xf32>
    %add3A_30 = arith.addf %mul3A_26, %get3A_29 : vector<1x64xf32>
    %max3A = arith.constant 0.000000e+00 : f32
    %max3A_31 = vector.broadcast %max3A : f32 to vector<1x64xf32>
    %max3A_32 = arith.maximumf %add3A_30, %max3A_31 : vector<1x64xf32>
    %get3A_33 = arith.constant 0 : index
    %get3A_34 = arith.constant 0 : index
    %get3A_35 = vector.load %arg8[%get3A_33, %get3A_34] : memref<64x32xf32, #tpu.memory_space<vmem>>, vector<64x32xf32>
    %dot_general3A_36 = arith.constant dense<0.000000e+00> : vector<1x32xf32>
    %dot_general3A_37 = tpu.matmul %max3A_32, %get3A_35, %dot_general3A_36 {dimension_numbers = #tpu.dot_dimension_numbers<[1], [0], [0], [1], [0, 0, 1, 1], [], []>, transpose_lhs_hint = false} : vector<1x64xf32>, vector<64x32xf32>, vector<1x32xf32> -> vector<1x32xf32>
    %get3A_38 = arith.constant 0 : index
    %get3A_39 = arith.constant 0 : index
    %get3A_40 = vector.load %arg9[%get3A_38, %get3A_39] : memref<1x32xf32, #tpu.memory_space<vmem>>, vector<1x32xf32>
    %add3A_41 = arith.addf %dot_general3A_37, %get3A_40 : vector<1x32xf32>
    %mul3A_42 = arith.constant 0.999994993 : f32
    %mul3A_43 = vector.broadcast %mul3A_42 : f32 to vector<1x32xf32>
    %mul3A_44 = arith.mulf %add3A_41, %mul3A_43 : vector<1x32xf32>
    %get3A_45 = arith.constant 0 : index
    %get3A_46 = arith.constant 0 : index
    %get3A_47 = vector.load %arg10[%get3A_45, %get3A_46] : memref<1x32xf32, #tpu.memory_space<vmem>>, vector<1x32xf32>
    %mul3A_48 = arith.mulf %mul3A_44, %get3A_47 : vector<1x32xf32>
    %get3A_49 = arith.constant 0 : index
    %get3A_50 = arith.constant 0 : index
    %get3A_51 = vector.load %arg11[%get3A_49, %get3A_50] : memref<1x32xf32, #tpu.memory_space<vmem>>, vector<1x32xf32>
    %add3A_52 = arith.addf %mul3A_48, %get3A_51 : vector<1x32xf32>
    %max3A_53 = arith.constant 0.000000e+00 : f32
    %max3A_54 = vector.broadcast %max3A_53 : f32 to vector<1x32xf32>
    %max3A_55 = arith.maximumf %add3A_52, %max3A_54 : vector<1x32xf32>
    %get3A_56 = arith.constant 0 : index
    %get3A_57 = arith.constant 0 : index
    %get3A_58 = vector.load %arg12[%get3A_56, %get3A_57] : memref<32x4xf32, #tpu.memory_space<vmem>>, vector<32x4xf32>
    %dot_general3A_59 = arith.constant dense<0.000000e+00> : vector<1x4xf32>
    %dot_general3A_60 = tpu.matmul %max3A_55, %get3A_58, %dot_general3A_59 {dimension_numbers = #tpu.dot_dimension_numbers<[1], [0], [0], [1], [0, 0, 1, 1], [], []>, transpose_lhs_hint = false} : vector<1x32xf32>, vector<32x4xf32>, vector<1x4xf32> -> vector<1x4xf32>
    %swap3A = arith.constant 0 : index
    %swap3A_61 = arith.constant 0 : index
    %swap3A_62 = vector.load %arg13[%swap3A, %swap3A_61] : memref<1x4xf32, #tpu.memory_space<vmem>>, vector<1x4xf32>
    tpu.vector_store %arg13[%swap3A, %swap3A_61], %dot_general3A_60 {strides = array<i32>} : memref<1x4xf32, #tpu.memory_space<vmem>>, vector<1x4xf32>,
    return
  }
}

</mosaic_0001>

<sc_bundles>
// kernel: kernel.14.cloned.1.call-start
scs
__scs_entry_jumppad:
0x0: {  	(pc) =	sbr.rel $0x88, $3  }
0x1: {  	(tag) =	ssettag $0x0;
	lr =	simm.s32 $0x1  }
0x2: {  	[smem:$0x3F84] =	sst lr;
	_ =	strace $0xD0000000  }
0x3: {  	_ = 	snop  }
0x4: {  	_ = 	snop  }
0x5: {  	_ = 	snop  }
0x6: {  	_ = 	snop  }
0x7: {  	_ = 	snop  }
__scs_overlays_trampoline_lowered:
0x8: {  	[smem:$0x3F93] =	sst s0  }
0x9: {  	[smem:$0x3F94] =	sst s1  }
0xa: {  	[smem:$0x3F95] =	sst s2  }
0xb: {  	[smem:$0x3F96] =	sst s3  }
0xc: {  	[smem:$0x3F97] =	sst s4  }
0xd: {  	[smem:$0x3F98] =	sst s5  }
0xe: {  	[smem:$0x3F99] =	sst s6  }
0xf: {  	[smem:$0x3F9A] =	sst s7  }
0x10: {  	[smem:$0x3F9B] =	sst s8  }
0x11: {  	[smem:$0x3F9C] =	sst s9;
	s0 =	simm.s32 @!p0 $0x0  }
0x12: {  	s1 =	sld [smem:$0x3F82];
	s0 =	simm.s32 @p0 $0x1  }
0x13: {  	[smem:$0x3F9D] =	sst s0;
	s0 =	simm.s32 @!p1 $0x0  }
0x14: {  	s2 =	sld [smem:$0x3F81];
	s0 =	simm.s32 @p1 $0x1  }
0x15: {  	[smem:$0x3F9E] =	sst s0;
	s0 =	simm.s32 @!p2 $0x0  }
0x16: {  	s3 =	sld [smem:$0x3FDB];
	s0 =	simm.s32 @p2 $0x1  }
0x17: {  	s4 =	simm.s32 $0x1BF5;
	[smem:$0x3FA0] =	sst s0  }
0x18: {  	s0 =	sld [smem:$0x3F83];
	_ =	swait.ge [sflag:s4], $0x0  }
0x19: {  	s7 =	sld [smem:$0x3F84]  }
0x1a: {  	s8 =	sadd.s32 $0xFFFFE003, lr  }
0x1b: {  	s9 =	sadd.s32 $0xFFFFFEF7, lr;
	s5 =	simm.s32 $0xFFFFFFFF;
	p2 =	slt.u32 s8, $0xFFFFF086  }
0x1c: {  	p1 =	slt.u32 s9, $0xF7A;
	s5 =	simm.s32 @!p2 $0x0  }
0x1d: {  	s5 =	simm.s32 @p1 $0x1;
	p0 =	seq.s32 s7, s2  }
0x1e: {  	s7 =	smul.u32 @!p0 $0xF7A, s2;
	p2 =	seq.s32 @!p0 s5, $0x0  }
0x1f: {  	s9 =	smul.u32 $0xF7A, s1;
	s8 =	simm.s32 @!p0 $0x1BF5;
	p2 =	por !p2, p0  }
0x20: {  	[sflag:s8] =	ssyncset.s32 @!p0 $0xFFFFF086;
	s6 =	sadd.s32 @!p0 s3, s7;
	s7 =	simm.s32 @!p0 $0x108  }
0x21: {  	s3 =	sadd.s32 s3, s9;
	s6 =	sadd.s32 @!p0 $0x88, s6;
	s7 =	simm.s32 @p2 $0x1082  }
0x22: {  	[simem:s7], [sflag:s8] =	dma.local @!p0 [hbm:s6], $0xF7A  }
0x23: {  	s9 =	sor.u32 $0xD0000000, s2;
	s6 =	simm.s32 $0x108;
	_ =	swait.ge @!p0 [sflag:s8], $0x0  }
0x24: {  	s3 =	sadd.s32 $0x88, s3;
	s6 =	simm.s32 @!p1 $0x1082;
	[sflag:s4] =	ssyncset.s32 $0xFFFFF086  }
0x25: {  	[simem:s6], [sflag:s4] =	dma.local [hbm:s3], $0xF7A  }
0x26: {  	[smem:$0x3F84] =	sst s1;
	(tag) =	ssettag s2;
	_ =	strace s9  }
0x27: {  	s1 =	sld [smem:$0x3F94]  }
0x28: {  	s2 =	sld [smem:$0x3F95]  }
0x29: {  	s4 =	sld [smem:$0x3F97]  }
0x2a: {  	p0 =	seq.s32 s5, $0x0;
	s5 =	sld [smem:$0x3F98]  }
0x2b: {  	s6 =	sld [smem:$0x3F99]  }
0x2c: {  	s7 =	sld [smem:$0x3F9A]  }
0x2d: {  	s3 =	simm.s32 $0x108;
	s8 =	sld [smem:$0x3F9B]  }
0x2e: {  	s3 =	simm.s32 @!p0 $0x1082;
	s9 =	sld [smem:$0x3F9C]  }
0x2f: {  	lr =	sadd.s32 s0, s3;
	s0 =	sld [smem:$0x3F93]  }
0x30: {  	s3 =	sld [smem:$0x3F96]  }
0x31: {  	[smem:$0x3F9F] =	sst s10  }
0x32: {  	s10 =	sld [smem:$0x3F9D];
	_ =	sdelay $0x3  }
0x33: {  	p0 =	seq.s32 s10, $0x1;
	s10 =	sld [smem:$0x3F9F];
	_ =	sdelay $0x3  }
0x34: {  	[smem:$0x3F9F] =	sst s10  }
0x35: {  	s10 =	sld [smem:$0x3F9E];
	_ =	sdelay $0x3  }
0x36: {  	p1 =	seq.s32 s10, $0x1;
	s10 =	sld [smem:$0x3F9F];
	_ =	sdelay $0x3  }
0x37: {  	[smem:$0x3F9F] =	sst s10  }
0x38: {  	s10 =	sld [smem:$0x3FA0]  }
0x39: {  	_ = 	snop;
	(pc) =	sbr.ind lr, $3  }
0x3a: {  	_ = 	snop  }
0x3b: {  	_ = 	snop  }
0x3c: {  	p2 =	seq.s32 s10, $0x1;
	s10 =	sld [smem:$0x3F9F]  }
0x3d: {  	_ =	shalt  }
0x3e: {  	_ =	shalt  }
0x3f: {  	_ =	shalt  }
0x40: {  	_ =	shalt  }
0x41: {  	_ =	shalt  }
0x42: {  	_ =	shalt  }
0x43: {  	_ =	shalt  }
0x44: {  	_ =	shalt  }
0x45: {  	_ =	shalt  }
0x46: {  	_ =	shalt  }
0x47: {  	_ =	shalt  }
0x48: {  	_ =	shalt  }
0x49: {  	_ =	shalt  }
0x4a: {  	_ =	shalt  }
0x4b: {  	_ =	shalt  }
0x4c: {  	_ =	shalt  }
0x4d: {  	_ =	shalt  }
0x4e: {  	_ =	shalt  }
0x4f: {  	_ =	shalt  }
0x50: {  	_ =	shalt  }
0x51: {  	_ =	shalt  }
0x52: {  	_ =	shalt  }
0x53: {  	_ =	shalt  }
0x54: {  	_ =	shalt  }
0x55: {  	_ =	shalt  }
0x56: {  	_ =	shalt  }
0x57: {  	_ =	shalt  }
0x58: {  	_ =	shalt  }
0x59: {  	_ =	shalt  }
0x5a: {  	_ =	shalt  }
0x5b: {  	_ =	shalt  }
0x5c: {  	_ =	shalt  }
0x5d: {  	_ =	shalt  }
0x5e: {  	_ =	shalt  }
0x5f: {  	_ =	shalt  }
0x60: {  	_ =	shalt  }
0x61: {  	_ =	shalt  }
0x62: {  	_ =	shalt  }
0x63: {  	_ =	shalt  }
0x64: {  	_ =	shalt  }
0x65: {  	_ =	shalt  }
0x66: {  	_ =	shalt  }
0x67: {  	_ =	shalt  }
0x68: {  	_ =	shalt  }
0x69: {  	_ =	shalt  }
0x6a: {  	_ =	shalt  }
0x6b: {  	_ =	shalt  }
0x6c: {  	_ =	shalt  }
0x6d: {  	_ =	shalt  }
0x6e: {  	_ =	shalt  }
0x6f: {  	_ =	shalt  }
0x70: {  	_ =	shalt  }
0x71: {  	_ =	shalt  }
0x72: {  	_ =	shalt  }
0x73: {  	_ =	shalt  }
0x74: {  	_ =	shalt  }
0x75: {  	_ =	shalt  }
0x76: {  	_ =	shalt  }
0x77: {  	_ =	shalt  }
0x78: {  	_ =	shalt  }
0x79: {  	_ =	shalt  }
0x7a: {  	_ =	shalt  }
0x7b: {  	_ =	shalt  }
0x7c: {  	_ =	shalt  }
0x7d: {  	_ =	shalt  }
0x7e: {  	_ =	shalt  }
0x7f: {  	_ =	shalt  }
0x80: {  	_ =	shalt  }
0x81: {  	_ =	shalt  }
0x82: {  	_ =	shalt  }
0x83: {  	_ =	shalt  }
0x84: {  	_ =	shalt  }
0x85: {  	_ =	shalt  }
0x86: {  	_ =	shalt  }
0x87: {  	_ =	shalt  }
.Lfunc_end0:
.L_simem_size_0:
called_computation_lowered:
.L_overlay_start_0:
0x88: {  	s2 =	sld [smem:$0x3FD9]  }
0x89: {  	s3 =	sld [smem:$0x3FFE];
	_ =	sdelay $0x1  }
0x8a: {  	s1 =	srdreg.scid  }
0x8b: {  	s0 =	sand.u32 $0x1, s1  }
0x8c: {  	s16 =	sshll.u32 s0, $0xA;
	s2 =	sadd.s32 s3, s2  }
0x8d: {  	s2 =	sadd.s32 s2, s16  }
0x8e: {  	[smem:$0x3FAB] =	sst s2  }
0x8f: {  	_ = 	snop  }
0x90: {  	(tm) =	ssettm $0x1  }
0x91: {  	s17 =	sld [smem:$0x3FFB];
	_ =	sdelay $0x3  }
0x92: {  	_ =	strace s17  }
0x93: {  	s2 =	sld [smem:$0x3FFC];
	_ =	sdelay $0x3  }
0x94: {  	_ =	strace s2  }
0x95: {  	s2 =	sld [smem:$0x3FFD];
	_ =	sdelay $0x3  }
0x96: {  	_ =	strace s2  }
0x97: {  	_ =	strace $0x8FFFFFFF  }
0x98: {  	s18 =	sld [smem:$0x3FDB];
	_ =	sdelay $0x1  }
0x99: {  	s19 =	simm.s32 $_scs_section_size  }
0x9a: {  	s4 =	simm.s32 $_size__tile_overlayer_lowered;
	s5 =	simm.s32 $_tile_overlayer_lowered  }
0x9b: {  	s22 =	simm.s32 $0x1BFF;
	s21 =	sshll.u32 s5, $0x1;
	s2 =	sadd.s32 s19, s18  }
0x9c: {  	s6 =	simm.s32 $0x0;
	s20 =	sshll.u32 s4, $0x1;
	s4 =	sadd.s32 s21, s2  }
0x9d: {  	[timem:s6], [sflag:s22] =	dma.local [hbm:s4], s20  }
0x9e: {  	_ =	swait.ge [sflag:s22], s20  }
0x9f: {  	s3 =	ssub.s32 $0x0, s20;
	[sflag:s22] =	ssyncset.done $0x0  }
0xa0: {  	[sflag:s22] =	ssyncadd.s32 s3;
	_ =	sdelay $0x1  }
0xa1: {  	s23 =	simm.s32 $0x1B8B  }
0xa2: {  	_ =	swait.ge [sflag:s23], $0x1  }
0xa3: {  	[sflag:s23] =	ssyncset.done $0x0  }
0xa4: {  	s25 =	simm.s32 $0x1B8E;
	s24 =	sld [smem:$0x3FFE];
	[sflag:s23] =	ssyncadd.s32 $0xFFFFFFFF  }
0xa5: {  	s26 =	simm.s32 $execute0_lowered;
	[smem:$0x3FD2] =	sst s25  }
0xa6: {  	s4 =	sshll.u32 s26, $0x1;
	_ =	strace $0x80000046;
	[dreg:$0x1] =	wrdreg $0xFFFFFFFF  }
0xa7: {  	s28 =	simm.s32 $_size_execute0_lowered;
	s2 =	sadd.s32 s2, s4;
	[dreg:$0x0] =	wrdreg $0x0  }
0xa8: {  	s4 =	sshll.u32 s28, $0x1;
	[dreg:$0x2] =	wrdreg s2  }
0xa9: {  	[dreg:$0x3] =	wrdreg s4  }
0xaa: {  	[dreg:$0x4] =	wrdreg $0xC0  }
0xab: {  	_ =	task [dreg:s6], $0x5FFFF  }
0xac: {  	[dreg:$0x1] =	wrdreg $0xFFFFFFFF  }
0xad: {  	[dreg:$0x0] =	wrdreg $0x60  }
0xae: {  	[dreg:$0x2] =	wrdreg s24  }
0xaf: {  	[dreg:$0x3] =	wrdreg $0x41000  }
0xb0: {  	[dreg:$0x4] =	wrdreg $0x9  }
0xb1: {  	_ =	task.clear_ibuf [dreg:s6], $0x5FFFF;
	_ =	strace $0x90000046  }
0xb2: {  	s29 =	simm.s32 $0x9;
	_ =	strace $0x80000048  }
0xb3: {  	_ =	swait.ge [sflag:s29], $0x1  }
0xb4: {  	[sflag:s29] =	ssyncadd.s32 $0xFFFFFFFF  }
0xb5: {  	_ =	strace $0x90000048  }
0xb6: {  	_ =	sfence  }
0xb7: {  	s30 =	sld [smem:$0x0];
	_ =	sdelay $0x2  }
0xb8: {  	s31 =	sshll.u32 s1, $0xD;
	s1 =	sshrl.u32 s1, $0x2  }
0xb9: {  	s3 =	sand.u32 $0x4000, s31;
	s1 =	sadd.s32 s1, s30  }
0xba: {  	s0 =	sor.u32 s3, s0;
	s1 =	sshll.u32 s1, $0x11  }
0xbb: {  	s0 =	sor.u32 s1, s0  }
0xbc: {  	s0 =	sadd.s32 $0x8F2B, s0  }
0xbd: {  	[sflag:s0] =	ssyncadd.remote.s32 $0x1  }
0xbe: {  	_ =	sfence.sel $0xFFFF  }
0xbf: {  	[dreg:$0x0] =	wrdreg $0xFFFFFFFF;
	(pc) =	sbr.abs _section_cstart, $3  }
0xc0: {  	[dreg:$0x1] =	wrdreg $0xFFFFFFFF  }
0xc1: {  	_ =	task.clear_ibuf [dreg:s6], $0x2FFFF;
	_ =	strace $0x9FFFFFFF  }
0xc2: {  	(tm) =	ssettm $0x7FFFFFFF  }
0xc3: {  	_ =	shalt  }
tec
execute0_lowered:
.L_overlay_start_1:
0x0: {  	(tag) =	ssettag $0x1  }
0x1: {  	s6 =	rddreg [dreg:$0x0]  }
0x2: {  	s2 =	rddreg [dreg:$0x1]  }
0x3: {  	s0 =	rddreg [dreg:$0x2];
	s1 =	stileid.u32  }
0x4: {  	s4 =	srdreg.scid;
	s3 =	simm.s32 $0x0;
	s14 =	simm.s32 $0x100  }
0x5: {  	s15 =	simm.s32 $0x1;
	s16 =	simm.s32 $0x0;
	s5 =	smul.u32 $0xA00, s1  }
0x6: {  	s7 =	sand.u32 $0x1, s4;
	s8 =	smul.u32 $0x2800, s1;
	[smem:$0x7FF] =	sst s3  }
0x7: {  	s4 =	sadd.s32 $0x19A00, s6;
	s29 =	smul.u32 $0x50000, s1;
	s31 =	sshll.u32 s1, $0x6  }
0x8: {  	s9 =	smul.u32 $0x28000, s7;
	_ =	strace $0x80000047;
	s30 =	ssub.s32 $0x2, s7  }
0x9: {  	s12 =	smul.u32 $0x500, s7;
	s10 =	sadd.s32 s5, s6;
	s5 =	sadd.s32 $0x41A00, s6  }
0xa: {  	s11 =	sshrl.u32 s30, $0x1;
	s8 =	sadd.s32 s8, s9;
	s9 =	sshrl.u32 s29, $0x2  }
0xb: {  	s11 =	ssub.s32 s30, s11;
	s10 =	sadd.s32 s12, s10;
	s12 =	simm.s32 $0x2  }
0xc: {  	s8 =	sadd.s32 s8, s6;
	s13 =	sadd.s32 s9, s2;
	s6 =	sor.u32 $0x1C02, s31  }
0xd: {  	s9 =	sadd.s32 $0xFA00, s10;
	s10 =	sadd.s32 $0x5A00, s10;
	s7 =	sadd.s32 $0x44200, s8  }
0xe: {  	s8 =	smax.u32 s11, $0x1;
	s11 =	sshrl.u32 s13, $0x3;
	s13 =	simm.s32 $0x80  }
.LBB2_1:
0xf: {  	[spmem:s11], [sflag:s6] =	dma.local [hbm:s5], $0x2800  }
0x10: {  	_ =	swait.ge [sflag:s12], $0x2800  }
0x11: {  	[sflag:s12] =	ssyncset.done $0x0  }
0x12: {  	[sflag:s12] =	ssyncadd.s32 $0xFFFFD800  }
0x13: {  	s17 =	sadd.s32 $0x0, s10;
	[bflag:$0x0] =	sbarrier.arrive $0xFFFF  }
0x14: {  	[tilespmem:s3], [sflag:$0x2] =	stream.linear.gather [hbm4b:s17+s3], $0x80, $0x38;
	[tilespmem:$0x18100] =	vst v63  }
0x15: {  	_ =	swait.ge [sflag:s12], $0x80  }
0x16: {  	[sflag:s12] =	ssyncset.done $0x0  }
0x17: {  	s31 =	sadd.s32 $0x0, s9;
	[sflag:s12] =	ssyncadd.s32 $0xFFFFFF80  }
0x18: {  	[tilespmem:s13], [sflag:$0x2] =	stream.linear.gather [hbm4b:s31+s3], $0x80, $0x38;
	[tilespmem:$0x18100] =	vst v63  }
0x19: {  	_ =	swait.ge [sflag:s12], $0x80  }
0x1a: {  	[sflag:s12] =	ssyncset.done $0x0  }
0x1b: {  	[sflag:s12] =	ssyncadd.s32 $0xFFFFFF80  }
0x1c: {  	[tilespmem:s14], [sflag:$0x1] =	stream.indirect.gather [hbm4b:s4+s13], $0x80, s3, s13, $0xb8;
	[tilespmem:$0x18100] =	vst v63  }
0x1d: {  	_ =	swait.ge [sflag:s15], $0x4000  }
0x1e: {  	[sflag:s15] =	ssyncset.done $0x0  }
0x1f: {  	[sflag:s15] =	ssyncadd.s32 $0xFFFFC000  }
0x20: {  	[spmem:s2] =	stream.indirect.scatter.add.f32 [tilespmem:s14], [sflag:$0x2], $0x80, s13, s13, $0xb8;
	[tilespmem:$0x18100] =	vst v63  }
0x21: {  	_ =	swait.ge [sflag:s12], $0x4000  }
0x22: {  	s18 =	simm.s32 $0x20;
	s17 =	simm.s32 $0x10;
	[sflag:s12] =	ssyncset.done $0x0  }
.LBB2_2:
0x23: {  	s19 =	sadd.s32 s17, s10  }
0x24: {  	[sflag:s12] =	ssyncadd.s32 $0xFFFFC000;
	s20 =	smov.u32 s18;
	s21 =	sadd.s32 $0x10, s18  }
0x25: {  	[tilespmem:s3], [sflag:$0x2] =	stream.linear.gather [hbm4b:s19+s3], $0x80, $0x38;
	[tilespmem:$0x18100] =	vst v63  }
0x26: {  	p0 =	sne.s32 s18, $0x4F0;
	_ =	swait.ge [sflag:s12], $0x80  }
0x27: {  	[sflag:s12] =	ssyncset.done $0x0  }
0x28: {  	s18 =	sadd.s32 s17, s9;
	s17 =	smov.u32 s20;
	[sflag:s12] =	ssyncadd.s32 $0xFFFFFF80  }
0x29: {  	[tilespmem:s13], [sflag:$0x2] =	stream.linear.gather [hbm4b:s18+s3], $0x80, $0x38;
	[tilespmem:$0x18100] =	vst v63  }
0x2a: {  	_ =	swait.ge [sflag:s12], $0x80  }
0x2b: {  	[sflag:s12] =	ssyncset.done $0x0  }
0x2c: {  	[sflag:s12] =	ssyncadd.s32 $0xFFFFFF80  }
0x2d: {  	[tilespmem:s14], [sflag:$0x1] =	stream.indirect.gather [hbm4b:s4+s13], $0x80, s3, s13, $0xb8;
	[tilespmem:$0x18100] =	vst v63  }
0x2e: {  	_ =	swait.ge [sflag:s15], $0x4000  }
.Ltmp0:
0x2f: {  	[sflag:s15] =	ssyncset.done $0x0;
	(pc) =	sbr.rel @p0 .LBB2_2-.Ltmp0, $4  }
0x30: {  	[sflag:s15] =	ssyncadd.s32 $0xFFFFC000  }
0x31: {  	[spmem:s2] =	stream.indirect.scatter.add.f32 [tilespmem:s14], [sflag:$0x2], $0x80, s13, s13, $0xb8;
	[tilespmem:$0x18100] =	vst v63  }
0x32: {  	_ =	swait.ge [sflag:s12], $0x4000  }
0x33: {  	s18 =	smov.u32 s21;
	[sflag:s12] =	ssyncset.done $0x0  }
0x34: {  	s18 =	sadd.s32 s17, s10;
	[sflag:s12] =	ssyncadd.s32 $0xFFFFC000  }
0x35: {  	[tilespmem:s3], [sflag:$0x2] =	stream.linear.gather [hbm4b:s18+s3], $0x80, $0x38;
	[tilespmem:$0x18100] =	vst v63  }
0x36: {  	_ =	swait.ge [sflag:s12], $0x80  }
0x37: {  	[sflag:s12] =	ssyncset.done $0x0  }
0x38: {  	s31 =	sadd.s32 s17, s9;
	[sflag:s12] =	ssyncadd.s32 $0xFFFFFF80  }
0x39: {  	[tilespmem:s13], [sflag:$0x2] =	stream.linear.gather [hbm4b:s31+s3], $0x80, $0x38;
	[tilespmem:$0x18100] =	vst v63  }
0x3a: {  	_ =	swait.ge [sflag:s12], $0x80  }
0x3b: {  	[sflag:s12] =	ssyncset.done $0x0  }
0x3c: {  	[sflag:s12] =	ssyncadd.s32 $0xFFFFFF80  }
0x3d: {  	[tilespmem:s14], [sflag:$0x1] =	stream.indirect.gather [hbm4b:s4+s13], $0x80, s3, s13, $0xb8;
	[tilespmem:$0x18100] =	vst v63  }
0x3e: {  	_ =	swait.ge [sflag:s15], $0x4000  }
0x3f: {  	[sflag:s15] =	ssyncset.done $0x0  }
0x40: {  	[sflag:s15] =	ssyncadd.s32 $0xFFFFC000  }
0x41: {  	[spmem:s2] =	stream.indirect.scatter.add.f32 [tilespmem:s14], [sflag:$0x2], $0x80, s13, s13, $0xb8;
	[tilespmem:$0x18100] =	vst v63  }
0x42: {  	_ =	swait.ge [sflag:s12], $0x4000  }
0x43: {  	s16 =	sadd.s32 $0x1, s16;
	[sflag:s12] =	ssyncset.done $0x0  }
0x44: {  	p0 =	sne.s32 s16, s8;
	[sflag:s12] =	ssyncadd.s32 $0xFFFFC000  }
.Ltmp1:
0x45: {  	[bflag:$0x0] =	sbarrier.arrive $0xFFFF;
	(pc) =	sbr.rel @p0 .LBB2_1-.Ltmp1, $4  }
0x46: {  	[hbm:s7], [sflag:s6] =	dma.local [spmem:s11], $0x2800  }
0x47: {  	_ =	swait.ge [sflag:s12], $0x2800  }
0x48: {  	[sflag:s12] =	ssyncset.done $0x0  }
0x49: {  	[sflag:s12] =	ssyncadd.s32 $0xFFFFD800  }
0x4a: {  	_ =	sfence.sel $0x180000  }
0x4b: {  	[bflag:$0x0] =	sbarrier.arrive $0xFFFF  }
0x4c: {  	p0 =	sne.s32 s1, $0x0;
	_ =	strace $0x90000047  }
0x4d: {  	s0 =	sadd.s32 @!p0 $0x100000, s0;
	[bflag:$0x2] =	sbarrier.arrive $0xFFFF  }
0x4e: {  	[sflag:s0] =	ssyncadd.tile.s32 @!p0 $0x1;
	_ =	shalt  }
.Lfunc_end2:
_tile_overlayer_lowered:
.L_overlay_start_2:
0x4f: {  	(tag) =	ssettag $0x2  }
0x50: {  	s0 =	rddreg [dreg:$0x0];
	s2 =	stileid.u32  }
0x51: {  	s1 =	rddreg [dreg:$0x1];
	p0 =	sne.s32 s2, $0x0  }
0x52: {  	s3 =	rddreg [dreg:$0x2];
	[bflag:$0x3] =	sbarrier.arrive $0xFFFF;
	s2 =	simm.s32 @!p0 $0x1C02  }
0x53: {  	[timem:s3], [sflag:s2] =	dma.local @!p0 [hbm:s0], s1  }
0x54: {  	s0 =	simm.s32 @!p0 $0x2  }
0x55: {  	_ =	swait.ge @!p0 [sflag:s0], s1  }
0x56: {  	s1 =	ssub.s32 @!p0 $0x0, s1;
	[sflag:s0] =	ssyncset.done @!p0 $0x0  }
0x57: {  	[sflag:s0] =	ssyncadd.s32 @!p0 s1  }
0x58: {  	[bflag:$0x3] =	sbarrier.arrive $0xFFFF  }
0x59: {  	_ =	shalt  }

// kernel: kernel.17.cloned.1.call-start
scs
__scs_entry_jumppad:
0x0: {  	(pc) =	sbr.rel $0x88, $3  }
0x1: {  	(tag) =	ssettag $0x0;
	lr =	simm.s32 $0x1  }
0x2: {  	[smem:$0x3F84] =	sst lr;
	_ =	strace $0xD0000000  }
0x3: {  	_ = 	snop  }
0x4: {  	_ = 	snop  }
0x5: {  	_ = 	snop  }
0x6: {  	_ = 	snop  }
0x7: {  	_ = 	snop  }
__scs_overlays_trampoline_lowered:
0x8: {  	[smem:$0x3F93] =	sst s0  }
0x9: {  	[smem:$0x3F94] =	sst s1  }
0xa: {  	[smem:$0x3F95] =	sst s2  }
0xb: {  	[smem:$0x3F96] =	sst s3  }
0xc: {  	[smem:$0x3F97] =	sst s4  }
0xd: {  	[smem:$0x3F98] =	sst s5  }
0xe: {  	[smem:$0x3F99] =	sst s6  }
0xf: {  	[smem:$0x3F9A] =	sst s7  }
0x10: {  	[smem:$0x3F9B] =	sst s8  }
0x11: {  	[smem:$0x3F9C] =	sst s9;
	s0 =	simm.s32 @!p0 $0x0  }
0x12: {  	s1 =	sld [smem:$0x3F82];
	s0 =	simm.s32 @p0 $0x1  }
0x13: {  	[smem:$0x3F9D] =	sst s0;
	s0 =	simm.s32 @!p1 $0x0  }
0x14: {  	s2 =	sld [smem:$0x3F81];
	s0 =	simm.s32 @p1 $0x1  }
0x15: {  	[smem:$0x3F9E] =	sst s0;
	s0 =	simm.s32 @!p2 $0x0  }
0x16: {  	s3 =	sld [smem:$0x3FDB];
	s0 =	simm.s32 @p2 $0x1  }
0x17: {  	s4 =	simm.s32 $0x1BF5;
	[smem:$0x3FA0] =	sst s0  }
0x18: {  	s0 =	sld [smem:$0x3F83];
	_ =	swait.ge [sflag:s4], $0x0  }
0x19: {  	s7 =	sld [smem:$0x3F84]  }
0x1a: {  	s8 =	sadd.s32 $0xFFFFE003, lr  }
0x1b: {  	s9 =	sadd.s32 $0xFFFFFEF7, lr;
	s5 =	simm.s32 $0xFFFFFFFF;
	p2 =	slt.u32 s8, $0xFFFFF086  }
0x1c: {  	p1 =	slt.u32 s9, $0xF7A;
	s5 =	simm.s32 @!p2 $0x0  }
0x1d: {  	s5 =	simm.s32 @p1 $0x1;
	p0 =	seq.s32 s7, s2  }
0x1e: {  	s7 =	smul.u32 @!p0 $0xF7A, s2;
	p2 =	seq.s32 @!p0 s5, $0x0  }
0x1f: {  	s9 =	smul.u32 $0xF7A, s1;
	s8 =	simm.s32 @!p0 $0x1BF5;
	p2 =	por !p2, p0  }
0x20: {  	[sflag:s8] =	ssyncset.s32 @!p0 $0xFFFFF086;
	s6 =	sadd.s32 @!p0 s3, s7;
	s7 =	simm.s32 @!p0 $0x108  }
0x21: {  	s3 =	sadd.s32 s3, s9;
	s6 =	sadd.s32 @!p0 $0x88, s6;
	s7 =	simm.s32 @p2 $0x1082  }
0x22: {  	[simem:s7], [sflag:s8] =	dma.local @!p0 [hbm:s6], $0xF7A  }
0x23: {  	s9 =	sor.u32 $0xD0000000, s2;
	s6 =	simm.s32 $0x108;
	_ =	swait.ge @!p0 [sflag:s8], $0x0  }
0x24: {  	s3 =	sadd.s32 $0x88, s3;
	s6 =	simm.s32 @!p1 $0x1082;
	[sflag:s4] =	ssyncset.s32 $0xFFFFF086  }
0x25: {  	[simem:s6], [sflag:s4] =	dma.local [hbm:s3], $0xF7A  }
0x26: {  	[smem:$0x3F84] =	sst s1;
	(tag) =	ssettag s2;
	_ =	strace s9  }
0x27: {  	s1 =	sld [smem:$0x3F94]  }
0x28: {  	s2 =	sld [smem:$0x3F95]  }
0x29: {  	s4 =	sld [smem:$0x3F97]  }
0x2a: {  	p0 =	seq.s32 s5, $0x0;
	s5 =	sld [smem:$0x3F98]  }
0x2b: {  	s6 =	sld [smem:$0x3F99]  }
0x2c: {  	s7 =	sld [smem:$0x3F9A]  }
0x2d: {  	s3 =	simm.s32 $0x108;
	s8 =	sld [smem:$0x3F9B]  }
0x2e: {  	s3 =	simm.s32 @!p0 $0x1082;
	s9 =	sld [smem:$0x3F9C]  }
0x2f: {  	lr =	sadd.s32 s0, s3;
	s0 =	sld [smem:$0x3F93]  }
0x30: {  	s3 =	sld [smem:$0x3F96]  }
0x31: {  	[smem:$0x3F9F] =	sst s10  }
0x32: {  	s10 =	sld [smem:$0x3F9D];
	_ =	sdelay $0x3  }
0x33: {  	p0 =	seq.s32 s10, $0x1;
	s10 =	sld [smem:$0x3F9F];
	_ =	sdelay $0x3  }
0x34: {  	[smem:$0x3F9F] =	sst s10  }
0x35: {  	s10 =	sld [smem:$0x3F9E];
	_ =	sdelay $0x3  }
0x36: {  	p1 =	seq.s32 s10, $0x1;
	s10 =	sld [smem:$0x3F9F];
	_ =	sdelay $0x3  }
0x37: {  	[smem:$0x3F9F] =	sst s10  }
0x38: {  	s10 =	sld [smem:$0x3FA0]  }
0x39: {  	_ = 	snop;
	(pc) =	sbr.ind lr, $3  }
0x3a: {  	_ = 	snop  }
0x3b: {  	_ = 	snop  }
0x3c: {  	p2 =	seq.s32 s10, $0x1;
	s10 =	sld [smem:$0x3F9F]  }
0x3d: {  	_ =	shalt  }
0x3e: {  	_ =	shalt  }
0x3f: {  	_ =	shalt  }
0x40: {  	_ =	shalt  }
0x41: {  	_ =	shalt  }
0x42: {  	_ =	shalt  }
0x43: {  	_ =	shalt  }
0x44: {  	_ =	shalt  }
0x45: {  	_ =	shalt  }
0x46: {  	_ =	shalt  }
0x47: {  	_ =	shalt  }
0x48: {  	_ =	shalt  }
0x49: {  	_ =	shalt  }
0x4a: {  	_ =	shalt  }
0x4b: {  	_ =	shalt  }
0x4c: {  	_ =	shalt  }
0x4d: {  	_ =	shalt  }
0x4e: {  	_ =	shalt  }
0x4f: {  	_ =	shalt  }
0x50: {  	_ =	shalt  }
0x51: {  	_ =	shalt  }
0x52: {  	_ =	shalt  }
0x53: {  	_ =	shalt  }
0x54: {  	_ =	shalt  }
0x55: {  	_ =	shalt  }
0x56: {  	_ =	shalt  }
0x57: {  	_ =	shalt  }
0x58: {  	_ =	shalt  }
0x59: {  	_ =	shalt  }
0x5a: {  	_ =	shalt  }
0x5b: {  	_ =	shalt  }
0x5c: {  	_ =	shalt  }
0x5d: {  	_ =	shalt  }
0x5e: {  	_ =	shalt  }
0x5f: {  	_ =	shalt  }
0x60: {  	_ =	shalt  }
0x61: {  	_ =	shalt  }
0x62: {  	_ =	shalt  }
0x63: {  	_ =	shalt  }
0x64: {  	_ =	shalt  }
0x65: {  	_ =	shalt  }
0x66: {  	_ =	shalt  }
0x67: {  	_ =	shalt  }
0x68: {  	_ =	shalt  }
0x69: {  	_ =	shalt  }
0x6a: {  	_ =	shalt  }
0x6b: {  	_ =	shalt  }
0x6c: {  	_ =	shalt  }
0x6d: {  	_ =	shalt  }
0x6e: {  	_ =	shalt  }
0x6f: {  	_ =	shalt  }
0x70: {  	_ =	shalt  }
0x71: {  	_ =	shalt  }
0x72: {  	_ =	shalt  }
0x73: {  	_ =	shalt  }
0x74: {  	_ =	shalt  }
0x75: {  	_ =	shalt  }
0x76: {  	_ =	shalt  }
0x77: {  	_ =	shalt  }
0x78: {  	_ =	shalt  }
0x79: {  	_ =	shalt  }
0x7a: {  	_ =	shalt  }
0x7b: {  	_ =	shalt  }
0x7c: {  	_ =	shalt  }
0x7d: {  	_ =	shalt  }
0x7e: {  	_ =	shalt  }
0x7f: {  	_ =	shalt  }
0x80: {  	_ =	shalt  }
0x81: {  	_ =	shalt  }
0x82: {  	_ =	shalt  }
0x83: {  	_ =	shalt  }
0x84: {  	_ =	shalt  }
0x85: {  	_ =	shalt  }
0x86: {  	_ =	shalt  }
0x87: {  	_ =	shalt  }
.Lfunc_end0:
.L_simem_size_0:
called_computation.1_lowered:
.L_overlay_start_0:
0x88: {  	s2 =	sld [smem:$0x3FD9]  }
0x89: {  	s3 =	sld [smem:$0x3FFE];
	_ =	sdelay $0x1  }
0x8a: {  	s1 =	srdreg.scid  }
0x8b: {  	s0 =	sand.u32 $0x1, s1  }
0x8c: {  	s16 =	sshll.u32 s0, $0xA;
	s2 =	sadd.s32 s3, s2  }
0x8d: {  	s2 =	sadd.s32 s2, s16  }
0x8e: {  	[smem:$0x3FAB] =	sst s2  }
0x8f: {  	_ = 	snop  }
0x90: {  	(tm) =	ssettm $0x1  }
0x91: {  	s17 =	sld [smem:$0x3FFB];
	_ =	sdelay $0x3  }
0x92: {  	_ =	strace s17  }
0x93: {  	s2 =	sld [smem:$0x3FFC];
	_ =	sdelay $0x3  }
0x94: {  	_ =	strace s2  }
0x95: {  	s2 =	sld [smem:$0x3FFD];
	_ =	sdelay $0x3  }
0x96: {  	_ =	strace s2  }
0x97: {  	_ =	strace $0x8FFFFFFF  }
0x98: {  	s18 =	sld [smem:$0x3FDB];
	_ =	sdelay $0x1  }
0x99: {  	s19 =	simm.s32 $_scs_section_size  }
0x9a: {  	s4 =	simm.s32 $_size__tile_overlayer_lowered;
	s5 =	simm.s32 $_tile_overlayer_lowered  }
0x9b: {  	s22 =	simm.s32 $0x1BFF;
	s21 =	sshll.u32 s5, $0x1;
	s2 =	sadd.s32 s19, s18  }
0x9c: {  	s6 =	simm.s32 $0x0;
	s20 =	sshll.u32 s4, $0x1;
	s4 =	sadd.s32 s21, s2  }
0x9d: {  	[timem:s6], [sflag:s22] =	dma.local [hbm:s4], s20  }
0x9e: {  	_ =	swait.ge [sflag:s22], s20  }
0x9f: {  	s3 =	ssub.s32 $0x0, s20;
	[sflag:s22] =	ssyncset.done $0x0  }
0xa0: {  	[sflag:s22] =	ssyncadd.s32 s3;
	_ =	sdelay $0x1  }
0xa1: {  	s23 =	simm.s32 $0x1B8B  }
0xa2: {  	_ =	swait.ge [sflag:s23], $0x1  }
0xa3: {  	[sflag:s23] =	ssyncset.done $0x0  }
0xa4: {  	s25 =	simm.s32 $0x1B8E;
	s24 =	sld [smem:$0x3FFE];
	[sflag:s23] =	ssyncadd.s32 $0xFFFFFFFF  }
0xa5: {  	s26 =	simm.s32 $execute0_lowered;
	[smem:$0x3FD2] =	sst s25  }
0xa6: {  	s4 =	sshll.u32 s26, $0x1;
	_ =	strace $0x80000049;
	[dreg:$0x1] =	wrdreg $0xFFFFFFFF  }
0xa7: {  	s28 =	simm.s32 $_size_execute0_lowered;
	s2 =	sadd.s32 s2, s4;
	[dreg:$0x0] =	wrdreg $0x0  }
0xa8: {  	s4 =	sshll.u32 s28, $0x1;
	[dreg:$0x2] =	wrdreg s2  }
0xa9: {  	[dreg:$0x3] =	wrdreg s4  }
0xaa: {  	[dreg:$0x4] =	wrdreg $0xC0  }
0xab: {  	_ =	task [dreg:s6], $0x5FFFF  }
0xac: {  	[dreg:$0x1] =	wrdreg $0xFFFFFFFF  }
0xad: {  	[dreg:$0x0] =	wrdreg $0x60  }
0xae: {  	[dreg:$0x2] =	wrdreg s24  }
0xaf: {  	[dreg:$0x3] =	wrdreg $0x51000  }
0xb0: {  	[dreg:$0x4] =	wrdreg $0x9  }
0xb1: {  	_ =	task.clear_ibuf [dreg:s6], $0x5FFFF;
	_ =	strace $0x90000049  }
0xb2: {  	s29 =	simm.s32 $0x9;
	_ =	strace $0x8000004B  }
0xb3: {  	_ =	swait.ge [sflag:s29], $0x1  }
0xb4: {  	[sflag:s29] =	ssyncadd.s32 $0xFFFFFFFF  }
0xb5: {  	_ =	strace $0x9000004B  }
0xb6: {  	_ =	sfence  }
0xb7: {  	s30 =	sld [smem:$0x0];
	_ =	sdelay $0x2  }
0xb8: {  	s31 =	sshll.u32 s1, $0xD;
	s1 =	sshrl.u32 s1, $0x2  }
0xb9: {  	s3 =	sand.u32 $0x4000, s31;
	s1 =	sadd.s32 s1, s30  }
0xba: {  	s0 =	sor.u32 s3, s0;
	s1 =	sshll.u32 s1, $0x11  }
0xbb: {  	s0 =	sor.u32 s1, s0  }
0xbc: {  	s0 =	sadd.s32 $0x8F2B, s0  }
0xbd: {  	[sflag:s0] =	ssyncadd.remote.s32 $0x1  }
0xbe: {  	_ =	sfence.sel $0xFFFF  }
0xbf: {  	[dreg:$0x0] =	wrdreg $0xFFFFFFFF;
	(pc) =	sbr.abs _section_cstart, $3  }
0xc0: {  	[dreg:$0x1] =	wrdreg $0xFFFFFFFF  }
0xc1: {  	_ =	task.clear_ibuf [dreg:s6], $0x2FFFF;
	_ =	strace $0x9FFFFFFF  }
0xc2: {  	(tm) =	ssettm $0x7FFFFFFF  }
0xc3: {  	_ =	shalt  }
tec
execute0_lowered:
.L_overlay_start_1:
0x0: {  	(tag) =	ssettag $0x1  }
0x1: {  	s1 =	srdreg.scid;
	s6 =	rddreg [dreg:$0x0]  }
0x2: {  	s0 =	stileid.u32;
	s2 =	rddreg [dreg:$0x1];
	s3 =	simm.s32 $0x0  }
0x3: {  	s12 =	simm.s32 $0x80;
	s13 =	simm.s32 $0x5000;
	s14 =	simm.s32 $0x5080  }
0x4: {  	s15 =	simm.s32 $0x1;
	s16 =	simm.s32 $0x2;
	s17 =	simm.s32 $0x4E00  }
0x5: {  	s18 =	simm.s32 $0x2700;
	s19 =	simm.s32 $0x4E80;
	s20 =	simm.s32 $0x2780  }
0x6: {  	s21 =	simm.s32 $0x4F00;
	s22 =	simm.s32 $0x4F80;
	s23 =	simm.s32 $0x20  }
0x7: {  	s24 =	simm.s32 $0x10;
	s25 =	simm.s32 $0x0;
	s5 =	sand.u32 $0x1, s1  }
0x8: {  	s26 =	sshll.u32 s0, $0x1;
	s1 =	rddreg [dreg:$0x2];
	s8 =	smul.u32 $0x500, s0  }
0x9: {  	[smem:$0x7FF] =	sst s3;
	s10 =	smul.u32 $0xA00, s0;
	s31 =	sshll.u32 s0, $0x6  }
0xa: {  	s4 =	sor.u32 s5, s26;
	_ =	strace $0x8000004A;
	s9 =	sshll.u32 s5, $0x7  }
0xb: {  	s28 =	ssub.s32 $0x2, s5;
	s5 =	sadd.s32 $0x1A000, s6;
	s7 =	smul.u32 $0xA00, s4  }
0xc: {  	s4 =	sadd.s32 $0x19A00, s6;
	s8 =	sor.u32 s9, s8;
	s29 =	sshrl.u32 s28, $0x1  }
0xd: {  	s30 =	sshrl.u32 s10, $0x2;
	s10 =	sor.u32 $0x1C03, s31;
	s8 =	sshrl.u32 s8, $0x3  }
0xe: {  	s9 =	ssub.s32 s28, s29;
	s11 =	sadd.s32 s30, s2;
	s7 =	sadd.s32 s7, s6  }
0xf: {  	s8 =	sadd.s32 s8, s6;
	s11 =	sshrl.u32 s11, $0x3;
	s6 =	sadd.s32 $0x94200, s7  }
0x10: {  	s7 =	sadd.s32 $0x1A200, s8;
	s8 =	smax.u32 s9, $0x1;
	s9 =	simm.s32 $0x3  }
.LBB2_1:
0x11: {  	[tilespmem:s3], [sflag:$0x3] =	stream.linear.gather [hbm4b:s6+s3], $0x5000, $0x38;
	[tilespmem:$0x5380] =	vst v63  }
0x12: {  	_ =	swait.ge [sflag:s9], $0x5000  }
0x13: {  	[sflag:s9] =	ssyncset.done $0x0  }
0x14: {  	[sflag:s9] =	ssyncadd.s32 $0xFFFFB000  }
0x15: {  	[spmem:s11], [sflag:s10] =	dma.local [hbm:s5], $0x50  }
0x16: {  	_ =	swait.ge [sflag:s9], $0x50  }
0x17: {  	[sflag:s9] =	ssyncset.done $0x0  }
0x18: {  	[sflag:s9] =	ssyncadd.s32 $0xFFFFFFB0  }
0x19: {  	[tilespmem:s13], [sflag:$0x1] =	stream.indirect.gather [hbm4b:s4+s12], $0x1, s3, s12, $0xb8;
	[tilespmem:$0x5380] =	vst v63  }
0x1a: {  	_ = 	snop  }
0x1b: {  	[tilespmem:s14], [sflag:$0x2] =	stream.indirect.gather [hbm4b:s4+s12], $0x1, s12, s12, $0xb8;
	[tilespmem:$0x5380] =	vst v63  }
0x1c: {  	[bflag:$0x0] =	sbarrier.arrive $0xFFFF  }
0x1d: {  	_ =	swait.ge [sflag:s15], $0x80  }
0x1e: {  	[sflag:s15] =	ssyncset.done $0x0  }
0x1f: {  	s26 =	simm.s32 $0x2800;
	[sflag:s15] =	ssyncadd.s32 $0xFFFFFF80  }
0x20: {  	[spmem:s2] =	stream.indirect.scatter.add.f32 [tilespmem:s13], [sflag:$0x3], $0x1, s26, s12, $0xb8;
	[tilespmem:$0x5380] =	vst v63  }
0x21: {  	_ =	swait.ge [sflag:s9], $0x80  }
0x22: {  	[sflag:s9] =	ssyncset.done $0x0  }
0x23: {  	s30 =	simm.s32 $0x100;
	[sflag:s9] =	ssyncadd.s32 $0xFFFFFF80  }
0x24: {  	[tilespmem:s13], [sflag:$0x1] =	stream.indirect.gather [hbm4b:s4+s12], $0x1, s30, s12, $0xb8;
	[tilespmem:$0x5380] =	vst v63  }
0x25: {  	_ =	swait.ge [sflag:s16], $0x80  }
0x26: {  	[sflag:s16] =	ssyncset.done $0x0  }
0x27: {  	s31 =	simm.s32 $0x2880;
	[sflag:s16] =	ssyncadd.s32 $0xFFFFFF80  }
0x28: {  	[spmem:s2] =	stream.indirect.scatter.add.f32 [tilespmem:s14], [sflag:$0x3], $0x1, s31, s12, $0xb8;
	[tilespmem:$0x5380] =	vst v63  }
0x29: {  	_ =	swait.ge [sflag:s9], $0x80  }
0x2a: {  	[sflag:s9] =	ssyncset.done $0x0  }
0x2b: {  	s28 =	simm.s32 $0x180;
	s26 =	simm.s32 $0xA00;
	[sflag:s9] =	ssyncadd.s32 $0xFFFFFF80  }
.LBB2_2:
0x2c: {  	[tilespmem:s14], [sflag:$0x2] =	stream.indirect.gather [hbm4b:s4+s12], $0x1, s28, s12, $0xb8;
	[tilespmem:$0x5380] =	vst v63  }
0x2d: {  	s28 =	smov.u32 s26  }
0x2e: {  	p0 =	sne.s32 s26, $0x9A00;
	s26 =	sadd.s32 $0x400, s26;
	_ =	swait.ge [sflag:s15], $0x80  }
0x2f: {  	s28 =	sshra.s32 s28, $0x2;
	[sflag:s15] =	ssyncset.done $0x0  }
0x30: {  	s29 =	sadd.s32 $0x2680, s28;
	[sflag:s15] =	ssyncadd.s32 $0xFFFFFF80  }
0x31: {  	[spmem:s2] =	stream.indirect.scatter.add.f32 [tilespmem:s13], [sflag:$0x3], $0x1, s29, s12, $0xb8;
	[tilespmem:$0x5380] =	vst v63  }
0x32: {  	_ =	swait.ge [sflag:s9], $0x80  }
0x33: {  	[sflag:s9] =	ssyncset.done $0x0  }
0x34: {  	s29 =	sadd.s32 $0xFFFFFF80, s28;
	[sflag:s9] =	ssyncadd.s32 $0xFFFFFF80  }
0x35: {  	[tilespmem:s13], [sflag:$0x1] =	stream.indirect.gather [hbm4b:s4+s12], $0x1, s29, s12, $0xb8;
	[tilespmem:$0x5380] =	vst v63  }
0x36: {  	_ =	swait.ge [sflag:s16], $0x80  }
0x37: {  	[sflag:s16] =	ssyncset.done $0x0  }
.Ltmp0:
0x38: {  	s29 =	sadd.s32 $0x2700, s28;
	[sflag:s16] =	ssyncadd.s32 $0xFFFFFF80;
	(pc) =	sbr.rel @p0 .LBB2_2-.Ltmp0, $4  }
0x39: {  	[spmem:s2] =	stream.indirect.scatter.add.f32 [tilespmem:s14], [sflag:$0x3], $0x1, s29, s12, $0xb8;
	[tilespmem:$0x5380] =	vst v63  }
0x3a: {  	_ =	swait.ge [sflag:s9], $0x80  }
0x3b: {  	[sflag:s9] =	ssyncset.done $0x0  }
0x3c: {  	[sflag:s9] =	ssyncadd.s32 $0xFFFFFF80  }
0x3d: {  	[tilespmem:s14], [sflag:$0x2] =	stream.indirect.gather [hbm4b:s4+s12], $0x1, s28, s12, $0xb8;
	[tilespmem:$0x5380] =	vst v63  }
0x3e: {  	_ =	swait.ge [sflag:s15], $0x80  }
0x3f: {  	[sflag:s15] =	ssyncset.done $0x0  }
0x40: {  	[sflag:s15] =	ssyncadd.s32 $0xFFFFFF80  }
0x41: {  	[spmem:s2] =	stream.indirect.scatter.add.f32 [tilespmem:s13], [sflag:$0x3], $0x1, s17, s12, $0xb8;
	[tilespmem:$0x5380] =	vst v63  }
0x42: {  	_ =	swait.ge [sflag:s9], $0x80  }
0x43: {  	[sflag:s9] =	ssyncset.done $0x0  }
0x44: {  	[sflag:s9] =	ssyncadd.s32 $0xFFFFFF80  }
0x45: {  	[tilespmem:s13], [sflag:$0x1] =	stream.indirect.gather [hbm4b:s4+s12], $0x1, s18, s12, $0xb8;
	[tilespmem:$0x5380] =	vst v63  }
0x46: {  	_ =	swait.ge [sflag:s16], $0x80  }
0x47: {  	[sflag:s16] =	ssyncset.done $0x0  }
0x48: {  	[sflag:s16] =	ssyncadd.s32 $0xFFFFFF80  }
0x49: {  	[spmem:s2] =	stream.indirect.scatter.add.f32 [tilespmem:s14], [sflag:$0x3], $0x1, s19, s12, $0xb8;
	[tilespmem:$0x5380] =	vst v63  }
0x4a: {  	_ =	swait.ge [sflag:s9], $0x80  }
0x4b: {  	[sflag:s9] =	ssyncset.done $0x0  }
0x4c: {  	[sflag:s9] =	ssyncadd.s32 $0xFFFFFF80  }
0x4d: {  	[tilespmem:s14], [sflag:$0x2] =	stream.indirect.gather [hbm4b:s4+s12], $0x1, s20, s12, $0xb8;
	[tilespmem:$0x5380] =	vst v63  }
0x4e: {  	_ =	swait.ge [sflag:s15], $0x80  }
0x4f: {  	[sflag:s15] =	ssyncset.done $0x0  }
0x50: {  	[sflag:s15] =	ssyncadd.s32 $0xFFFFFF80  }
0x51: {  	[spmem:s2] =	stream.indirect.scatter.add.f32 [tilespmem:s13], [sflag:$0x3], $0x1, s21, s12, $0xb8;
	[tilespmem:$0x5380] =	vst v63  }
0x52: {  	_ =	swait.ge [sflag:s9], $0x80  }
0x53: {  	[sflag:s9] =	ssyncset.done $0x0  }
0x54: {  	[sflag:s9] =	ssyncadd.s32 $0xFFFFFF80  }
0x55: {  	[tilespmem:s13], [sflag:$0x1] =	stream.indirect.gather [hbm4b:s4+s12], $0x1, s20, s12, $0xb8;
	[tilespmem:$0x5380] =	vst v63  }
0x56: {  	_ =	swait.ge [sflag:s16], $0x80  }
0x57: {  	[sflag:s16] =	ssyncset.done $0x0  }
0x58: {  	[sflag:s16] =	ssyncadd.s32 $0xFFFFFF80  }
0x59: {  	[spmem:s2] =	stream.indirect.scatter.add.f32 [tilespmem:s14], [sflag:$0x3], $0x1, s22, s12, $0xb8;
	[tilespmem:$0x5380] =	vst v63  }
0x5a: {  	_ =	swait.ge [sflag:s9], $0x80  }
0x5b: {  	[sflag:s9] =	ssyncset.done $0x0  }
0x5c: {  	[sflag:s9] =	ssyncadd.s32 $0xFFFFFF80  }
0x5d: {  	[tilespmem:s14], [sflag:$0x2] =	stream.indirect.gather [hbm4b:s4+s12], $0x1, s20, s12, $0xb8;
	[tilespmem:$0x5380] =	vst v63  }
0x5e: {  	_ =	swait.ge [sflag:s15], $0x80  }
0x5f: {  	[sflag:s15] =	ssyncset.done $0x0  }
0x60: {  	[sflag:s15] =	ssyncadd.s32 $0xFFFFFF80  }
0x61: {  	_ =	swait.ge [sflag:s16], $0x80  }
0x62: {  	s25 =	sadd.s32 $0x1, s25;
	[sflag:s16] =	ssyncset.done $0x0  }
0x63: {  	p0 =	sne.s32 s25, s8;
	[sflag:s16] =	ssyncadd.s32 $0xFFFFFF80  }
.Ltmp1:
0x64: {  	[bflag:$0x0] =	sbarrier.arrive $0xFFFF;
	(pc) =	sbr.rel @p0 .LBB2_1-.Ltmp1, $4  }
0x65: {  	[hbm:s7@s23], [sflag:s10] =	dma.strided [spmem:s11@s24], $0x50, s15, $0x10   }
0x66: {  	_ =	swait.ge [sflag:s9], $0x50  }
0x67: {  	[sflag:s9] =	ssyncset.done $0x0  }
0x68: {  	[sflag:s9] =	ssyncadd.s32 $0xFFFFFFB0  }
0x69: {  	_ =	sfence.sel $0x180000  }
0x6a: {  	[bflag:$0x0] =	sbarrier.arrive $0xFFFF  }
0x6b: {  	p0 =	sne.s32 s0, $0x0;
	_ =	strace $0x9000004A  }
0x6c: {  	s0 =	sadd.s32 @!p0 $0x100000, s1;
	[bflag:$0x2] =	sbarrier.arrive $0xFFFF  }
0x6d: {  	[sflag:s0] =	ssyncadd.tile.s32 @!p0 $0x1;
	_ =	shalt  }
.Lfunc_end2:
_tile_overlayer_lowered:
.L_overlay_start_2:
0x6e: {  	(tag) =	ssettag $0x2  }
0x6f: {  	s0 =	rddreg [dreg:$0x0];
	s2 =	stileid.u32  }
0x70: {  	s1 =	rddreg [dreg:$0x1];
	p0 =	sne.s32 s2, $0x0  }
0x71: {  	s3 =	rddreg [dreg:$0x2];
	[bflag:$0x3] =	sbarrier.arrive $0xFFFF;
	s2 =	simm.s32 @!p0 $0x1C03  }
0x72: {  	[timem:s3], [sflag:s2] =	dma.local @!p0 [hbm:s0], s1  }
0x73: {  	s0 =	simm.s32 @!p0 $0x3  }
0x74: {  	_ =	swait.ge @!p0 [sflag:s0], s1  }
0x75: {  	s1 =	ssub.s32 @!p0 $0x0, s1;
	[sflag:s0] =	ssyncset.done @!p0 $0x0  }
0x76: {  	[sflag:s0] =	ssyncadd.s32 @!p0 s1  }
0x77: {  	[bflag:$0x3] =	sbarrier.arrive $0xFFFF  }
0x78: {  	_ =	shalt  }

// kernel: kernel.20.cloned.1.call-start
scs
__scs_entry_jumppad:
0x0: {  	(pc) =	sbr.rel $0x88, $3  }
0x1: {  	(tag) =	ssettag $0x0;
	lr =	simm.s32 $0x1  }
0x2: {  	[smem:$0x3F84] =	sst lr;
	_ =	strace $0xD0000000  }
0x3: {  	_ = 	snop  }
0x4: {  	_ = 	snop  }
0x5: {  	_ = 	snop  }
0x6: {  	_ = 	snop  }
0x7: {  	_ = 	snop  }
__scs_overlays_trampoline_lowered:
0x8: {  	[smem:$0x3F93] =	sst s0  }
0x9: {  	[smem:$0x3F94] =	sst s1  }
0xa: {  	[smem:$0x3F95] =	sst s2  }
0xb: {  	[smem:$0x3F96] =	sst s3  }
0xc: {  	[smem:$0x3F97] =	sst s4  }
0xd: {  	[smem:$0x3F98] =	sst s5  }
0xe: {  	[smem:$0x3F99] =	sst s6  }
0xf: {  	[smem:$0x3F9A] =	sst s7  }
0x10: {  	[smem:$0x3F9B] =	sst s8  }
0x11: {  	[smem:$0x3F9C] =	sst s9;
	s0 =	simm.s32 @!p0 $0x0  }
0x12: {  	s1 =	sld [smem:$0x3F82];
	s0 =	simm.s32 @p0 $0x1  }
0x13: {  	[smem:$0x3F9D] =	sst s0;
	s0 =	simm.s32 @!p1 $0x0  }
0x14: {  	s2 =	sld [smem:$0x3F81];
	s0 =	simm.s32 @p1 $0x1  }
0x15: {  	[smem:$0x3F9E] =	sst s0;
	s0 =	simm.s32 @!p2 $0x0  }
0x16: {  	s3 =	sld [smem:$0x3FDB];
	s0 =	simm.s32 @p2 $0x1  }
0x17: {  	s4 =	simm.s32 $0x1BF5;
	[smem:$0x3FA0] =	sst s0  }
0x18: {  	s0 =	sld [smem:$0x3F83];
	_ =	swait.ge [sflag:s4], $0x0  }
0x19: {  	s7 =	sld [smem:$0x3F84]  }
0x1a: {  	s8 =	sadd.s32 $0xFFFFE003, lr  }
0x1b: {  	s9 =	sadd.s32 $0xFFFFFEF7, lr;
	s5 =	simm.s32 $0xFFFFFFFF;
	p2 =	slt.u32 s8, $0xFFFFF086  }
0x1c: {  	p1 =	slt.u32 s9, $0xF7A;
	s5 =	simm.s32 @!p2 $0x0  }
0x1d: {  	s5 =	simm.s32 @p1 $0x1;
	p0 =	seq.s32 s7, s2  }
0x1e: {  	s7 =	smul.u32 @!p0 $0xF7A, s2;
	p2 =	seq.s32 @!p0 s5, $0x0  }
0x1f: {  	s9 =	smul.u32 $0xF7A, s1;
	s8 =	simm.s32 @!p0 $0x1BF5;
	p2 =	por !p2, p0  }
0x20: {  	[sflag:s8] =	ssyncset.s32 @!p0 $0xFFFFF086;
	s6 =	sadd.s32 @!p0 s3, s7;
	s7 =	simm.s32 @!p0 $0x108  }
0x21: {  	s3 =	sadd.s32 s3, s9;
	s6 =	sadd.s32 @!p0 $0x88, s6;
	s7 =	simm.s32 @p2 $0x1082  }
0x22: {  	[simem:s7], [sflag:s8] =	dma.local @!p0 [hbm:s6], $0xF7A  }
0x23: {  	s9 =	sor.u32 $0xD0000000, s2;
	s6 =	simm.s32 $0x108;
	_ =	swait.ge @!p0 [sflag:s8], $0x0  }
0x24: {  	s3 =	sadd.s32 $0x88, s3;
	s6 =	simm.s32 @!p1 $0x1082;
	[sflag:s4] =	ssyncset.s32 $0xFFFFF086  }
0x25: {  	[simem:s6], [sflag:s4] =	dma.local [hbm:s3], $0xF7A  }
0x26: {  	[smem:$0x3F84] =	sst s1;
	(tag) =	ssettag s2;
	_ =	strace s9  }
0x27: {  	s1 =	sld [smem:$0x3F94]  }
0x28: {  	s2 =	sld [smem:$0x3F95]  }
0x29: {  	s4 =	sld [smem:$0x3F97]  }
0x2a: {  	p0 =	seq.s32 s5, $0x0;
	s5 =	sld [smem:$0x3F98]  }
0x2b: {  	s6 =	sld [smem:$0x3F99]  }
0x2c: {  	s7 =	sld [smem:$0x3F9A]  }
0x2d: {  	s3 =	simm.s32 $0x108;
	s8 =	sld [smem:$0x3F9B]  }
0x2e: {  	s3 =	simm.s32 @!p0 $0x1082;
	s9 =	sld [smem:$0x3F9C]  }
0x2f: {  	lr =	sadd.s32 s0, s3;
	s0 =	sld [smem:$0x3F93]  }
0x30: {  	s3 =	sld [smem:$0x3F96]  }
0x31: {  	[smem:$0x3F9F] =	sst s10  }
0x32: {  	s10 =	sld [smem:$0x3F9D];
	_ =	sdelay $0x3  }
0x33: {  	p0 =	seq.s32 s10, $0x1;
	s10 =	sld [smem:$0x3F9F];
	_ =	sdelay $0x3  }
0x34: {  	[smem:$0x3F9F] =	sst s10  }
0x35: {  	s10 =	sld [smem:$0x3F9E];
	_ =	sdelay $0x3  }
0x36: {  	p1 =	seq.s32 s10, $0x1;
	s10 =	sld [smem:$0x3F9F];
	_ =	sdelay $0x3  }
0x37: {  	[smem:$0x3F9F] =	sst s10  }
0x38: {  	s10 =	sld [smem:$0x3FA0]  }
0x39: {  	_ = 	snop;
	(pc) =	sbr.ind lr, $3  }
0x3a: {  	_ = 	snop  }
0x3b: {  	_ = 	snop  }
0x3c: {  	p2 =	seq.s32 s10, $0x1;
	s10 =	sld [smem:$0x3F9F]  }
0x3d: {  	_ =	shalt  }
0x3e: {  	_ =	shalt  }
0x3f: {  	_ =	shalt  }
0x40: {  	_ =	shalt  }
0x41: {  	_ =	shalt  }
0x42: {  	_ =	shalt  }
0x43: {  	_ =	shalt  }
0x44: {  	_ =	shalt  }
0x45: {  	_ =	shalt  }
0x46: {  	_ =	shalt  }
0x47: {  	_ =	shalt  }
0x48: {  	_ =	shalt  }
0x49: {  	_ =	shalt  }
0x4a: {  	_ =	shalt  }
0x4b: {  	_ =	shalt  }
0x4c: {  	_ =	shalt  }
0x4d: {  	_ =	shalt  }
0x4e: {  	_ =	shalt  }
0x4f: {  	_ =	shalt  }
0x50: {  	_ =	shalt  }
0x51: {  	_ =	shalt  }
0x52: {  	_ =	shalt  }
0x53: {  	_ =	shalt  }
0x54: {  	_ =	shalt  }
0x55: {  	_ =	shalt  }
0x56: {  	_ =	shalt  }
0x57: {  	_ =	shalt  }
0x58: {  	_ =	shalt  }
0x59: {  	_ =	shalt  }
0x5a: {  	_ =	shalt  }
0x5b: {  	_ =	shalt  }
0x5c: {  	_ =	shalt  }
0x5d: {  	_ =	shalt  }
0x5e: {  	_ =	shalt  }
0x5f: {  	_ =	shalt  }
0x60: {  	_ =	shalt  }
0x61: {  	_ =	shalt  }
0x62: {  	_ =	shalt  }
0x63: {  	_ =	shalt  }
0x64: {  	_ =	shalt  }
0x65: {  	_ =	shalt  }
0x66: {  	_ =	shalt  }
0x67: {  	_ =	shalt  }
0x68: {  	_ =	shalt  }
0x69: {  	_ =	shalt  }
0x6a: {  	_ =	shalt  }
0x6b: {  	_ =	shalt  }
0x6c: {  	_ =	shalt  }
0x6d: {  	_ =	shalt  }
0x6e: {  	_ =	shalt  }
0x6f: {  	_ =	shalt  }
0x70: {  	_ =	shalt  }
0x71: {  	_ =	shalt  }
0x72: {  	_ =	shalt  }
0x73: {  	_ =	shalt  }
0x74: {  	_ =	shalt  }
0x75: {  	_ =	shalt  }
0x76: {  	_ =	shalt  }
0x77: {  	_ =	shalt  }
0x78: {  	_ =	shalt  }
0x79: {  	_ =	shalt  }
0x7a: {  	_ =	shalt  }
0x7b: {  	_ =	shalt  }
0x7c: {  	_ =	shalt  }
0x7d: {  	_ =	shalt  }
0x7e: {  	_ =	shalt  }
0x7f: {  	_ =	shalt  }
0x80: {  	_ =	shalt  }
0x81: {  	_ =	shalt  }
0x82: {  	_ =	shalt  }
0x83: {  	_ =	shalt  }
0x84: {  	_ =	shalt  }
0x85: {  	_ =	shalt  }
0x86: {  	_ =	shalt  }
0x87: {  	_ =	shalt  }
.Lfunc_end0:
.L_simem_size_0:
called_computation.2_lowered:
.L_overlay_start_0:
0x88: {  	s2 =	sld [smem:$0x3FD9]  }
0x89: {  	s3 =	sld [smem:$0x3FFE];
	_ =	sdelay $0x1  }
0x8a: {  	s1 =	srdreg.scid  }
0x8b: {  	s0 =	sand.u32 $0x1, s1  }
0x8c: {  	s16 =	sshll.u32 s0, $0xA;
	s2 =	sadd.s32 s3, s2  }
0x8d: {  	s2 =	sadd.s32 s2, s16  }
0x8e: {  	[smem:$0x3FAB] =	sst s2  }
0x8f: {  	_ = 	snop  }
0x90: {  	(tm) =	ssettm $0x1  }
0x91: {  	s17 =	sld [smem:$0x3FFB];
	_ =	sdelay $0x3  }
0x92: {  	_ =	strace s17  }
0x93: {  	s2 =	sld [smem:$0x3FFC];
	_ =	sdelay $0x3  }
0x94: {  	_ =	strace s2  }
0x95: {  	s2 =	sld [smem:$0x3FFD];
	_ =	sdelay $0x3  }
0x96: {  	_ =	strace s2  }
0x97: {  	_ =	strace $0x8FFFFFFF  }
0x98: {  	s18 =	sld [smem:$0x3FDB];
	_ =	sdelay $0x1  }
0x99: {  	s19 =	simm.s32 $_scs_section_size  }
0x9a: {  	s4 =	simm.s32 $_size__tile_overlayer_lowered;
	s5 =	simm.s32 $_tile_overlayer_lowered  }
0x9b: {  	s22 =	simm.s32 $0x1BFF;
	s21 =	sshll.u32 s5, $0x1;
	s2 =	sadd.s32 s19, s18  }
0x9c: {  	s6 =	simm.s32 $0x0;
	s20 =	sshll.u32 s4, $0x1;
	s4 =	sadd.s32 s21, s2  }
0x9d: {  	[timem:s6], [sflag:s22] =	dma.local [hbm:s4], s20  }
0x9e: {  	_ =	swait.ge [sflag:s22], s20  }
0x9f: {  	s3 =	ssub.s32 $0x0, s20;
	[sflag:s22] =	ssyncset.done $0x0  }
0xa0: {  	[sflag:s22] =	ssyncadd.s32 s3;
	_ =	sdelay $0x1  }
0xa1: {  	s23 =	simm.s32 $0x1B8B  }
0xa2: {  	_ =	swait.ge [sflag:s23], $0x1  }
0xa3: {  	[sflag:s23] =	ssyncset.done $0x0  }
0xa4: {  	s25 =	simm.s32 $0x1B8E;
	s24 =	sld [smem:$0x3FFE];
	[sflag:s23] =	ssyncadd.s32 $0xFFFFFFFF  }
0xa5: {  	s26 =	simm.s32 $execute0_lowered;
	[smem:$0x3FD2] =	sst s25  }
0xa6: {  	s4 =	sshll.u32 s26, $0x1;
	_ =	strace $0x8000004C;
	[dreg:$0x1] =	wrdreg $0xFFFFFFFF  }
0xa7: {  	s28 =	simm.s32 $_size_execute0_lowered;
	s2 =	sadd.s32 s2, s4;
	[dreg:$0x0] =	wrdreg $0x0  }
0xa8: {  	s4 =	sshll.u32 s28, $0x1;
	[dreg:$0x2] =	wrdreg s2  }
0xa9: {  	[dreg:$0x3] =	wrdreg s4  }
0xaa: {  	[dreg:$0x4] =	wrdreg $0xC0  }
0xab: {  	_ =	task [dreg:s6], $0x5FFFF  }
0xac: {  	[dreg:$0x1] =	wrdreg $0xFFFFFFFF  }
0xad: {  	[dreg:$0x0] =	wrdreg $0x60  }
0xae: {  	[dreg:$0x2] =	wrdreg s24  }
0xaf: {  	[dreg:$0x3] =	wrdreg $0x41000  }
0xb0: {  	[dreg:$0x4] =	wrdreg $0x9  }
0xb1: {  	_ =	task.clear_ibuf [dreg:s6], $0x5FFFF;
	_ =	strace $0x9000004C  }
0xb2: {  	s29 =	simm.s32 $0x9;
	_ =	strace $0x8000004E  }
0xb3: {  	_ =	swait.ge [sflag:s29], $0x1  }
0xb4: {  	[sflag:s29] =	ssyncadd.s32 $0xFFFFFFFF  }
0xb5: {  	_ =	strace $0x9000004E  }
0xb6: {  	_ =	sfence  }
0xb7: {  	s30 =	sld [smem:$0x0];
	_ =	sdelay $0x2  }
0xb8: {  	s31 =	sshll.u32 s1, $0xD;
	s1 =	sshrl.u32 s1, $0x2  }
0xb9: {  	s3 =	sand.u32 $0x4000, s31;
	s1 =	sadd.s32 s1, s30  }
0xba: {  	s0 =	sor.u32 s3, s0;
	s1 =	sshll.u32 s1, $0x11  }
0xbb: {  	s0 =	sor.u32 s1, s0  }
0xbc: {  	s0 =	sadd.s32 $0x8F2B, s0  }
0xbd: {  	[sflag:s0] =	ssyncadd.remote.s32 $0x1  }
0xbe: {  	_ =	sfence.sel $0xFFFF  }
0xbf: {  	[dreg:$0x0] =	wrdreg $0xFFFFFFFF;
	(pc) =	sbr.abs _section_cstart, $3  }
0xc0: {  	[dreg:$0x1] =	wrdreg $0xFFFFFFFF  }
0xc1: {  	_ =	task.clear_ibuf [dreg:s6], $0x2FFFF;
	_ =	strace $0x9FFFFFFF  }
0xc2: {  	(tm) =	ssettm $0x7FFFFFFF  }
0xc3: {  	_ =	shalt  }
tec
execute0_lowered:
.L_overlay_start_1:
0x0: {  	(tag) =	ssettag $0x1  }
0x1: {  	s6 =	rddreg [dreg:$0x0]  }
0x2: {  	s2 =	rddreg [dreg:$0x1]  }
0x3: {  	s0 =	rddreg [dreg:$0x2];
	s1 =	stileid.u32  }
0x4: {  	s4 =	srdreg.scid;
	s3 =	simm.s32 $0x0;
	s14 =	simm.s32 $0x100  }
0x5: {  	s15 =	simm.s32 $0x1;
	s16 =	simm.s32 $0x0;
	s5 =	smul.u32 $0xA00, s1  }
0x6: {  	s7 =	sand.u32 $0x1, s4;
	s8 =	smul.u32 $0x2800, s1;
	[smem:$0x7FF] =	sst s3  }
0x7: {  	s4 =	sadd.s32 $0x44200, s6;
	s29 =	smul.u32 $0x50000, s1;
	s31 =	sshll.u32 s1, $0x6  }
0x8: {  	s9 =	smul.u32 $0x28000, s7;
	_ =	strace $0x8000004D;
	s30 =	ssub.s32 $0x2, s7  }
0x9: {  	s12 =	smul.u32 $0x500, s7;
	s10 =	sadd.s32 s5, s6;
	s5 =	sadd.s32 $0x41A00, s6  }
0xa: {  	s11 =	sshrl.u32 s30, $0x1;
	s8 =	sadd.s32 s8, s9;
	s9 =	sshrl.u32 s29, $0x2  }
0xb: {  	s11 =	ssub.s32 s30, s11;
	s10 =	sadd.s32 s12, s10;
	s12 =	simm.s32 $0x2  }
0xc: {  	s8 =	sadd.s32 s8, s6;
	s13 =	sadd.s32 s9, s2;
	s6 =	sor.u32 $0x1C02, s31  }
0xd: {  	s9 =	sadd.s32 $0xFA00, s10;
	s10 =	sadd.s32 $0x5A00, s10;
	s7 =	sadd.s32 $0xA8200, s8  }
0xe: {  	s8 =	smax.u32 s11, $0x1;
	s11 =	sshrl.u32 s13, $0x3;
	s13 =	simm.s32 $0x80  }
.LBB2_1:
0xf: {  	[spmem:s11], [sflag:s6] =	dma.local [hbm:s5], $0x2800  }
0x10: {  	_ =	swait.ge [sflag:s12], $0x2800  }
0x11: {  	[sflag:s12] =	ssyncset.done $0x0  }
0x12: {  	[sflag:s12] =	ssyncadd.s32 $0xFFFFD800  }
0x13: {  	s17 =	sadd.s32 $0x0, s10;
	[bflag:$0x0] =	sbarrier.arrive $0xFFFF  }
0x14: {  	[tilespmem:s3], [sflag:$0x2] =	stream.linear.gather [hbm4b:s17+s3], $0x80, $0x38;
	[tilespmem:$0x18100] =	vst v63  }
0x15: {  	_ =	swait.ge [sflag:s12], $0x80  }
0x16: {  	[sflag:s12] =	ssyncset.done $0x0  }
0x17: {  	s31 =	sadd.s32 $0x0, s9;
	[sflag:s12] =	ssyncadd.s32 $0xFFFFFF80  }
0x18: {  	[tilespmem:s13], [sflag:$0x2] =	stream.linear.gather [hbm4b:s31+s3], $0x80, $0x38;
	[tilespmem:$0x18100] =	vst v63  }
0x19: {  	_ =	swait.ge [sflag:s12], $0x80  }
0x1a: {  	[sflag:s12] =	ssyncset.done $0x0  }
0x1b: {  	[sflag:s12] =	ssyncadd.s32 $0xFFFFFF80  }
0x1c: {  	[tilespmem:s14], [sflag:$0x1] =	stream.indirect.gather [hbm4b:s4+s13], $0x80, s3, s13, $0xb8;
	[tilespmem:$0x18100] =	vst v63  }
0x1d: {  	_ =	swait.ge [sflag:s15], $0x4000  }
0x1e: {  	[sflag:s15] =	ssyncset.done $0x0  }
0x1f: {  	[sflag:s15] =	ssyncadd.s32 $0xFFFFC000  }
0x20: {  	[spmem:s2] =	stream.indirect.scatter.add.f32 [tilespmem:s14], [sflag:$0x2], $0x80, s13, s13, $0xb8;
	[tilespmem:$0x18100] =	vst v63  }
0x21: {  	_ =	swait.ge [sflag:s12], $0x4000  }
0x22: {  	s18 =	simm.s32 $0x20;
	s17 =	simm.s32 $0x10;
	[sflag:s12] =	ssyncset.done $0x0  }
.LBB2_2:
0x23: {  	s19 =	sadd.s32 s17, s10  }
0x24: {  	[sflag:s12] =	ssyncadd.s32 $0xFFFFC000;
	s20 =	smov.u32 s18;
	s21 =	sadd.s32 $0x10, s18  }
0x25: {  	[tilespmem:s3], [sflag:$0x2] =	stream.linear.gather [hbm4b:s19+s3], $0x80, $0x38;
	[tilespmem:$0x18100] =	vst v63  }
0x26: {  	p0 =	sne.s32 s18, $0x4F0;
	_ =	swait.ge [sflag:s12], $0x80  }
0x27: {  	[sflag:s12] =	ssyncset.done $0x0  }
0x28: {  	s18 =	sadd.s32 s17, s9;
	s17 =	smov.u32 s20;
	[sflag:s12] =	ssyncadd.s32 $0xFFFFFF80  }
0x29: {  	[tilespmem:s13], [sflag:$0x2] =	stream.linear.gather [hbm4b:s18+s3], $0x80, $0x38;
	[tilespmem:$0x18100] =	vst v63  }
0x2a: {  	_ =	swait.ge [sflag:s12], $0x80  }
0x2b: {  	[sflag:s12] =	ssyncset.done $0x0  }
0x2c: {  	[sflag:s12] =	ssyncadd.s32 $0xFFFFFF80  }
0x2d: {  	[tilespmem:s14], [sflag:$0x1] =	stream.indirect.gather [hbm4b:s4+s13], $0x80, s3, s13, $0xb8;
	[tilespmem:$0x18100] =	vst v63  }
0x2e: {  	_ =	swait.ge [sflag:s15], $0x4000  }
.Ltmp0:
0x2f: {  	[sflag:s15] =	ssyncset.done $0x0;
	(pc) =	sbr.rel @p0 .LBB2_2-.Ltmp0, $4  }
0x30: {  	[sflag:s15] =	ssyncadd.s32 $0xFFFFC000  }
0x31: {  	[spmem:s2] =	stream.indirect.scatter.add.f32 [tilespmem:s14], [sflag:$0x2], $0x80, s13, s13, $0xb8;
	[tilespmem:$0x18100] =	vst v63  }
0x32: {  	_ =	swait.ge [sflag:s12], $0x4000  }
0x33: {  	s18 =	smov.u32 s21;
	[sflag:s12] =	ssyncset.done $0x0  }
0x34: {  	s18 =	sadd.s32 s17, s10;
	[sflag:s12] =	ssyncadd.s32 $0xFFFFC000  }
0x35: {  	[tilespmem:s3], [sflag:$0x2] =	stream.linear.gather [hbm4b:s18+s3], $0x80, $0x38;
	[tilespmem:$0x18100] =	vst v63  }
0x36: {  	_ =	swait.ge [sflag:s12], $0x80  }
0x37: {  	[sflag:s12] =	ssyncset.done $0x0  }
0x38: {  	s31 =	sadd.s32 s17, s9;
	[sflag:s12] =	ssyncadd.s32 $0xFFFFFF80  }
0x39: {  	[tilespmem:s13], [sflag:$0x2] =	stream.linear.gather [hbm4b:s31+s3], $0x80, $0x38;
	[tilespmem:$0x18100] =	vst v63  }
0x3a: {  	_ =	swait.ge [sflag:s12], $0x80  }
0x3b: {  	[sflag:s12] =	ssyncset.done $0x0  }
0x3c: {  	[sflag:s12] =	ssyncadd.s32 $0xFFFFFF80  }
0x3d: {  	[tilespmem:s14], [sflag:$0x1] =	stream.indirect.gather [hbm4b:s4+s13], $0x80, s3, s13, $0xb8;
	[tilespmem:$0x18100] =	vst v63  }
0x3e: {  	_ =	swait.ge [sflag:s15], $0x4000  }
0x3f: {  	[sflag:s15] =	ssyncset.done $0x0  }
0x40: {  	[sflag:s15] =	ssyncadd.s32 $0xFFFFC000  }
0x41: {  	[spmem:s2] =	stream.indirect.scatter.add.f32 [tilespmem:s14], [sflag:$0x2], $0x80, s13, s13, $0xb8;
	[tilespmem:$0x18100] =	vst v63  }
0x42: {  	_ =	swait.ge [sflag:s12], $0x4000  }
0x43: {  	s16 =	sadd.s32 $0x1, s16;
	[sflag:s12] =	ssyncset.done $0x0  }
0x44: {  	p0 =	sne.s32 s16, s8;
	[sflag:s12] =	ssyncadd.s32 $0xFFFFC000  }
.Ltmp1:
0x45: {  	[bflag:$0x0] =	sbarrier.arrive $0xFFFF;
	(pc) =	sbr.rel @p0 .LBB2_1-.Ltmp1, $4  }
0x46: {  	[hbm:s7], [sflag:s6] =	dma.local [spmem:s11], $0x2800  }
0x47: {  	_ =	swait.ge [sflag:s12], $0x2800  }
0x48: {  	[sflag:s12] =	ssyncset.done $0x0  }
0x49: {  	[sflag:s12] =	ssyncadd.s32 $0xFFFFD800  }
0x4a: {  	_ =	sfence.sel $0x180000  }
0x4b: {  	[bflag:$0x0] =	sbarrier.arrive $0xFFFF  }
0x4c: {  	p0 =	sne.s32 s1, $0x0;
	_ =	strace $0x9000004D  }
0x4d: {  	s0 =	sadd.s32 @!p0 $0x100000, s0;
	[bflag:$0x2] =	sbarrier.arrive $0xFFFF  }
0x4e: {  	[sflag:s0] =	ssyncadd.tile.s32 @!p0 $0x1;
	_ =	shalt  }
.Lfunc_end2:
_tile_overlayer_lowered:
.L_overlay_start_2:
0x4f: {  	(tag) =	ssettag $0x2  }
0x50: {  	s0 =	rddreg [dreg:$0x0];
	s2 =	stileid.u32  }
0x51: {  	s1 =	rddreg [dreg:$0x1];
	p0 =	sne.s32 s2, $0x0  }
0x52: {  	s3 =	rddreg [dreg:$0x2];
	[bflag:$0x3] =	sbarrier.arrive $0xFFFF;
	s2 =	simm.s32 @!p0 $0x1C02  }
0x53: {  	[timem:s3], [sflag:s2] =	dma.local @!p0 [hbm:s0], s1  }
0x54: {  	s0 =	simm.s32 @!p0 $0x2  }
0x55: {  	_ =	swait.ge @!p0 [sflag:s0], s1  }
0x56: {  	s1 =	ssub.s32 @!p0 $0x0, s1;
	[sflag:s0] =	ssyncset.done @!p0 $0x0  }
0x57: {  	[sflag:s0] =	ssyncadd.s32 @!p0 s1  }
0x58: {  	[bflag:$0x3] =	sbarrier.arrive $0xFFFF  }
0x59: {  	_ =	shalt  }

// kernel: kernel.23.cloned.1.call-start
scs
__scs_entry_jumppad:
0x0: {  	(pc) =	sbr.rel $0x88, $3  }
0x1: {  	(tag) =	ssettag $0x0;
	lr =	simm.s32 $0x1  }
0x2: {  	[smem:$0x3F84] =	sst lr;
	_ =	strace $0xD0000000  }
0x3: {  	_ = 	snop  }
0x4: {  	_ = 	snop  }
0x5: {  	_ = 	snop  }
0x6: {  	_ = 	snop  }
0x7: {  	_ = 	snop  }
__scs_overlays_trampoline_lowered:
0x8: {  	[smem:$0x3F93] =	sst s0  }
0x9: {  	[smem:$0x3F94] =	sst s1  }
0xa: {  	[smem:$0x3F95] =	sst s2  }
0xb: {  	[smem:$0x3F96] =	sst s3  }
0xc: {  	[smem:$0x3F97] =	sst s4  }
0xd: {  	[smem:$0x3F98] =	sst s5  }
0xe: {  	[smem:$0x3F99] =	sst s6  }
0xf: {  	[smem:$0x3F9A] =	sst s7  }
0x10: {  	[smem:$0x3F9B] =	sst s8  }
0x11: {  	[smem:$0x3F9C] =	sst s9;
	s0 =	simm.s32 @!p0 $0x0  }
0x12: {  	s1 =	sld [smem:$0x3F82];
	s0 =	simm.s32 @p0 $0x1  }
0x13: {  	[smem:$0x3F9D] =	sst s0;
	s0 =	simm.s32 @!p1 $0x0  }
0x14: {  	s2 =	sld [smem:$0x3F81];
	s0 =	simm.s32 @p1 $0x1  }
0x15: {  	[smem:$0x3F9E] =	sst s0;
	s0 =	simm.s32 @!p2 $0x0  }
0x16: {  	s3 =	sld [smem:$0x3FDB];
	s0 =	simm.s32 @p2 $0x1  }
0x17: {  	s4 =	simm.s32 $0x1BF5;
	[smem:$0x3FA0] =	sst s0  }
0x18: {  	s0 =	sld [smem:$0x3F83];
	_ =	swait.ge [sflag:s4], $0x0  }
0x19: {  	s7 =	sld [smem:$0x3F84]  }
0x1a: {  	s8 =	sadd.s32 $0xFFFFE003, lr  }
0x1b: {  	s9 =	sadd.s32 $0xFFFFFEF7, lr;
	s5 =	simm.s32 $0xFFFFFFFF;
	p2 =	slt.u32 s8, $0xFFFFF086  }
0x1c: {  	p1 =	slt.u32 s9, $0xF7A;
	s5 =	simm.s32 @!p2 $0x0  }
0x1d: {  	s5 =	simm.s32 @p1 $0x1;
	p0 =	seq.s32 s7, s2  }
0x1e: {  	s7 =	smul.u32 @!p0 $0xF7A, s2;
	p2 =	seq.s32 @!p0 s5, $0x0  }
0x1f: {  	s9 =	smul.u32 $0xF7A, s1;
	s8 =	simm.s32 @!p0 $0x1BF5;
	p2 =	por !p2, p0  }
0x20: {  	[sflag:s8] =	ssyncset.s32 @!p0 $0xFFFFF086;
	s6 =	sadd.s32 @!p0 s3, s7;
	s7 =	simm.s32 @!p0 $0x108  }
0x21: {  	s3 =	sadd.s32 s3, s9;
	s6 =	sadd.s32 @!p0 $0x88, s6;
	s7 =	simm.s32 @p2 $0x1082  }
0x22: {  	[simem:s7], [sflag:s8] =	dma.local @!p0 [hbm:s6], $0xF7A  }
0x23: {  	s9 =	sor.u32 $0xD0000000, s2;
	s6 =	simm.s32 $0x108;
	_ =	swait.ge @!p0 [sflag:s8], $0x0  }
0x24: {  	s3 =	sadd.s32 $0x88, s3;
	s6 =	simm.s32 @!p1 $0x1082;
	[sflag:s4] =	ssyncset.s32 $0xFFFFF086  }
0x25: {  	[simem:s6], [sflag:s4] =	dma.local [hbm:s3], $0xF7A  }
0x26: {  	[smem:$0x3F84] =	sst s1;
	(tag) =	ssettag s2;
	_ =	strace s9  }
0x27: {  	s1 =	sld [smem:$0x3F94]  }
0x28: {  	s2 =	sld [smem:$0x3F95]  }
0x29: {  	s4 =	sld [smem:$0x3F97]  }
0x2a: {  	p0 =	seq.s32 s5, $0x0;
	s5 =	sld [smem:$0x3F98]  }
0x2b: {  	s6 =	sld [smem:$0x3F99]  }
0x2c: {  	s7 =	sld [smem:$0x3F9A]  }
0x2d: {  	s3 =	simm.s32 $0x108;
	s8 =	sld [smem:$0x3F9B]  }
0x2e: {  	s3 =	simm.s32 @!p0 $0x1082;
	s9 =	sld [smem:$0x3F9C]  }
0x2f: {  	lr =	sadd.s32 s0, s3;
	s0 =	sld [smem:$0x3F93]  }
0x30: {  	s3 =	sld [smem:$0x3F96]  }
0x31: {  	[smem:$0x3F9F] =	sst s10  }
0x32: {  	s10 =	sld [smem:$0x3F9D];
	_ =	sdelay $0x3  }
0x33: {  	p0 =	seq.s32 s10, $0x1;
	s10 =	sld [smem:$0x3F9F];
	_ =	sdelay $0x3  }
0x34: {  	[smem:$0x3F9F] =	sst s10  }
0x35: {  	s10 =	sld [smem:$0x3F9E];
	_ =	sdelay $0x3  }
0x36: {  	p1 =	seq.s32 s10, $0x1;
	s10 =	sld [smem:$0x3F9F];
	_ =	sdelay $0x3  }
0x37: {  	[smem:$0x3F9F] =	sst s10  }
0x38: {  	s10 =	sld [smem:$0x3FA0]  }
0x39: {  	_ = 	snop;
	(pc) =	sbr.ind lr, $3  }
0x3a: {  	_ = 	snop  }
0x3b: {  	_ = 	snop  }
0x3c: {  	p2 =	seq.s32 s10, $0x1;
	s10 =	sld [smem:$0x3F9F]  }
0x3d: {  	_ =	shalt  }
0x3e: {  	_ =	shalt  }
0x3f: {  	_ =	shalt  }
0x40: {  	_ =	shalt  }
0x41: {  	_ =	shalt  }
0x42: {  	_ =	shalt  }
0x43: {  	_ =	shalt  }
0x44: {  	_ =	shalt  }
0x45: {  	_ =	shalt  }
0x46: {  	_ =	shalt  }
0x47: {  	_ =	shalt  }
0x48: {  	_ =	shalt  }
0x49: {  	_ =	shalt  }
0x4a: {  	_ =	shalt  }
0x4b: {  	_ =	shalt  }
0x4c: {  	_ =	shalt  }
0x4d: {  	_ =	shalt  }
0x4e: {  	_ =	shalt  }
0x4f: {  	_ =	shalt  }
0x50: {  	_ =	shalt  }
0x51: {  	_ =	shalt  }
0x52: {  	_ =	shalt  }
0x53: {  	_ =	shalt  }
0x54: {  	_ =	shalt  }
0x55: {  	_ =	shalt  }
0x56: {  	_ =	shalt  }
0x57: {  	_ =	shalt  }
0x58: {  	_ =	shalt  }
0x59: {  	_ =	shalt  }
0x5a: {  	_ =	shalt  }
0x5b: {  	_ =	shalt  }
0x5c: {  	_ =	shalt  }
0x5d: {  	_ =	shalt  }
0x5e: {  	_ =	shalt  }
0x5f: {  	_ =	shalt  }
0x60: {  	_ =	shalt  }
0x61: {  	_ =	shalt  }
0x62: {  	_ =	shalt  }
0x63: {  	_ =	shalt  }
0x64: {  	_ =	shalt  }
0x65: {  	_ =	shalt  }
0x66: {  	_ =	shalt  }
0x67: {  	_ =	shalt  }
0x68: {  	_ =	shalt  }
0x69: {  	_ =	shalt  }
0x6a: {  	_ =	shalt  }
0x6b: {  	_ =	shalt  }
0x6c: {  	_ =	shalt  }
0x6d: {  	_ =	shalt  }
0x6e: {  	_ =	shalt  }
0x6f: {  	_ =	shalt  }
0x70: {  	_ =	shalt  }
0x71: {  	_ =	shalt  }
0x72: {  	_ =	shalt  }
0x73: {  	_ =	shalt  }
0x74: {  	_ =	shalt  }
0x75: {  	_ =	shalt  }
0x76: {  	_ =	shalt  }
0x77: {  	_ =	shalt  }
0x78: {  	_ =	shalt  }
0x79: {  	_ =	shalt  }
0x7a: {  	_ =	shalt  }
0x7b: {  	_ =	shalt  }
0x7c: {  	_ =	shalt  }
0x7d: {  	_ =	shalt  }
0x7e: {  	_ =	shalt  }
0x7f: {  	_ =	shalt  }
0x80: {  	_ =	shalt  }
0x81: {  	_ =	shalt  }
0x82: {  	_ =	shalt  }
0x83: {  	_ =	shalt  }
0x84: {  	_ =	shalt  }
0x85: {  	_ =	shalt  }
0x86: {  	_ =	shalt  }
0x87: {  	_ =	shalt  }
.Lfunc_end0:
.L_simem_size_0:
called_computation.3_lowered:
.L_overlay_start_0:
0x88: {  	s2 =	sld [smem:$0x3FD9]  }
0x89: {  	s3 =	sld [smem:$0x3FFE];
	_ =	sdelay $0x1  }
0x8a: {  	s1 =	srdreg.scid  }
0x8b: {  	s0 =	sand.u32 $0x1, s1  }
0x8c: {  	s16 =	sshll.u32 s0, $0xA;
	s2 =	sadd.s32 s3, s2  }
0x8d: {  	s2 =	sadd.s32 s2, s16  }
0x8e: {  	[smem:$0x3FAB] =	sst s2  }
0x8f: {  	_ = 	snop  }
0x90: {  	(tm) =	ssettm $0x1  }
0x91: {  	s17 =	sld [smem:$0x3FFB];
	_ =	sdelay $0x3  }
0x92: {  	_ =	strace s17  }
0x93: {  	s2 =	sld [smem:$0x3FFC];
	_ =	sdelay $0x3  }
0x94: {  	_ =	strace s2  }
0x95: {  	s2 =	sld [smem:$0x3FFD];
	_ =	sdelay $0x3  }
0x96: {  	_ =	strace s2  }
0x97: {  	_ =	strace $0x8FFFFFFF  }
0x98: {  	s18 =	sld [smem:$0x3FDB];
	_ =	sdelay $0x1  }
0x99: {  	s19 =	simm.s32 $_scs_section_size  }
0x9a: {  	s4 =	simm.s32 $_size__tile_overlayer_lowered;
	s5 =	simm.s32 $_tile_overlayer_lowered  }
0x9b: {  	s22 =	simm.s32 $0x1BFF;
	s21 =	sshll.u32 s5, $0x1;
	s2 =	sadd.s32 s19, s18  }
0x9c: {  	s6 =	simm.s32 $0x0;
	s20 =	sshll.u32 s4, $0x1;
	s4 =	sadd.s32 s21, s2  }
0x9d: {  	[timem:s6], [sflag:s22] =	dma.local [hbm:s4], s20  }
0x9e: {  	_ =	swait.ge [sflag:s22], s20  }
0x9f: {  	s3 =	ssub.s32 $0x0, s20;
	[sflag:s22] =	ssyncset.done $0x0  }
0xa0: {  	[sflag:s22] =	ssyncadd.s32 s3;
	_ =	sdelay $0x1  }
0xa1: {  	s23 =	simm.s32 $0x1B8B  }
0xa2: {  	_ =	swait.ge [sflag:s23], $0x1  }
0xa3: {  	[sflag:s23] =	ssyncset.done $0x0  }
0xa4: {  	s25 =	simm.s32 $0x1B8E;
	s24 =	sld [smem:$0x3FFE];
	[sflag:s23] =	ssyncadd.s32 $0xFFFFFFFF  }
0xa5: {  	s26 =	simm.s32 $execute0_lowered;
	[smem:$0x3FD2] =	sst s25  }
0xa6: {  	s4 =	sshll.u32 s26, $0x1;
	_ =	strace $0x8000004F;
	[dreg:$0x1] =	wrdreg $0xFFFFFFFF  }
0xa7: {  	s28 =	simm.s32 $_size_execute0_lowered;
	s2 =	sadd.s32 s2, s4;
	[dreg:$0x0] =	wrdreg $0x0  }
0xa8: {  	s4 =	sshll.u32 s28, $0x1;
	[dreg:$0x2] =	wrdreg s2  }
0xa9: {  	[dreg:$0x3] =	wrdreg s4  }
0xaa: {  	[dreg:$0x4] =	wrdreg $0xC0  }
0xab: {  	_ =	task [dreg:s6], $0x5FFFF  }
0xac: {  	[dreg:$0x1] =	wrdreg $0xFFFFFFFF  }
0xad: {  	[dreg:$0x0] =	wrdreg $0x60  }
0xae: {  	[dreg:$0x2] =	wrdreg s24  }
0xaf: {  	[dreg:$0x3] =	wrdreg $0x51000  }
0xb0: {  	[dreg:$0x4] =	wrdreg $0x9  }
0xb1: {  	_ =	task.clear_ibuf [dreg:s6], $0x5FFFF;
	_ =	strace $0x9000004F  }
0xb2: {  	s29 =	simm.s32 $0x9;
	_ =	strace $0x80000051  }
0xb3: {  	_ =	swait.ge [sflag:s29], $0x1  }
0xb4: {  	[sflag:s29] =	ssyncadd.s32 $0xFFFFFFFF  }
0xb5: {  	_ =	strace $0x90000051  }
0xb6: {  	_ =	sfence  }
0xb7: {  	s30 =	sld [smem:$0x0];
	_ =	sdelay $0x2  }
0xb8: {  	s31 =	sshll.u32 s1, $0xD;
	s1 =	sshrl.u32 s1, $0x2  }
0xb9: {  	s3 =	sand.u32 $0x4000, s31;
	s1 =	sadd.s32 s1, s30  }
0xba: {  	s0 =	sor.u32 s3, s0;
	s1 =	sshll.u32 s1, $0x11  }
0xbb: {  	s0 =	sor.u32 s1, s0  }
0xbc: {  	s0 =	sadd.s32 $0x8F2B, s0  }
0xbd: {  	[sflag:s0] =	ssyncadd.remote.s32 $0x1  }
0xbe: {  	_ =	sfence.sel $0xFFFF  }
0xbf: {  	[dreg:$0x0] =	wrdreg $0xFFFFFFFF;
	(pc) =	sbr.abs _section_cstart, $3  }
0xc0: {  	[dreg:$0x1] =	wrdreg $0xFFFFFFFF  }
0xc1: {  	_ =	task.clear_ibuf [dreg:s6], $0x2FFFF;
	_ =	strace $0x9FFFFFFF  }
0xc2: {  	(tm) =	ssettm $0x7FFFFFFF  }
0xc3: {  	_ =	shalt  }
tec
execute0_lowered:
.L_overlay_start_1:
0x0: {  	(tag) =	ssettag $0x1  }
0x1: {  	s1 =	srdreg.scid;
	s6 =	rddreg [dreg:$0x0]  }
0x2: {  	s0 =	stileid.u32;
	s2 =	rddreg [dreg:$0x1];
	s3 =	simm.s32 $0x0  }
0x3: {  	s12 =	simm.s32 $0x80;
	s13 =	simm.s32 $0x5000;
	s14 =	simm.s32 $0x5080  }
0x4: {  	s15 =	simm.s32 $0x1;
	s16 =	simm.s32 $0x2;
	s17 =	simm.s32 $0x4E00  }
0x5: {  	s18 =	simm.s32 $0x2700;
	s19 =	simm.s32 $0x4E80;
	s20 =	simm.s32 $0x2780  }
0x6: {  	s21 =	simm.s32 $0x4F00;
	s22 =	simm.s32 $0x4F80;
	s23 =	simm.s32 $0x20  }
0x7: {  	s24 =	simm.s32 $0x10;
	s25 =	simm.s32 $0x0;
	s5 =	sand.u32 $0x1, s1  }
0x8: {  	s26 =	sshll.u32 s0, $0x1;
	s1 =	rddreg [dreg:$0x2];
	s8 =	smul.u32 $0x500, s0  }
0x9: {  	[smem:$0x7FF] =	sst s3;
	s10 =	smul.u32 $0xA00, s0;
	s31 =	sshll.u32 s0, $0x6  }
0xa: {  	s4 =	sor.u32 s5, s26;
	_ =	strace $0x80000050;
	s9 =	sshll.u32 s5, $0x7  }
0xb: {  	s28 =	ssub.s32 $0x2, s5;
	s5 =	sadd.s32 $0x1A000, s6;
	s7 =	smul.u32 $0xA00, s4  }
0xc: {  	s4 =	sadd.s32 $0x5A00, s6;
	s8 =	sor.u32 s9, s8;
	s29 =	sshrl.u32 s28, $0x1  }
0xd: {  	s30 =	sshrl.u32 s10, $0x2;
	s10 =	sor.u32 $0x1C03, s31;
	s8 =	sshrl.u32 s8, $0x3  }
0xe: {  	s9 =	ssub.s32 s28, s29;
	s11 =	sadd.s32 s30, s2;
	s7 =	sadd.s32 s7, s6  }
0xf: {  	s8 =	sadd.s32 s8, s6;
	s11 =	sshrl.u32 s11, $0x3;
	s6 =	sadd.s32 $0x94200, s7  }
0x10: {  	s7 =	sadd.s32 $0x6000, s8;
	s8 =	smax.u32 s9, $0x1;
	s9 =	simm.s32 $0x3  }
.LBB2_1:
0x11: {  	[tilespmem:s3], [sflag:$0x3] =	stream.linear.gather [hbm4b:s6+s3], $0x5000, $0x38;
	[tilespmem:$0x5380] =	vst v63  }
0x12: {  	_ =	swait.ge [sflag:s9], $0x5000  }
0x13: {  	[sflag:s9] =	ssyncset.done $0x0  }
0x14: {  	[sflag:s9] =	ssyncadd.s32 $0xFFFFB000  }
0x15: {  	[spmem:s11], [sflag:s10] =	dma.local [hbm:s5], $0x50  }
0x16: {  	_ =	swait.ge [sflag:s9], $0x50  }
0x17: {  	[sflag:s9] =	ssyncset.done $0x0  }
0x18: {  	[sflag:s9] =	ssyncadd.s32 $0xFFFFFFB0  }
0x19: {  	[tilespmem:s13], [sflag:$0x1] =	stream.indirect.gather [hbm4b:s4+s12], $0x1, s3, s12, $0xb8;
	[tilespmem:$0x5380] =	vst v63  }
0x1a: {  	_ = 	snop  }
0x1b: {  	[tilespmem:s14], [sflag:$0x2] =	stream.indirect.gather [hbm4b:s4+s12], $0x1, s12, s12, $0xb8;
	[tilespmem:$0x5380] =	vst v63  }
0x1c: {  	[bflag:$0x0] =	sbarrier.arrive $0xFFFF  }
0x1d: {  	_ =	swait.ge [sflag:s15], $0x80  }
0x1e: {  	[sflag:s15] =	ssyncset.done $0x0  }
0x1f: {  	s26 =	simm.s32 $0x2800;
	[sflag:s15] =	ssyncadd.s32 $0xFFFFFF80  }
0x20: {  	[spmem:s2] =	stream.indirect.scatter.add.f32 [tilespmem:s13], [sflag:$0x3], $0x1, s26, s12, $0xb8;
	[tilespmem:$0x5380] =	vst v63  }
0x21: {  	_ =	swait.ge [sflag:s9], $0x80  }
0x22: {  	[sflag:s9] =	ssyncset.done $0x0  }
0x23: {  	s30 =	simm.s32 $0x100;
	[sflag:s9] =	ssyncadd.s32 $0xFFFFFF80  }
0x24: {  	[tilespmem:s13], [sflag:$0x1] =	stream.indirect.gather [hbm4b:s4+s12], $0x1, s30, s12, $0xb8;
	[tilespmem:$0x5380] =	vst v63  }
0x25: {  	_ =	swait.ge [sflag:s16], $0x80  }
0x26: {  	[sflag:s16] =	ssyncset.done $0x0  }
0x27: {  	s31 =	simm.s32 $0x2880;
	[sflag:s16] =	ssyncadd.s32 $0xFFFFFF80  }
0x28: {  	[spmem:s2] =	stream.indirect.scatter.add.f32 [tilespmem:s14], [sflag:$0x3], $0x1, s31, s12, $0xb8;
	[tilespmem:$0x5380] =	vst v63  }
0x29: {  	_ =	swait.ge [sflag:s9], $0x80  }
0x2a: {  	[sflag:s9] =	ssyncset.done $0x0  }
0x2b: {  	s28 =	simm.s32 $0x180;
	s26 =	simm.s32 $0xA00;
	[sflag:s9] =	ssyncadd.s32 $0xFFFFFF80  }
.LBB2_2:
0x2c: {  	[tilespmem:s14], [sflag:$0x2] =	stream.indirect.gather [hbm4b:s4+s12], $0x1, s28, s12, $0xb8;
	[tilespmem:$0x5380] =	vst v63  }
0x2d: {  	s28 =	smov.u32 s26  }
0x2e: {  	p0 =	sne.s32 s26, $0x9A00;
	s26 =	sadd.s32 $0x400, s26;
	_ =	swait.ge [sflag:s15], $0x80  }
0x2f: {  	s28 =	sshra.s32 s28, $0x2;
	[sflag:s15] =	ssyncset.done $0x0  }
0x30: {  	s29 =	sadd.s32 $0x2680, s28;
	[sflag:s15] =	ssyncadd.s32 $0xFFFFFF80  }
0x31: {  	[spmem:s2] =	stream.indirect.scatter.add.f32 [tilespmem:s13], [sflag:$0x3], $0x1, s29, s12, $0xb8;
	[tilespmem:$0x5380] =	vst v63  }
0x32: {  	_ =	swait.ge [sflag:s9], $0x80  }
0x33: {  	[sflag:s9] =	ssyncset.done $0x0  }
0x34: {  	s29 =	sadd.s32 $0xFFFFFF80, s28;
	[sflag:s9] =	ssyncadd.s32 $0xFFFFFF80  }
0x35: {  	[tilespmem:s13], [sflag:$0x1] =	stream.indirect.gather [hbm4b:s4+s12], $0x1, s29, s12, $0xb8;
	[tilespmem:$0x5380] =	vst v63  }
0x36: {  	_ =	swait.ge [sflag:s16], $0x80  }
0x37: {  	[sflag:s16] =	ssyncset.done $0x0  }
.Ltmp0:
0x38: {  	s29 =	sadd.s32 $0x2700, s28;
	[sflag:s16] =	ssyncadd.s32 $0xFFFFFF80;
	(pc) =	sbr.rel @p0 .LBB2_2-.Ltmp0, $4  }
0x39: {  	[spmem:s2] =	stream.indirect.scatter.add.f32 [tilespmem:s14], [sflag:$0x3], $0x1, s29, s12, $0xb8;
	[tilespmem:$0x5380] =	vst v63  }
0x3a: {  	_ =	swait.ge [sflag:s9], $0x80  }
0x3b: {  	[sflag:s9] =	ssyncset.done $0x0  }
0x3c: {  	[sflag:s9] =	ssyncadd.s32 $0xFFFFFF80  }
0x3d: {  	[tilespmem:s14], [sflag:$0x2] =	stream.indirect.gather [hbm4b:s4+s12], $0x1, s28, s12, $0xb8;
	[tilespmem:$0x5380] =	vst v63  }
0x3e: {  	_ =	swait.ge [sflag:s15], $0x80  }
0x3f: {  	[sflag:s15] =	ssyncset.done $0x0  }
0x40: {  	[sflag:s15] =	ssyncadd.s32 $0xFFFFFF80  }
0x41: {  	[spmem:s2] =	stream.indirect.scatter.add.f32 [tilespmem:s13], [sflag:$0x3], $0x1, s17, s12, $0xb8;
	[tilespmem:$0x5380] =	vst v63  }
0x42: {  	_ =	swait.ge [sflag:s9], $0x80  }
0x43: {  	[sflag:s9] =	ssyncset.done $0x0  }
0x44: {  	[sflag:s9] =	ssyncadd.s32 $0xFFFFFF80  }
0x45: {  	[tilespmem:s13], [sflag:$0x1] =	stream.indirect.gather [hbm4b:s4+s12], $0x1, s18, s12, $0xb8;
	[tilespmem:$0x5380] =	vst v63  }
0x46: {  	_ =	swait.ge [sflag:s16], $0x80  }
0x47: {  	[sflag:s16] =	ssyncset.done $0x0  }
0x48: {  	[sflag:s16] =	ssyncadd.s32 $0xFFFFFF80  }
0x49: {  	[spmem:s2] =	stream.indirect.scatter.add.f32 [tilespmem:s14], [sflag:$0x3], $0x1, s19, s12, $0xb8;
	[tilespmem:$0x5380] =	vst v63  }
0x4a: {  	_ =	swait.ge [sflag:s9], $0x80  }
0x4b: {  	[sflag:s9] =	ssyncset.done $0x0  }
0x4c: {  	[sflag:s9] =	ssyncadd.s32 $0xFFFFFF80  }
0x4d: {  	[tilespmem:s14], [sflag:$0x2] =	stream.indirect.gather [hbm4b:s4+s12], $0x1, s20, s12, $0xb8;
	[tilespmem:$0x5380] =	vst v63  }
0x4e: {  	_ =	swait.ge [sflag:s15], $0x80  }
0x4f: {  	[sflag:s15] =	ssyncset.done $0x0  }
0x50: {  	[sflag:s15] =	ssyncadd.s32 $0xFFFFFF80  }
0x51: {  	[spmem:s2] =	stream.indirect.scatter.add.f32 [tilespmem:s13], [sflag:$0x3], $0x1, s21, s12, $0xb8;
	[tilespmem:$0x5380] =	vst v63  }
0x52: {  	_ =	swait.ge [sflag:s9], $0x80  }
0x53: {  	[sflag:s9] =	ssyncset.done $0x0  }
0x54: {  	[sflag:s9] =	ssyncadd.s32 $0xFFFFFF80  }
0x55: {  	[tilespmem:s13], [sflag:$0x1] =	stream.indirect.gather [hbm4b:s4+s12], $0x1, s20, s12, $0xb8;
	[tilespmem:$0x5380] =	vst v63  }
0x56: {  	_ =	swait.ge [sflag:s16], $0x80  }
0x57: {  	[sflag:s16] =	ssyncset.done $0x0  }
0x58: {  	[sflag:s16] =	ssyncadd.s32 $0xFFFFFF80  }
0x59: {  	[spmem:s2] =	stream.indirect.scatter.add.f32 [tilespmem:s14], [sflag:$0x3], $0x1, s22, s12, $0xb8;
	[tilespmem:$0x5380] =	vst v63  }
0x5a: {  	_ =	swait.ge [sflag:s9], $0x80  }
0x5b: {  	[sflag:s9] =	ssyncset.done $0x0  }
0x5c: {  	[sflag:s9] =	ssyncadd.s32 $0xFFFFFF80  }
0x5d: {  	[tilespmem:s14], [sflag:$0x2] =	stream.indirect.gather [hbm4b:s4+s12], $0x1, s20, s12, $0xb8;
	[tilespmem:$0x5380] =	vst v63  }
0x5e: {  	_ =	swait.ge [sflag:s15], $0x80  }
0x5f: {  	[sflag:s15] =	ssyncset.done $0x0  }
0x60: {  	[sflag:s15] =	ssyncadd.s32 $0xFFFFFF80  }
0x61: {  	_ =	swait.ge [sflag:s16], $0x80  }
0x62: {  	s25 =	sadd.s32 $0x1, s25;
	[sflag:s16] =	ssyncset.done $0x0  }
0x63: {  	p0 =	sne.s32 s25, s8;
	[sflag:s16] =	ssyncadd.s32 $0xFFFFFF80  }
.Ltmp1:
0x64: {  	[bflag:$0x0] =	sbarrier.arrive $0xFFFF;
	(pc) =	sbr.rel @p0 .LBB2_1-.Ltmp1, $4  }
0x65: {  	[hbm:s7@s23], [sflag:s10] =	dma.strided [spmem:s11@s24], $0x50, s15, $0x10   }
0x66: {  	_ =	swait.ge [sflag:s9], $0x50  }
0x67: {  	[sflag:s9] =	ssyncset.done $0x0  }
0x68: {  	[sflag:s9] =	ssyncadd.s32 $0xFFFFFFB0  }
0x69: {  	_ =	sfence.sel $0x180000  }
0x6a: {  	[bflag:$0x0] =	sbarrier.arrive $0xFFFF  }
0x6b: {  	p0 =	sne.s32 s0, $0x0;
	_ =	strace $0x90000050  }
0x6c: {  	s0 =	sadd.s32 @!p0 $0x100000, s1;
	[bflag:$0x2] =	sbarrier.arrive $0xFFFF  }
0x6d: {  	[sflag:s0] =	ssyncadd.tile.s32 @!p0 $0x1;
	_ =	shalt  }
.Lfunc_end2:
_tile_overlayer_lowered:
.L_overlay_start_2:
0x6e: {  	(tag) =	ssettag $0x2  }
0x6f: {  	s0 =	rddreg [dreg:$0x0];
	s2 =	stileid.u32  }
0x70: {  	s1 =	rddreg [dreg:$0x1];
	p0 =	sne.s32 s2, $0x0  }
0x71: {  	s3 =	rddreg [dreg:$0x2];
	[bflag:$0x3] =	sbarrier.arrive $0xFFFF;
	s2 =	simm.s32 @!p0 $0x1C03  }
0x72: {  	[timem:s3], [sflag:s2] =	dma.local @!p0 [hbm:s0], s1  }
0x73: {  	s0 =	simm.s32 @!p0 $0x3  }
0x74: {  	_ =	swait.ge @!p0 [sflag:s0], s1  }
0x75: {  	s1 =	ssub.s32 @!p0 $0x0, s1;
	[sflag:s0] =	ssyncset.done @!p0 $0x0  }
0x76: {  	[sflag:s0] =	ssyncadd.s32 @!p0 s1  }
0x77: {  	[bflag:$0x3] =	sbarrier.arrive $0xFFFF  }
0x78: {  	_ =	shalt  }

</sc_bundles>
